<compile_context>
chip_gen: v7x
topology: tpu7x:2x2x1
jax: 0.10.2.dev20260603
libtpu: 0.0.44.dev20260713+nightly
codegen_flags: <defaults>
</compile_context>

<pallas_src>
import functools

import jax
import jax.numpy as jnp
from jax import lax
from jax.experimental import pallas as pl
from jax.experimental.pallas import tpu as pltpu
from jax.experimental.pallas import tpu_sc as plsc

NC = 2
NS = 16
NW = NC * NS
CH = 128
FEAT = 128

N_NODES = 10000
N_P = 10112
TRASH = N_NODES
DEG_PAD = 10240
ROWS_PER_TILE = N_P // NS



@functools.cache
def _sc_degree(k_chunks):
    mesh = plsc.VectorSubcoreMesh(core_axis_name="c", subcore_axis_name="s")

    def body(z_hbm, ones_hbm, dst_hbm, deg_out, onesb, dstt, acc):
        c = lax.axis_index("c")
        s = lax.axis_index("s")
        w = c * NS + s

        @pl.when(s == 0)
        def _():
            pltpu.sync_copy(z_hbm, acc)
        pltpu.sync_copy(ones_hbm, onesb)
        pltpu.sync_copy(dst_hbm.at[w], dstt)
        plsc.subcore_barrier()

        def step(j, carry):
            pltpu.sync_copy(onesb, acc.at[dstt.at[j]], add=True)
            return carry

        lax.fori_loop(0, k_chunks, step, 0)
        plsc.subcore_barrier()

        @pl.when(s == 0)
        def _():
            pltpu.sync_copy(acc, deg_out.at[c])

    return pl.kernel(
        body,
        out_type=jax.ShapeDtypeStruct((NC, DEG_PAD), jnp.float32),
        mesh=mesh,
        scratch_types=[
            pltpu.VMEM((CH,), jnp.float32),
            pltpu.VMEM((k_chunks, CH), jnp.int32),
            pltpu.VMEM_SHARED((DEG_PAD,), jnp.float32),
        ],
    )


NBUF = 2
RING = 8


@functools.cache
def _sc_edges(k_chunks):
    assert k_chunks % NBUF == 0 and k_chunks >= 2 * NBUF
    mesh = plsc.VectorSubcoreMesh(core_axis_name="c", subcore_axis_name="s")

    def body(hp_hbm, comb_hbm, out_hbm, combt, ring_s, ring_d, acc, gsem,
             ssem, *msgs):
        c = lax.axis_index("c")
        s = lax.axis_index("s")
        w = c * NS + s
        row0 = pl.multiple_of(s * ROWS_PER_TILE, 8)

        def unpack_src(j, b):
            for k in range(CH // 16):
                v = combt[j, pl.ds(k * 16, 16)]
                ring_s[b, pl.ds(k * 16, 16)] = v & 0xFFFF

        def unpack_dst(j, b):
            for k in range(CH // 16):
                v = combt[j, pl.ds(k * 16, 16)]
                ring_d[b, pl.ds(k * 16, 16)] = lax.shift_right_logical(v, 16)

        pltpu.sync_copy(comb_hbm.at[w], combt)
        for b in range(NBUF):
            unpack_src(b, b)
            pltpu.async_copy(hp_hbm.at[ring_s.at[b]], msgs[b], gsem)
        pltpu.sync_copy(hp_hbm.at[pl.ds(row0, ROWS_PER_TILE)],
                        acc.at[pl.ds(row0, ROWS_PER_TILE)])
        plsc.subcore_barrier()

        def group(jj, carry):
            j0 = jj * NBUF
            for b in range(NBUF):
                j = j0 + b
                pltpu.make_async_copy(
                    hp_hbm.at[ring_s.at[b]], msgs[b], gsem).wait()
                unpack_dst(j, b)
                pltpu.async_copy(msgs[b], acc.at[ring_d.at[b]], ssem,
                                 add=True)
            for b in range(NBUF):
                j = j0 + b
                pltpu.make_async_copy(
                    msgs[b], acc.at[ring_d.at[b]], ssem).wait()
                nj = j + NBUF

                @pl.when(nj < k_chunks)
                def _():
                    unpack_src(nj, b)
                    pltpu.async_copy(hp_hbm.at[ring_s.at[b]], msgs[b], gsem)
            return carry

        lax.fori_loop(0, k_chunks // NBUF, group, 0)
        plsc.subcore_barrier()

        pltpu.sync_copy(acc.at[pl.ds(row0, ROWS_PER_TILE)],
                        out_hbm.at[c].at[pl.ds(row0, ROWS_PER_TILE)])

    return pl.kernel(
        body,
        out_type=jax.ShapeDtypeStruct((NC, N_P, FEAT), jnp.float32),
        mesh=mesh,
        scratch_types=[
            pltpu.VMEM((k_chunks, CH), jnp.int32),
            pltpu.VMEM((NBUF, CH), jnp.int32),
            pltpu.VMEM((NBUF, CH), jnp.int32),
            pltpu.VMEM_SHARED((N_P, FEAT), jnp.float32),
            pltpu.SemaphoreType.DMA,
            pltpu.SemaphoreType.DMA,
        ] + [pltpu.VMEM((CH, FEAT), jnp.float32) for _ in range(NBUF)],
    )



def _valid_mask(shape):
    rows = lax.broadcasted_iota(jnp.int32, shape, 0)
    return rows < N_NODES


def _tc_pre_body(degt_ref, x_ref, w1_ref, hp_ref, dinv_ref):
    deg = degt_ref[0] + degt_ref[1] + 1.0
    dinv = lax.rsqrt(deg)
    dinv_ref[...] = dinv
    h = jnp.dot(x_ref[...], w1_ref[...], preferred_element_type=jnp.float32)
    hp_ref[...] = h * dinv


def _graph_norm_leaky(z, g, be, a):
    valid = _valid_mask(z.shape)
    zm = jnp.where(valid, z, 0.0)
    mean = jnp.sum(zm, axis=0, keepdims=True) / N_NODES
    xc = z - a * mean
    xcm = jnp.where(valid, xc, 0.0)
    var = jnp.sum(xcm * xcm, axis=0, keepdims=True) / N_NODES
    y = g * xc * lax.rsqrt(var + 1e-5) + be
    y = jnp.where(y >= 0, y, 0.01 * y)
    return jnp.where(valid, y, 0.0)


def _tc_mid_body(dinv_ref, p_ref, hp_ref, b_ref, g_ref, be_ref, a_ref, w2_ref,
                 hp2_ref):
    dinv = dinv_ref[...]
    z = (p_ref[0] + p_ref[1] - hp_ref[...]) * dinv + b_ref[...]
    y = _graph_norm_leaky(z, g_ref[...], be_ref[...], a_ref[...])
    hp2_ref[...] = jnp.dot(y, w2_ref[...],
                           preferred_element_type=jnp.float32) * dinv


def _tc_post_body(dinv_ref, p_ref, hp_ref, b_ref, g_ref, be_ref, a_ref,
                  wm1_ref, bm1_ref, wm2_ref, bm2_ref, wm3_ref, bm3_ref,
                  out_ref):
    dinv = dinv_ref[...]
    z = (p_ref[0] + p_ref[1] - hp_ref[...]) * dinv + b_ref[...]
    y = _graph_norm_leaky(z, g_ref[...], be_ref[...], a_ref[...])
    h1 = jnp.dot(y, wm1_ref[...], preferred_element_type=jnp.float32)
    h1 = jnp.maximum(h1 + bm1_ref[...], 0.0)
    h2 = jnp.dot(h1, wm2_ref[...], preferred_element_type=jnp.float32)
    h2 = jnp.maximum(h2 + bm2_ref[...], 0.0)
    h3 = jnp.dot(h2, wm3_ref[...], preferred_element_type=jnp.float32)
    out_ref[...] = (h3 + bm3_ref[...])[:N_NODES]



def _pad2(m, rows, cols):
    return jnp.pad(m, ((0, rows - m.shape[0]), (0, cols - m.shape[1])))


def _padrow(v, cols):
    return jnp.pad(v.reshape(1, -1), ((0, 0), (0, cols - v.shape[0])))


def kernel(x, edge_index, W1, b1, g1, be1, a1, W2, b2, g2, be2, a2,
           Wm1, bm1, Wm2, bm2, Wm3, bm3):
    n, d_in = x.shape
    e = edge_index.shape[1]
    k_chunks = -(-e // (NW * CH))
    k_chunks += (-k_chunks) % NBUF
    e_pad = NW * k_chunks * CH

    src = edge_index[0]
    dst = edge_index[1]
    pad = e_pad - e
    src_p = jnp.concatenate(
        [src, jnp.zeros((pad,), jnp.int32)]).reshape(NW, k_chunks, CH)
    dst_p = jnp.concatenate(
        [dst, jnp.full((pad,), TRASH, jnp.int32)]).reshape(NW, k_chunks, CH)
    xp = jnp.pad(x, ((0, N_P - n), (0, 0)))

    comb = src_p | (dst_p << 16)

    deg_parts = _sc_degree(k_chunks)(
        jnp.zeros((DEG_PAD,), jnp.float32), jnp.ones((CH,), jnp.float32),
        dst_p)
    degt = deg_parts[:, :N_P].reshape(NC, N_P, 1)

    w1p = _pad2(W1, d_in, FEAT)
    w2p = _pad2(W2, FEAT, FEAT)
    wm1p = _pad2(Wm1, FEAT, Wm1.shape[1])

    hp1, dinv = pl.pallas_call(
        _tc_pre_body,
        out_shape=(jax.ShapeDtypeStruct((N_P, FEAT), jnp.float32),
                   jax.ShapeDtypeStruct((N_P, 1), jnp.float32)),
    )(degt, xp, w1p)

    p1 = _sc_edges(k_chunks)(hp1, comb)

    hp2 = pl.pallas_call(
        _tc_mid_body,
        out_shape=jax.ShapeDtypeStruct((N_P, FEAT), jnp.float32),
    )(dinv, p1, hp1, _padrow(b1, FEAT), _padrow(g1, FEAT),
      _padrow(be1, FEAT), _padrow(a1, FEAT), w2p)

    p2 = _sc_edges(k_chunks)(hp2, comb)

    out = pl.pallas_call(
        _tc_post_body,
        out_shape=jax.ShapeDtypeStruct((n, 1), jnp.float32),
    )(dinv, p2, hp2, _padrow(b2, FEAT), _padrow(g2, FEAT),
      _padrow(be2, FEAT), _padrow(a2, FEAT),
      wm1p, bm1.reshape(1, -1), Wm2, bm2.reshape(1, -1),
      Wm3, bm3.reshape(1, -1))

    return out

# --- scband reference (transcript-rebuilt; emitter-appended) ---
"""Pipeline reference for scband-gcnregressor-21758304321635 (READ-ONLY COPY).

The authoritative reference and input builder live on the scoring server;
editing this copy changes nothing except your own understanding.
"""

import jax, jax.numpy as jnp
import numpy as np

N = 10000
E = 320000
D_IN = 128
H = 64


def _gcn_conv(x, src, dst, W, b):
    n = x.shape[0]
    loop = jnp.arange(n, dtype=src.dtype)
    s = jnp.concatenate([src, loop])
    d = jnp.concatenate([dst, loop])
    deg = jnp.zeros((n,), dtype=x.dtype).at[d].add(1.0)
    dinv = jnp.where(deg > 0, deg ** -0.5, 0.0)
    norm = dinv[s] * dinv[d]
    h = x @ W
    msg = h[s] * norm[:, None]
    out = jnp.zeros((n, W.shape[1]), dtype=x.dtype).at[d].add(msg)
    return out + b


def _graph_norm(x, gamma, beta, alpha, eps=1e-5):
    mean = jnp.mean(x, axis=0, keepdims=True)
    xc = x - alpha * mean
    var = jnp.mean(xc * xc, axis=0, keepdims=True)
    return gamma * xc / jnp.sqrt(var + eps) + beta


def setup_inputs(seed: int = 0):
    key = jax.random.key(seed)
    ks = jax.random.split(key, 8)
    x = jax.random.normal(ks[0], (N, D_IN), dtype=jnp.float32)
    edge_index = jax.random.randint(ks[1], (2, E), 0, N, dtype=jnp.int32)

    def lin(k, fin, fout):
        return jax.random.normal(k, (fin, fout), dtype=jnp.float32) / np.sqrt(fin)

    params = {
        "W1": lin(ks[2], D_IN, H), "b1": jnp.zeros((H,), jnp.float32),
        "g1": jnp.ones((H,), jnp.float32), "be1": jnp.zeros((H,), jnp.float32), "a1": jnp.ones((H,), jnp.float32),
        "W2": lin(ks[3], H, H), "b2": jnp.zeros((H,), jnp.float32),
        "g2": jnp.ones((H,), jnp.float32), "be2": jnp.zeros((H,), jnp.float32), "a2": jnp.ones((H,), jnp.float32),
        "Wm1": lin(ks[4], H, H // 2), "bm1": jnp.zeros((H // 2,), jnp.float32),
        "Wm2": lin(ks[5], H // 2, H // 4), "bm2": jnp.zeros((H // 4,), jnp.float32),
        "Wm3": lin(ks[6], H // 4, 1), "bm3": jnp.zeros((1,), jnp.float32),
    }
    return {"x": x, "edge_index": edge_index, **params}


def reference(x, edge_index, W1, b1, g1, be1, a1, W2, b2, g2, be2, a2, Wm1, bm1, Wm2, bm2, Wm3, bm3):
    src, dst = edge_index[0], edge_index[1]
    h = _gcn_conv(x, src, dst, W1, b1)
    h = _graph_norm(h, g1, be1, a1)
    h = jax.nn.leaky_relu(h, 0.01)
    h = _gcn_conv(h, src, dst, W2, b2)
    h = _graph_norm(h, g2, be2, a2)
    h = jax.nn.leaky_relu(h, 0.01)
    h = jax.nn.relu(h @ Wm1 + bm1)
    h = jax.nn.relu(h @ Wm2 + bm2)
    return h @ Wm3 + bm3

if __name__ == "__main__":
    import jax
    _d = setup_inputs()
    print(jax.jit(kernel)(*tuple(_d.values())))

</pallas_src>

<mosaic_0001>
#map = affine_map<(d0, d1) -> (0)>
#map1 = affine_map<(d0, d1) -> (0, 0, 0)>
#map2 = affine_map<(d0, d1) -> (0, 0)>
module attributes {stable_mosaic.version = 14 : i64} {
  func.func @body(%arg0: i32, %arg1: i32, %arg2: memref<10240xf32, #tpu.memory_space<hbm>>, %arg3: memref<128xf32, #tpu.memory_space<hbm>>, %arg4: memref<32x80x128xi32, #tpu.memory_space<hbm>>, %arg5: memref<2x10240xf32, #tpu.memory_space<hbm>>, %arg6: memref<128xf32, #tpu.memory_space<vmem>>, %arg7: memref<80x128xi32, #tpu.memory_space<vmem>>, %arg8: memref<10240xf32, #tpu.memory_space<vmem_shared>>) attributes {dimension_semantics = [#tpu.dimension_semantics<core_parallel>, #tpu.dimension_semantics<subcore_parallel>], iteration_bounds = array<i64: 2, 16>, scalar_prefetch = 0 : i64, scratch_operands = 3 : i64, tpu.core_type = #tpu.core_type<sc_vector_subcore>, window_params = [{transform_indices = #map}, {transform_indices = #map}, {transform_indices = #map1}, {transform_indices = #map2}]} {
    %mul3A = arith.constant 16 : i32
    %mul3A_0 = arith.muli %arg0, %mul3A : i32
    %add3A = arith.addi %mul3A_0, %arg1 : i32
    %eq3A = arith.constant 0 : i32
    %eq3A_1 = arith.cmpi eq, %arg1, %eq3A : i32
    %convert_element_type3A = arith.extui %eq3A_1 : i1 to i32
    %cond3A = arith.constant 0 : i32
    %cond3A_2 = arith.cmpi ne, %convert_element_type3A, %cond3A : i32
    scf.if %cond3A_2 {
      "tpu.region"() ({
        %run_scoped3A = tpu.sem_alloc : memref<!tpu.dma_semaphore, #tpu.memory_space<semaphore_mem>>
        tpu.enqueue_dma source(%arg2 : memref<10240xf32, #tpu.memory_space<hbm>>) target(%arg8 : memref<10240xf32, #tpu.memory_space<vmem_shared>>) target_semaphore(%run_scoped3A : memref<!tpu.dma_semaphore, #tpu.memory_space<semaphore_mem>>)
        tpu.wait_dma2 semaphore(%run_scoped3A : memref<!tpu.dma_semaphore, #tpu.memory_space<semaphore_mem>>) src(%arg2 : memref<10240xf32, #tpu.memory_space<hbm>>) dst(%arg8 : memref<10240xf32, #tpu.memory_space<vmem_shared>>)
        tpu.yield
      }) : () -> ()
    } else {
    }
    "tpu.region"() ({
      %run_scoped3A = tpu.sem_alloc : memref<!tpu.dma_semaphore, #tpu.memory_space<semaphore_mem>>
      tpu.enqueue_dma source(%arg3 : memref<128xf32, #tpu.memory_space<hbm>>) target(%arg6 : memref<128xf32, #tpu.memory_space<vmem>>) target_semaphore(%run_scoped3A : memref<!tpu.dma_semaphore, #tpu.memory_space<semaphore_mem>>)
      tpu.wait_dma2 semaphore(%run_scoped3A : memref<!tpu.dma_semaphore, #tpu.memory_space<semaphore_mem>>) src(%arg3 : memref<128xf32, #tpu.memory_space<hbm>>) dst(%arg6 : memref<128xf32, #tpu.memory_space<vmem>>)
      tpu.yield
    }) : () -> ()
    "tpu.region"() ({
      %run_scoped3A = tpu.sem_alloc : memref<!tpu.dma_semaphore, #tpu.memory_space<semaphore_mem>>
      %dma_start3A = arith.constant 0 : i32
      %dma_start3A_14 = arith.constant 0 : i32
      %dma_start3A_15 = tpu.memref_slice %arg4[%add3A, %dma_start3A, %dma_start3A_14] : memref<32x80x128xi32, #tpu.memory_space<hbm>> -> memref<1x80x128xi32, #tpu.memory_space<hbm>>
      %dma_start3A_16 = tpu.memref_squeeze %dma_start3A_15 : memref<1x80x128xi32, #tpu.memory_space<hbm>> -> memref<80x128xi32, #tpu.memory_space<hbm>>
      %dma_start3A_17 = arith.constant 0 : i32
      %dma_start3A_18 = arith.constant 0 : i32
      %dma_start3A_19 = tpu.memref_slice %arg4[%add3A, %dma_start3A_17, %dma_start3A_18] : memref<32x80x128xi32, #tpu.memory_space<hbm>> -> memref<1x80x128xi32, #tpu.memory_space<hbm>>
      %dma_start3A_20 = tpu.memref_squeeze %dma_start3A_19 : memref<1x80x128xi32, #tpu.memory_space<hbm>> -> memref<80x128xi32, #tpu.memory_space<hbm>>
      tpu.enqueue_dma source(%dma_start3A_20 : memref<80x128xi32, #tpu.memory_space<hbm>>) target(%arg7 : memref<80x128xi32, #tpu.memory_space<vmem>>) target_semaphore(%run_scoped3A : memref<!tpu.dma_semaphore, #tpu.memory_space<semaphore_mem>>)
      %dma_wait3A = arith.constant 0 : i32
      %dma_wait3A_21 = arith.constant 0 : i32
      %dma_wait3A_22 = tpu.memref_slice %arg4[%add3A, %dma_wait3A, %dma_wait3A_21] : memref<32x80x128xi32, #tpu.memory_space<hbm>> -> memref<1x80x128xi32, #tpu.memory_space<hbm>>
      %dma_wait3A_23 = tpu.memref_squeeze %dma_wait3A_22 : memref<1x80x128xi32, #tpu.memory_space<hbm>> -> memref<80x128xi32, #tpu.memory_space<hbm>>
      %dma_wait3A_24 = arith.constant 0 : i32
      %dma_wait3A_25 = arith.constant 0 : i32
      %dma_wait3A_26 = tpu.memref_slice %arg4[%add3A, %dma_wait3A_24, %dma_wait3A_25] : memref<32x80x128xi32, #tpu.memory_space<hbm>> -> memref<1x80x128xi32, #tpu.memory_space<hbm>>
      %dma_wait3A_27 = tpu.memref_squeeze %dma_wait3A_26 : memref<1x80x128xi32, #tpu.memory_space<hbm>> -> memref<80x128xi32, #tpu.memory_space<hbm>>
      tpu.wait_dma2 semaphore(%run_scoped3A : memref<!tpu.dma_semaphore, #tpu.memory_space<semaphore_mem>>) src(%dma_wait3A_27 : memref<80x128xi32, #tpu.memory_space<hbm>>) dst(%arg7 : memref<80x128xi32, #tpu.memory_space<vmem>>)
      tpu.yield
    }) : () -> ()
    %barrier3A = arith.constant 0 : index
    tpu.barrier barrier_id(%barrier3A)
    %scan3A = arith.constant 0 : i32
    %scan3A_3 = arith.constant 0 : i32
    %scan3A_4 = arith.constant 80 : i32
    %scan3A_5 = arith.addi %scan3A_3, %scan3A_4 : i32
    %scan3A_6 = arith.constant 1 : i32
    scf.for %scan3A_14 = %scan3A_3 to %scan3A_5 step %scan3A_6  : i32 {
      "tpu.region"() ({
        %run_scoped3A = tpu.sem_alloc : memref<!tpu.dma_semaphore, #tpu.memory_space<semaphore_mem>>
        %dma_start3A = arith.constant 0 : i32
        %dma_start3A_15 = tpu.memref_slice %arg7[%scan3A_14, %dma_start3A] : memref<80x128xi32, #tpu.memory_space<vmem>> -> memref<1x128xi32, #tpu.memory_space<vmem>>
        %dma_start3A_16 = tpu.memref_squeeze %dma_start3A_15 : memref<1x128xi32, #tpu.memory_space<vmem>> -> memref<128xi32, #tpu.memory_space<vmem>>
        %dma_start3A_17 = arith.constant 0 : i32
        %dma_start3A_18 = tpu.memref_slice %arg8[%dma_start3A_17] : memref<10240xf32, #tpu.memory_space<vmem_shared>> -> memref<10240xf32, #tpu.memory_space<vmem_shared>>
        tpu.enqueue_indirect_dma source(%arg6 : memref<128xf32, #tpu.memory_space<vmem>>) target(%dma_start3A_18 : memref<10240xf32, #tpu.memory_space<vmem_shared>>) offsets(%dma_start3A_16 : memref<128xi32, #tpu.memory_space<vmem>>) semaphore(%run_scoped3A : memref<!tpu.dma_semaphore, #tpu.memory_space<semaphore_mem>>) {add = true}
        %dma_wait3A = arith.constant 0 : i32
        %dma_wait3A_19 = tpu.memref_slice %arg7[%scan3A_14, %dma_wait3A] : memref<80x128xi32, #tpu.memory_space<vmem>> -> memref<1x128xi32, #tpu.memory_space<vmem>>
        %dma_wait3A_20 = tpu.memref_squeeze %dma_wait3A_19 : memref<1x128xi32, #tpu.memory_space<vmem>> -> memref<128xi32, #tpu.memory_space<vmem>>
        %dma_wait3A_21 = arith.constant 0 : i32
        %dma_wait3A_22 = tpu.memref_slice %arg8[%dma_wait3A_21] : memref<10240xf32, #tpu.memory_space<vmem_shared>> -> memref<10240xf32, #tpu.memory_space<vmem_shared>>
        tpu.wait_indirect_dma semaphore(%run_scoped3A : memref<!tpu.dma_semaphore, #tpu.memory_space<semaphore_mem>>) src(%arg6 : memref<128xf32, #tpu.memory_space<vmem>>) dst(%dma_wait3A_22 : memref<10240xf32, #tpu.memory_space<vmem_shared>>)
        tpu.yield
      }) : () -> ()
    }
    %scan3A_7 = arith.constant 80 : i32
    %barrier3A_8 = arith.constant 0 : index
    tpu.barrier barrier_id(%barrier3A_8)
    %eq3A_9 = arith.constant 0 : i32
    %eq3A_10 = arith.cmpi eq, %arg1, %eq3A_9 : i32
    %convert_element_type3A_11 = arith.extui %eq3A_10 : i1 to i32
    %cond3A_12 = arith.constant 0 : i32
    %cond3A_13 = arith.cmpi ne, %convert_element_type3A_11, %cond3A_12 : i32
    scf.if %cond3A_13 {
      "tpu.region"() ({
        %run_scoped3A = tpu.sem_alloc : memref<!tpu.dma_semaphore, #tpu.memory_space<semaphore_mem>>
        %dma_start3A = arith.constant 0 : i32
        %dma_start3A_14 = tpu.memref_slice %arg5[%arg0, %dma_start3A] : memref<2x10240xf32, #tpu.memory_space<hbm>> -> memref<1x10240xf32, #tpu.memory_space<hbm>>
        %dma_start3A_15 = tpu.memref_squeeze %dma_start3A_14 : memref<1x10240xf32, #tpu.memory_space<hbm>> -> memref<10240xf32, #tpu.memory_space<hbm>>
        tpu.enqueue_dma source(%arg8 : memref<10240xf32, #tpu.memory_space<vmem_shared>>) target(%dma_start3A_15 : memref<10240xf32, #tpu.memory_space<hbm>>) target_semaphore(%run_scoped3A : memref<!tpu.dma_semaphore, #tpu.memory_space<semaphore_mem>>)
        %dma_wait3A = arith.constant 0 : i32
        %dma_wait3A_16 = tpu.memref_slice %arg5[%arg0, %dma_wait3A] : memref<2x10240xf32, #tpu.memory_space<hbm>> -> memref<1x10240xf32, #tpu.memory_space<hbm>>
        %dma_wait3A_17 = tpu.memref_squeeze %dma_wait3A_16 : memref<1x10240xf32, #tpu.memory_space<hbm>> -> memref<10240xf32, #tpu.memory_space<hbm>>
        tpu.wait_dma2 semaphore(%run_scoped3A : memref<!tpu.dma_semaphore, #tpu.memory_space<semaphore_mem>>) src(%arg8 : memref<10240xf32, #tpu.memory_space<vmem_shared>>) dst(%dma_wait3A_17 : memref<10240xf32, #tpu.memory_space<hbm>>)
        tpu.yield
      }) : () -> ()
    } else {
    }
    return
  }
}

#map = affine_map<(d0, d1) -> (0, 0)>
#map1 = affine_map<(d0, d1) -> (0, 0, 0)>
module attributes {stable_mosaic.version = 14 : i64} {
  func.func @body(%arg0: i32, %arg1: i32, %arg2: memref<10112x128xf32, #tpu.memory_space<hbm>>, %arg3: memref<32x80x128xi32, #tpu.memory_space<hbm>>, %arg4: memref<2x10112x128xf32, #tpu.memory_space<hbm>>, %arg5: memref<80x128xi32, #tpu.memory_space<vmem>>, %arg6: memref<2x128xi32, #tpu.memory_space<vmem>>, %arg7: memref<2x128xi32, #tpu.memory_space<vmem>>, %arg8: memref<10112x128xf32, #tpu.memory_space<vmem_shared>>, %arg9: memref<!tpu.dma_semaphore, #tpu.memory_space<semaphore_mem>>, %arg10: memref<!tpu.dma_semaphore, #tpu.memory_space<semaphore_mem>>, %arg11: memref<128x128xf32, #tpu.memory_space<vmem>>, %arg12: memref<128x128xf32, #tpu.memory_space<vmem>>) attributes {dimension_semantics = [#tpu.dimension_semantics<core_parallel>, #tpu.dimension_semantics<subcore_parallel>], iteration_bounds = array<i64: 2, 16>, scalar_prefetch = 0 : i64, scratch_operands = 8 : i64, tpu.core_type = #tpu.core_type<sc_vector_subcore>, window_params = [{transform_indices = #map}, {transform_indices = #map1}, {transform_indices = #map1}]} {
    %mul3A = arith.constant 16 : i32
    %mul3A_0 = arith.muli %arg0, %mul3A : i32
    %add3A = arith.addi %mul3A_0, %arg1 : i32
    %mul3A_1 = arith.constant 632 : i32
    %mul3A_2 = arith.muli %arg1, %mul3A_1 : i32
    %multiple_of3A = tpu.assume_multiple %mul3A_2, 8 : i32
    "tpu.region"() ({
      %run_scoped3A = tpu.sem_alloc : memref<!tpu.dma_semaphore, #tpu.memory_space<semaphore_mem>>
      %dma_start3A_243 = arith.constant 0 : i32
      %dma_start3A_244 = arith.constant 0 : i32
      %dma_start3A_245 = tpu.memref_slice %arg3[%add3A, %dma_start3A_243, %dma_start3A_244] : memref<32x80x128xi32, #tpu.memory_space<hbm>> -> memref<1x80x128xi32, #tpu.memory_space<hbm>>
      %dma_start3A_246 = tpu.memref_squeeze %dma_start3A_245 : memref<1x80x128xi32, #tpu.memory_space<hbm>> -> memref<80x128xi32, #tpu.memory_space<hbm>>
      %dma_start3A_247 = arith.constant 0 : i32
      %dma_start3A_248 = arith.constant 0 : i32
      %dma_start3A_249 = tpu.memref_slice %arg3[%add3A, %dma_start3A_247, %dma_start3A_248] : memref<32x80x128xi32, #tpu.memory_space<hbm>> -> memref<1x80x128xi32, #tpu.memory_space<hbm>>
      %dma_start3A_250 = tpu.memref_squeeze %dma_start3A_249 : memref<1x80x128xi32, #tpu.memory_space<hbm>> -> memref<80x128xi32, #tpu.memory_space<hbm>>
      tpu.enqueue_dma source(%dma_start3A_250 : memref<80x128xi32, #tpu.memory_space<hbm>>) target(%arg5 : memref<80x128xi32, #tpu.memory_space<vmem>>) target_semaphore(%run_scoped3A : memref<!tpu.dma_semaphore, #tpu.memory_space<semaphore_mem>>)
      %dma_wait3A = arith.constant 0 : i32
      %dma_wait3A_251 = arith.constant 0 : i32
      %dma_wait3A_252 = tpu.memref_slice %arg3[%add3A, %dma_wait3A, %dma_wait3A_251] : memref<32x80x128xi32, #tpu.memory_space<hbm>> -> memref<1x80x128xi32, #tpu.memory_space<hbm>>
      %dma_wait3A_253 = tpu.memref_squeeze %dma_wait3A_252 : memref<1x80x128xi32, #tpu.memory_space<hbm>> -> memref<80x128xi32, #tpu.memory_space<hbm>>
      %dma_wait3A_254 = arith.constant 0 : i32
      %dma_wait3A_255 = arith.constant 0 : i32
      %dma_wait3A_256 = tpu.memref_slice %arg3[%add3A, %dma_wait3A_254, %dma_wait3A_255] : memref<32x80x128xi32, #tpu.memory_space<hbm>> -> memref<1x80x128xi32, #tpu.memory_space<hbm>>
      %dma_wait3A_257 = tpu.memref_squeeze %dma_wait3A_256 : memref<1x80x128xi32, #tpu.memory_space<hbm>> -> memref<80x128xi32, #tpu.memory_space<hbm>>
      tpu.wait_dma2 semaphore(%run_scoped3A : memref<!tpu.dma_semaphore, #tpu.memory_space<semaphore_mem>>) src(%dma_wait3A_257 : memref<80x128xi32, #tpu.memory_space<hbm>>) dst(%arg5 : memref<80x128xi32, #tpu.memory_space<vmem>>)
      tpu.yield
    }) : () -> ()
    %get3A = arith.constant 0 : i32
    %get3A_3 = arith.index_cast %get3A : i32 to index
    %get3A_4 = arith.constant 0 : index
    %get3A_5 = tpu.vector_load %arg5[%get3A_3, %get3A_4] {strides = array<i32>} : memref<80x128xi32, #tpu.memory_space<vmem>>, vector<1x16xi32>,
    %get3A_6 = vector.shape_cast %get3A_5 : vector<1x16xi32> to vector<16xi32>
    %and3A = arith.constant 65535 : i32
    %and3A_7 = vector.broadcast %and3A : i32 to vector<16xi32>
    %and3A_8 = arith.andi %get3A_6, %and3A_7 : vector<16xi32>
    %swap3A = arith.constant 0 : i32
    %swap3A_9 = arith.index_cast %swap3A : i32 to index
    %swap3A_10 = arith.constant 0 : index
    %swap3A_11 = tpu.vector_load %arg6[%swap3A_9, %swap3A_10] {strides = array<i32>} : memref<2x128xi32, #tpu.memory_space<vmem>>, vector<1x16xi32>,
    %swap3A_12 = vector.shape_cast %swap3A_11 : vector<1x16xi32> to vector<16xi32>
    %swap3A_13 = vector.shape_cast %and3A_8 : vector<16xi32> to vector<1x16xi32>
    tpu.vector_store %arg6[%swap3A_9, %swap3A_10], %swap3A_13 {strides = array<i32>} : memref<2x128xi32, #tpu.memory_space<vmem>>, vector<1x16xi32>,
    %get3A_14 = arith.constant 0 : i32
    %get3A_15 = arith.index_cast %get3A_14 : i32 to index
    %get3A_16 = arith.constant 16 : index
    %get3A_17 = tpu.vector_load %arg5[%get3A_15, %get3A_16] {strides = array<i32>} : memref<80x128xi32, #tpu.memory_space<vmem>>, vector<1x16xi32>,
    %get3A_18 = vector.shape_cast %get3A_17 : vector<1x16xi32> to vector<16xi32>
    %and3A_19 = arith.constant 65535 : i32
    %and3A_20 = vector.broadcast %and3A_19 : i32 to vector<16xi32>
    %and3A_21 = arith.andi %get3A_18, %and3A_20 : vector<16xi32>
    %swap3A_22 = arith.constant 0 : i32
    %swap3A_23 = arith.index_cast %swap3A_22 : i32 to index
    %swap3A_24 = arith.constant 16 : index
    %swap3A_25 = tpu.vector_load %arg6[%swap3A_23, %swap3A_24] {strides = array<i32>} : memref<2x128xi32, #tpu.memory_space<vmem>>, vector<1x16xi32>,
    %swap3A_26 = vector.shape_cast %swap3A_25 : vector<1x16xi32> to vector<16xi32>
    %swap3A_27 = vector.shape_cast %and3A_21 : vector<16xi32> to vector<1x16xi32>
    tpu.vector_store %arg6[%swap3A_23, %swap3A_24], %swap3A_27 {strides = array<i32>} : memref<2x128xi32, #tpu.memory_space<vmem>>, vector<1x16xi32>,
    %get3A_28 = arith.constant 0 : i32
    %get3A_29 = arith.index_cast %get3A_28 : i32 to index
    %get3A_30 = arith.constant 32 : index
    %get3A_31 = tpu.vector_load %arg5[%get3A_29, %get3A_30] {strides = array<i32>} : memref<80x128xi32, #tpu.memory_space<vmem>>, vector<1x16xi32>,
    %get3A_32 = vector.shape_cast %get3A_31 : vector<1x16xi32> to vector<16xi32>
    %and3A_33 = arith.constant 65535 : i32
    %and3A_34 = vector.broadcast %and3A_33 : i32 to vector<16xi32>
    %and3A_35 = arith.andi %get3A_32, %and3A_34 : vector<16xi32>
    %swap3A_36 = arith.constant 0 : i32
    %swap3A_37 = arith.index_cast %swap3A_36 : i32 to index
    %swap3A_38 = arith.constant 32 : index
    %swap3A_39 = tpu.vector_load %arg6[%swap3A_37, %swap3A_38] {strides = array<i32>} : memref<2x128xi32, #tpu.memory_space<vmem>>, vector<1x16xi32>,
    %swap3A_40 = vector.shape_cast %swap3A_39 : vector<1x16xi32> to vector<16xi32>
    %swap3A_41 = vector.shape_cast %and3A_35 : vector<16xi32> to vector<1x16xi32>
    tpu.vector_store %arg6[%swap3A_37, %swap3A_38], %swap3A_41 {strides = array<i32>} : memref<2x128xi32, #tpu.memory_space<vmem>>, vector<1x16xi32>,
    %get3A_42 = arith.constant 0 : i32
    %get3A_43 = arith.index_cast %get3A_42 : i32 to index
    %get3A_44 = arith.constant 48 : index
    %get3A_45 = tpu.vector_load %arg5[%get3A_43, %get3A_44] {strides = array<i32>} : memref<80x128xi32, #tpu.memory_space<vmem>>, vector<1x16xi32>,
    %get3A_46 = vector.shape_cast %get3A_45 : vector<1x16xi32> to vector<16xi32>
    %and3A_47 = arith.constant 65535 : i32
    %and3A_48 = vector.broadcast %and3A_47 : i32 to vector<16xi32>
    %and3A_49 = arith.andi %get3A_46, %and3A_48 : vector<16xi32>
    %swap3A_50 = arith.constant 0 : i32
    %swap3A_51 = arith.index_cast %swap3A_50 : i32 to index
    %swap3A_52 = arith.constant 48 : index
    %swap3A_53 = tpu.vector_load %arg6[%swap3A_51, %swap3A_52] {strides = array<i32>} : memref<2x128xi32, #tpu.memory_space<vmem>>, vector<1x16xi32>,
    %swap3A_54 = vector.shape_cast %swap3A_53 : vector<1x16xi32> to vector<16xi32>
    %swap3A_55 = vector.shape_cast %and3A_49 : vector<16xi32> to vector<1x16xi32>
    tpu.vector_store %arg6[%swap3A_51, %swap3A_52], %swap3A_55 {strides = array<i32>} : memref<2x128xi32, #tpu.memory_space<vmem>>, vector<1x16xi32>,
    %get3A_56 = arith.constant 0 : i32
    %get3A_57 = arith.index_cast %get3A_56 : i32 to index
    %get3A_58 = arith.constant 64 : index
    %get3A_59 = tpu.vector_load %arg5[%get3A_57, %get3A_58] {strides = array<i32>} : memref<80x128xi32, #tpu.memory_space<vmem>>, vector<1x16xi32>,
    %get3A_60 = vector.shape_cast %get3A_59 : vector<1x16xi32> to vector<16xi32>
    %and3A_61 = arith.constant 65535 : i32
    %and3A_62 = vector.broadcast %and3A_61 : i32 to vector<16xi32>
    %and3A_63 = arith.andi %get3A_60, %and3A_62 : vector<16xi32>
    %swap3A_64 = arith.constant 0 : i32
    %swap3A_65 = arith.index_cast %swap3A_64 : i32 to index
    %swap3A_66 = arith.constant 64 : index
    %swap3A_67 = tpu.vector_load %arg6[%swap3A_65, %swap3A_66] {strides = array<i32>} : memref<2x128xi32, #tpu.memory_space<vmem>>, vector<1x16xi32>,
    %swap3A_68 = vector.shape_cast %swap3A_67 : vector<1x16xi32> to vector<16xi32>
    %swap3A_69 = vector.shape_cast %and3A_63 : vector<16xi32> to vector<1x16xi32>
    tpu.vector_store %arg6[%swap3A_65, %swap3A_66], %swap3A_69 {strides = array<i32>} : memref<2x128xi32, #tpu.memory_space<vmem>>, vector<1x16xi32>,
    %get3A_70 = arith.constant 0 : i32
    %get3A_71 = arith.index_cast %get3A_70 : i32 to index
    %get3A_72 = arith.constant 80 : index
    %get3A_73 = tpu.vector_load %arg5[%get3A_71, %get3A_72] {strides = array<i32>} : memref<80x128xi32, #tpu.memory_space<vmem>>, vector<1x16xi32>,
    %get3A_74 = vector.shape_cast %get3A_73 : vector<1x16xi32> to vector<16xi32>
    %and3A_75 = arith.constant 65535 : i32
    %and3A_76 = vector.broadcast %and3A_75 : i32 to vector<16xi32>
    %and3A_77 = arith.andi %get3A_74, %and3A_76 : vector<16xi32>
    %swap3A_78 = arith.constant 0 : i32
    %swap3A_79 = arith.index_cast %swap3A_78 : i32 to index
    %swap3A_80 = arith.constant 80 : index
    %swap3A_81 = tpu.vector_load %arg6[%swap3A_79, %swap3A_80] {strides = array<i32>} : memref<2x128xi32, #tpu.memory_space<vmem>>, vector<1x16xi32>,
    %swap3A_82 = vector.shape_cast %swap3A_81 : vector<1x16xi32> to vector<16xi32>
    %swap3A_83 = vector.shape_cast %and3A_77 : vector<16xi32> to vector<1x16xi32>
    tpu.vector_store %arg6[%swap3A_79, %swap3A_80], %swap3A_83 {strides = array<i32>} : memref<2x128xi32, #tpu.memory_space<vmem>>, vector<1x16xi32>,
    %get3A_84 = arith.constant 0 : i32
    %get3A_85 = arith.index_cast %get3A_84 : i32 to index
    %get3A_86 = arith.constant 96 : index
    %get3A_87 = tpu.vector_load %arg5[%get3A_85, %get3A_86] {strides = array<i32>} : memref<80x128xi32, #tpu.memory_space<vmem>>, vector<1x16xi32>,
    %get3A_88 = vector.shape_cast %get3A_87 : vector<1x16xi32> to vector<16xi32>
    %and3A_89 = arith.constant 65535 : i32
    %and3A_90 = vector.broadcast %and3A_89 : i32 to vector<16xi32>
    %and3A_91 = arith.andi %get3A_88, %and3A_90 : vector<16xi32>
    %swap3A_92 = arith.constant 0 : i32
    %swap3A_93 = arith.index_cast %swap3A_92 : i32 to index
    %swap3A_94 = arith.constant 96 : index
    %swap3A_95 = tpu.vector_load %arg6[%swap3A_93, %swap3A_94] {strides = array<i32>} : memref<2x128xi32, #tpu.memory_space<vmem>>, vector<1x16xi32>,
    %swap3A_96 = vector.shape_cast %swap3A_95 : vector<1x16xi32> to vector<16xi32>
    %swap3A_97 = vector.shape_cast %and3A_91 : vector<16xi32> to vector<1x16xi32>
    tpu.vector_store %arg6[%swap3A_93, %swap3A_94], %swap3A_97 {strides = array<i32>} : memref<2x128xi32, #tpu.memory_space<vmem>>, vector<1x16xi32>,
    %get3A_98 = arith.constant 0 : i32
    %get3A_99 = arith.index_cast %get3A_98 : i32 to index
    %get3A_100 = arith.constant 112 : index
    %get3A_101 = tpu.vector_load %arg5[%get3A_99, %get3A_100] {strides = array<i32>} : memref<80x128xi32, #tpu.memory_space<vmem>>, vector<1x16xi32>,
    %get3A_102 = vector.shape_cast %get3A_101 : vector<1x16xi32> to vector<16xi32>
    %and3A_103 = arith.constant 65535 : i32
    %and3A_104 = vector.broadcast %and3A_103 : i32 to vector<16xi32>
    %and3A_105 = arith.andi %get3A_102, %and3A_104 : vector<16xi32>
    %swap3A_106 = arith.constant 0 : i32
    %swap3A_107 = arith.index_cast %swap3A_106 : i32 to index
    %swap3A_108 = arith.constant 112 : index
    %swap3A_109 = tpu.vector_load %arg6[%swap3A_107, %swap3A_108] {strides = array<i32>} : memref<2x128xi32, #tpu.memory_space<vmem>>, vector<1x16xi32>,
    %swap3A_110 = vector.shape_cast %swap3A_109 : vector<1x16xi32> to vector<16xi32>
    %swap3A_111 = vector.shape_cast %and3A_105 : vector<16xi32> to vector<1x16xi32>
    tpu.vector_store %arg6[%swap3A_107, %swap3A_108], %swap3A_111 {strides = array<i32>} : memref<2x128xi32, #tpu.memory_space<vmem>>, vector<1x16xi32>,
    %dma_start3A = arith.constant 0 : i32
    %dma_start3A_112 = arith.constant 0 : i32
    %dma_start3A_113 = tpu.memref_slice %arg6[%dma_start3A, %dma_start3A_112] : memref<2x128xi32, #tpu.memory_space<vmem>> -> memref<1x128xi32, #tpu.memory_space<vmem>>
    %dma_start3A_114 = tpu.memref_squeeze %dma_start3A_113 : memref<1x128xi32, #tpu.memory_space<vmem>> -> memref<128xi32, #tpu.memory_space<vmem>>
    %dma_start3A_115 = arith.constant 0 : i32
    %dma_start3A_116 = arith.constant 0 : i32
    %dma_start3A_117 = tpu.memref_slice %arg2[%dma_start3A_115, %dma_start3A_116] : memref<10112x128xf32, #tpu.memory_space<hbm>> -> memref<10112x128xf32, #tpu.memory_space<hbm>>
    tpu.enqueue_indirect_dma source(%dma_start3A_117 : memref<10112x128xf32, #tpu.memory_space<hbm>>) target(%arg11 : memref<128x128xf32, #tpu.memory_space<vmem>>) offsets(%dma_start3A_114 : memref<128xi32, #tpu.memory_space<vmem>>) semaphore(%arg9 : memref<!tpu.dma_semaphore, #tpu.memory_space<semaphore_mem>>)
    %get3A_118 = arith.constant 1 : i32
    %get3A_119 = arith.index_cast %get3A_118 : i32 to index
    %get3A_120 = arith.constant 0 : index
    %get3A_121 = tpu.vector_load %arg5[%get3A_119, %get3A_120] {strides = array<i32>} : memref<80x128xi32, #tpu.memory_space<vmem>>, vector<1x16xi32>,
    %get3A_122 = vector.shape_cast %get3A_121 : vector<1x16xi32> to vector<16xi32>
    %and3A_123 = arith.constant 65535 : i32
    %and3A_124 = vector.broadcast %and3A_123 : i32 to vector<16xi32>
    %and3A_125 = arith.andi %get3A_122, %and3A_124 : vector<16xi32>
    %swap3A_126 = arith.constant 1 : i32
    %swap3A_127 = arith.index_cast %swap3A_126 : i32 to index
    %swap3A_128 = arith.constant 0 : index
    %swap3A_129 = tpu.vector_load %arg6[%swap3A_127, %swap3A_128] {strides = array<i32>} : memref<2x128xi32, #tpu.memory_space<vmem>>, vector<1x16xi32>,
    %swap3A_130 = vector.shape_cast %swap3A_129 : vector<1x16xi32> to vector<16xi32>
    %swap3A_131 = vector.shape_cast %and3A_125 : vector<16xi32> to vector<1x16xi32>
    tpu.vector_store %arg6[%swap3A_127, %swap3A_128], %swap3A_131 {strides = array<i32>} : memref<2x128xi32, #tpu.memory_space<vmem>>, vector<1x16xi32>,
    %get3A_132 = arith.constant 1 : i32
    %get3A_133 = arith.index_cast %get3A_132 : i32 to index
    %get3A_134 = arith.constant 16 : index
    %get3A_135 = tpu.vector_load %arg5[%get3A_133, %get3A_134] {strides = array<i32>} : memref<80x128xi32, #tpu.memory_space<vmem>>, vector<1x16xi32>,
    %get3A_136 = vector.shape_cast %get3A_135 : vector<1x16xi32> to vector<16xi32>
    %and3A_137 = arith.constant 65535 : i32
    %and3A_138 = vector.broadcast %and3A_137 : i32 to vector<16xi32>
    %and3A_139 = arith.andi %get3A_136, %and3A_138 : vector<16xi32>
    %swap3A_140 = arith.constant 1 : i32
    %swap3A_141 = arith.index_cast %swap3A_140 : i32 to index
    %swap3A_142 = arith.constant 16 : index
    %swap3A_143 = tpu.vector_load %arg6[%swap3A_141, %swap3A_142] {strides = array<i32>} : memref<2x128xi32, #tpu.memory_space<vmem>>, vector<1x16xi32>,
    %swap3A_144 = vector.shape_cast %swap3A_143 : vector<1x16xi32> to vector<16xi32>
    %swap3A_145 = vector.shape_cast %and3A_139 : vector<16xi32> to vector<1x16xi32>
    tpu.vector_store %arg6[%swap3A_141, %swap3A_142], %swap3A_145 {strides = array<i32>} : memref<2x128xi32, #tpu.memory_space<vmem>>, vector<1x16xi32>,
    %get3A_146 = arith.constant 1 : i32
    %get3A_147 = arith.index_cast %get3A_146 : i32 to index
    %get3A_148 = arith.constant 32 : index
    %get3A_149 = tpu.vector_load %arg5[%get3A_147, %get3A_148] {strides = array<i32>} : memref<80x128xi32, #tpu.memory_space<vmem>>, vector<1x16xi32>,
    %get3A_150 = vector.shape_cast %get3A_149 : vector<1x16xi32> to vector<16xi32>
    %and3A_151 = arith.constant 65535 : i32
    %and3A_152 = vector.broadcast %and3A_151 : i32 to vector<16xi32>
    %and3A_153 = arith.andi %get3A_150, %and3A_152 : vector<16xi32>
    %swap3A_154 = arith.constant 1 : i32
    %swap3A_155 = arith.index_cast %swap3A_154 : i32 to index
    %swap3A_156 = arith.constant 32 : index
    %swap3A_157 = tpu.vector_load %arg6[%swap3A_155, %swap3A_156] {strides = array<i32>} : memref<2x128xi32, #tpu.memory_space<vmem>>, vector<1x16xi32>,
    %swap3A_158 = vector.shape_cast %swap3A_157 : vector<1x16xi32> to vector<16xi32>
    %swap3A_159 = vector.shape_cast %and3A_153 : vector<16xi32> to vector<1x16xi32>
    tpu.vector_store %arg6[%swap3A_155, %swap3A_156], %swap3A_159 {strides = array<i32>} : memref<2x128xi32, #tpu.memory_space<vmem>>, vector<1x16xi32>,
    %get3A_160 = arith.constant 1 : i32
    %get3A_161 = arith.index_cast %get3A_160 : i32 to index
    %get3A_162 = arith.constant 48 : index
    %get3A_163 = tpu.vector_load %arg5[%get3A_161, %get3A_162] {strides = array<i32>} : memref<80x128xi32, #tpu.memory_space<vmem>>, vector<1x16xi32>,
    %get3A_164 = vector.shape_cast %get3A_163 : vector<1x16xi32> to vector<16xi32>
    %and3A_165 = arith.constant 65535 : i32
    %and3A_166 = vector.broadcast %and3A_165 : i32 to vector<16xi32>
    %and3A_167 = arith.andi %get3A_164, %and3A_166 : vector<16xi32>
    %swap3A_168 = arith.constant 1 : i32
    %swap3A_169 = arith.index_cast %swap3A_168 : i32 to index
    %swap3A_170 = arith.constant 48 : index
    %swap3A_171 = tpu.vector_load %arg6[%swap3A_169, %swap3A_170] {strides = array<i32>} : memref<2x128xi32, #tpu.memory_space<vmem>>, vector<1x16xi32>,
    %swap3A_172 = vector.shape_cast %swap3A_171 : vector<1x16xi32> to vector<16xi32>
    %swap3A_173 = vector.shape_cast %and3A_167 : vector<16xi32> to vector<1x16xi32>
    tpu.vector_store %arg6[%swap3A_169, %swap3A_170], %swap3A_173 {strides = array<i32>} : memref<2x128xi32, #tpu.memory_space<vmem>>, vector<1x16xi32>,
    %get3A_174 = arith.constant 1 : i32
    %get3A_175 = arith.index_cast %get3A_174 : i32 to index
    %get3A_176 = arith.constant 64 : index
    %get3A_177 = tpu.vector_load %arg5[%get3A_175, %get3A_176] {strides = array<i32>} : memref<80x128xi32, #tpu.memory_space<vmem>>, vector<1x16xi32>,
    %get3A_178 = vector.shape_cast %get3A_177 : vector<1x16xi32> to vector<16xi32>
    %and3A_179 = arith.constant 65535 : i32
    %and3A_180 = vector.broadcast %and3A_179 : i32 to vector<16xi32>
    %and3A_181 = arith.andi %get3A_178, %and3A_180 : vector<16xi32>
    %swap3A_182 = arith.constant 1 : i32
    %swap3A_183 = arith.index_cast %swap3A_182 : i32 to index
    %swap3A_184 = arith.constant 64 : index
    %swap3A_185 = tpu.vector_load %arg6[%swap3A_183, %swap3A_184] {strides = array<i32>} : memref<2x128xi32, #tpu.memory_space<vmem>>, vector<1x16xi32>,
    %swap3A_186 = vector.shape_cast %swap3A_185 : vector<1x16xi32> to vector<16xi32>
    %swap3A_187 = vector.shape_cast %and3A_181 : vector<16xi32> to vector<1x16xi32>
    tpu.vector_store %arg6[%swap3A_183, %swap3A_184], %swap3A_187 {strides = array<i32>} : memref<2x128xi32, #tpu.memory_space<vmem>>, vector<1x16xi32>,
    %get3A_188 = arith.constant 1 : i32
    %get3A_189 = arith.index_cast %get3A_188 : i32 to index
    %get3A_190 = arith.constant 80 : index
    %get3A_191 = tpu.vector_load %arg5[%get3A_189, %get3A_190] {strides = array<i32>} : memref<80x128xi32, #tpu.memory_space<vmem>>, vector<1x16xi32>,
    %get3A_192 = vector.shape_cast %get3A_191 : vector<1x16xi32> to vector<16xi32>
    %and3A_193 = arith.constant 65535 : i32
    %and3A_194 = vector.broadcast %and3A_193 : i32 to vector<16xi32>
    %and3A_195 = arith.andi %get3A_192, %and3A_194 : vector<16xi32>
    %swap3A_196 = arith.constant 1 : i32
    %swap3A_197 = arith.index_cast %swap3A_196 : i32 to index
    %swap3A_198 = arith.constant 80 : index
    %swap3A_199 = tpu.vector_load %arg6[%swap3A_197, %swap3A_198] {strides = array<i32>} : memref<2x128xi32, #tpu.memory_space<vmem>>, vector<1x16xi32>,
    %swap3A_200 = vector.shape_cast %swap3A_199 : vector<1x16xi32> to vector<16xi32>
    %swap3A_201 = vector.shape_cast %and3A_195 : vector<16xi32> to vector<1x16xi32>
    tpu.vector_store %arg6[%swap3A_197, %swap3A_198], %swap3A_201 {strides = array<i32>} : memref<2x128xi32, #tpu.memory_space<vmem>>, vector<1x16xi32>,
    %get3A_202 = arith.constant 1 : i32
    %get3A_203 = arith.index_cast %get3A_202 : i32 to index
    %get3A_204 = arith.constant 96 : index
    %get3A_205 = tpu.vector_load %arg5[%get3A_203, %get3A_204] {strides = array<i32>} : memref<80x128xi32, #tpu.memory_space<vmem>>, vector<1x16xi32>,
    %get3A_206 = vector.shape_cast %get3A_205 : vector<1x16xi32> to vector<16xi32>
    %and3A_207 = arith.constant 65535 : i32
    %and3A_208 = vector.broadcast %and3A_207 : i32 to vector<16xi32>
    %and3A_209 = arith.andi %get3A_206, %and3A_208 : vector<16xi32>
    %swap3A_210 = arith.constant 1 : i32
    %swap3A_211 = arith.index_cast %swap3A_210 : i32 to index
    %swap3A_212 = arith.constant 96 : index
    %swap3A_213 = tpu.vector_load %arg6[%swap3A_211, %swap3A_212] {strides = array<i32>} : memref<2x128xi32, #tpu.memory_space<vmem>>, vector<1x16xi32>,
    %swap3A_214 = vector.shape_cast %swap3A_213 : vector<1x16xi32> to vector<16xi32>
    %swap3A_215 = vector.shape_cast %and3A_209 : vector<16xi32> to vector<1x16xi32>
    tpu.vector_store %arg6[%swap3A_211, %swap3A_212], %swap3A_215 {strides = array<i32>} : memref<2x128xi32, #tpu.memory_space<vmem>>, vector<1x16xi32>,
    %get3A_216 = arith.constant 1 : i32
    %get3A_217 = arith.index_cast %get3A_216 : i32 to index
    %get3A_218 = arith.constant 112 : index
    %get3A_219 = tpu.vector_load %arg5[%get3A_217, %get3A_218] {strides = array<i32>} : memref<80x128xi32, #tpu.memory_space<vmem>>, vector<1x16xi32>,
    %get3A_220 = vector.shape_cast %get3A_219 : vector<1x16xi32> to vector<16xi32>
    %and3A_221 = arith.constant 65535 : i32
    %and3A_222 = vector.broadcast %and3A_221 : i32 to vector<16xi32>
    %and3A_223 = arith.andi %get3A_220, %and3A_222 : vector<16xi32>
    %swap3A_224 = arith.constant 1 : i32
    %swap3A_225 = arith.index_cast %swap3A_224 : i32 to index
    %swap3A_226 = arith.constant 112 : index
    %swap3A_227 = tpu.vector_load %arg6[%swap3A_225, %swap3A_226] {strides = array<i32>} : memref<2x128xi32, #tpu.memory_space<vmem>>, vector<1x16xi32>,
    %swap3A_228 = vector.shape_cast %swap3A_227 : vector<1x16xi32> to vector<16xi32>
    %swap3A_229 = vector.shape_cast %and3A_223 : vector<16xi32> to vector<1x16xi32>
    tpu.vector_store %arg6[%swap3A_225, %swap3A_226], %swap3A_229 {strides = array<i32>} : memref<2x128xi32, #tpu.memory_space<vmem>>, vector<1x16xi32>,
    %dma_start3A_230 = arith.constant 1 : i32
    %dma_start3A_231 = arith.constant 0 : i32
    %dma_start3A_232 = tpu.memref_slice %arg6[%dma_start3A_230, %dma_start3A_231] : memref<2x128xi32, #tpu.memory_space<vmem>> -> memref<1x128xi32, #tpu.memory_space<vmem>>
    %dma_start3A_233 = tpu.memref_squeeze %dma_start3A_232 : memref<1x128xi32, #tpu.memory_space<vmem>> -> memref<128xi32, #tpu.memory_space<vmem>>
    %dma_start3A_234 = arith.constant 0 : i32
    %dma_start3A_235 = arith.constant 0 : i32
    %dma_start3A_236 = tpu.memref_slice %arg2[%dma_start3A_234, %dma_start3A_235] : memref<10112x128xf32, #tpu.memory_space<hbm>> -> memref<10112x128xf32, #tpu.memory_space<hbm>>
    tpu.enqueue_indirect_dma source(%dma_start3A_236 : memref<10112x128xf32, #tpu.memory_space<hbm>>) target(%arg12 : memref<128x128xf32, #tpu.memory_space<vmem>>) offsets(%dma_start3A_233 : memref<128xi32, #tpu.memory_space<vmem>>) semaphore(%arg9 : memref<!tpu.dma_semaphore, #tpu.memory_space<semaphore_mem>>)
    "tpu.region"() ({
      %run_scoped3A = tpu.sem_alloc : memref<!tpu.dma_semaphore, #tpu.memory_space<semaphore_mem>>
      %dma_start3A_243 = arith.constant 0 : i32
      %dma_start3A_244 = tpu.memref_slice %arg8[%multiple_of3A, %dma_start3A_243] : memref<10112x128xf32, #tpu.memory_space<vmem_shared>> -> memref<632x128xf32, #tpu.memory_space<vmem_shared>>
      %dma_start3A_245 = arith.constant 0 : i32
      %dma_start3A_246 = tpu.memref_slice %arg2[%multiple_of3A, %dma_start3A_245] : memref<10112x128xf32, #tpu.memory_space<hbm>> -> memref<632x128xf32, #tpu.memory_space<hbm>>
      tpu.enqueue_dma source(%dma_start3A_246 : memref<632x128xf32, #tpu.memory_space<hbm>>) target(%dma_start3A_244 : memref<632x128xf32, #tpu.memory_space<vmem_shared>>) target_semaphore(%run_scoped3A : memref<!tpu.dma_semaphore, #tpu.memory_space<semaphore_mem>>)
      %dma_wait3A = arith.constant 0 : i32
      %dma_wait3A_247 = tpu.memref_slice %arg8[%multiple_of3A, %dma_wait3A] : memref<10112x128xf32, #tpu.memory_space<vmem_shared>> -> memref<632x128xf32, #tpu.memory_space<vmem_shared>>
      %dma_wait3A_248 = arith.constant 0 : i32
      %dma_wait3A_249 = tpu.memref_slice %arg2[%multiple_of3A, %dma_wait3A_248] : memref<10112x128xf32, #tpu.memory_space<hbm>> -> memref<632x128xf32, #tpu.memory_space<hbm>>
      tpu.wait_dma2 semaphore(%run_scoped3A : memref<!tpu.dma_semaphore, #tpu.memory_space<semaphore_mem>>) src(%dma_wait3A_249 : memref<632x128xf32, #tpu.memory_space<hbm>>) dst(%dma_wait3A_247 : memref<632x128xf32, #tpu.memory_space<vmem_shared>>)
      tpu.yield
    }) : () -> ()
    %barrier3A = arith.constant 0 : index
    tpu.barrier barrier_id(%barrier3A)
    %scan3A = arith.constant 0 : i32
    %scan3A_237 = arith.constant 0 : i32
    %scan3A_238 = arith.constant 40 : i32
    %scan3A_239 = arith.addi %scan3A_237, %scan3A_238 : i32
    %scan3A_240 = arith.constant 1 : i32
    scf.for %scan3A_243 = %scan3A_237 to %scan3A_239 step %scan3A_240  : i32 {
      %mul3A_244 = arith.constant 2 : i32
      %mul3A_245 = arith.muli %scan3A_243, %mul3A_244 : i32
      %add3A_246 = arith.constant 0 : i32
      %add3A_247 = arith.addi %mul3A_245, %add3A_246 : i32
      %dma_wait3A = arith.constant 0 : i32
      %dma_wait3A_248 = arith.constant 0 : i32
      %dma_wait3A_249 = tpu.memref_slice %arg6[%dma_wait3A, %dma_wait3A_248] : memref<2x128xi32, #tpu.memory_space<vmem>> -> memref<1x128xi32, #tpu.memory_space<vmem>>
      %dma_wait3A_250 = tpu.memref_squeeze %dma_wait3A_249 : memref<1x128xi32, #tpu.memory_space<vmem>> -> memref<128xi32, #tpu.memory_space<vmem>>
      %dma_wait3A_251 = arith.constant 0 : i32
      %dma_wait3A_252 = arith.constant 0 : i32
      %dma_wait3A_253 = tpu.memref_slice %arg2[%dma_wait3A_251, %dma_wait3A_252] : memref<10112x128xf32, #tpu.memory_space<hbm>> -> memref<10112x128xf32, #tpu.memory_space<hbm>>
      tpu.wait_indirect_dma semaphore(%arg9 : memref<!tpu.dma_semaphore, #tpu.memory_space<semaphore_mem>>) src(%dma_wait3A_253 : memref<10112x128xf32, #tpu.memory_space<hbm>>) dst(%arg11 : memref<128x128xf32, #tpu.memory_space<vmem>>)
      %get3A_254 = arith.index_cast %add3A_247 : i32 to index
      %get3A_255 = arith.constant 0 : index
      %get3A_256 = tpu.vector_load %arg5[%get3A_254, %get3A_255] {strides = array<i32>} : memref<80x128xi32, #tpu.memory_space<vmem>>, vector<1x16xi32>,
      %get3A_257 = vector.shape_cast %get3A_256 : vector<1x16xi32> to vector<16xi32>
      %shift_right_logical3A = arith.constant 16 : i32
      %shift_right_logical3A_258 = vector.broadcast %shift_right_logical3A : i32 to vector<16xi32>
      %shift_right_logical3A_259 = arith.shrui %get3A_257, %shift_right_logical3A_258 : vector<16xi32>
      %swap3A_260 = arith.constant 0 : i32
      %swap3A_261 = arith.index_cast %swap3A_260 : i32 to index
      %swap3A_262 = arith.constant 0 : index
      %swap3A_263 = tpu.vector_load %arg7[%swap3A_261, %swap3A_262] {strides = array<i32>} : memref<2x128xi32, #tpu.memory_space<vmem>>, vector<1x16xi32>,
      %swap3A_264 = vector.shape_cast %swap3A_263 : vector<1x16xi32> to vector<16xi32>
      %swap3A_265 = vector.shape_cast %shift_right_logical3A_259 : vector<16xi32> to vector<1x16xi32>
      tpu.vector_store %arg7[%swap3A_261, %swap3A_262], %swap3A_265 {strides = array<i32>} : memref<2x128xi32, #tpu.memory_space<vmem>>, vector<1x16xi32>,
      %get3A_266 = arith.index_cast %add3A_247 : i32 to index
      %get3A_267 = arith.constant 16 : index
      %get3A_268 = tpu.vector_load %arg5[%get3A_266, %get3A_267] {strides = array<i32>} : memref<80x128xi32, #tpu.memory_space<vmem>>, vector<1x16xi32>,
      %get3A_269 = vector.shape_cast %get3A_268 : vector<1x16xi32> to vector<16xi32>
      %shift_right_logical3A_270 = arith.constant 16 : i32
      %shift_right_logical3A_271 = vector.broadcast %shift_right_logical3A_270 : i32 to vector<16xi32>
      %shift_right_logical3A_272 = arith.shrui %get3A_269, %shift_right_logical3A_271 : vector<16xi32>
      %swap3A_273 = arith.constant 0 : i32
      %swap3A_274 = arith.index_cast %swap3A_273 : i32 to index
      %swap3A_275 = arith.constant 16 : index
      %swap3A_276 = tpu.vector_load %arg7[%swap3A_274, %swap3A_275] {strides = array<i32>} : memref<2x128xi32, #tpu.memory_space<vmem>>, vector<1x16xi32>,
      %swap3A_277 = vector.shape_cast %swap3A_276 : vector<1x16xi32> to vector<16xi32>
      %swap3A_278 = vector.shape_cast %shift_right_logical3A_272 : vector<16xi32> to vector<1x16xi32>
      tpu.vector_store %arg7[%swap3A_274, %swap3A_275], %swap3A_278 {strides = array<i32>} : memref<2x128xi32, #tpu.memory_space<vmem>>, vector<1x16xi32>,
      %get3A_279 = arith.index_cast %add3A_247 : i32 to index
      %get3A_280 = arith.constant 32 : index
      %get3A_281 = tpu.vector_load %arg5[%get3A_279, %get3A_280] {strides = array<i32>} : memref<80x128xi32, #tpu.memory_space<vmem>>, vector<1x16xi32>,
      %get3A_282 = vector.shape_cast %get3A_281 : vector<1x16xi32> to vector<16xi32>
      %shift_right_logical3A_283 = arith.constant 16 : i32
      %shift_right_logical3A_284 = vector.broadcast %shift_right_logical3A_283 : i32 to vector<16xi32>
      %shift_right_logical3A_285 = arith.shrui %get3A_282, %shift_right_logical3A_284 : vector<16xi32>
      %swap3A_286 = arith.constant 0 : i32
      %swap3A_287 = arith.index_cast %swap3A_286 : i32 to index
      %swap3A_288 = arith.constant 32 : index
      %swap3A_289 = tpu.vector_load %arg7[%swap3A_287, %swap3A_288] {strides = array<i32>} : memref<2x128xi32, #tpu.memory_space<vmem>>, vector<1x16xi32>,
      %swap3A_290 = vector.shape_cast %swap3A_289 : vector<1x16xi32> to vector<16xi32>
      %swap3A_291 = vector.shape_cast %shift_right_logical3A_285 : vector<16xi32> to vector<1x16xi32>
      tpu.vector_store %arg7[%swap3A_287, %swap3A_288], %swap3A_291 {strides = array<i32>} : memref<2x128xi32, #tpu.memory_space<vmem>>, vector<1x16xi32>,
      %get3A_292 = arith.index_cast %add3A_247 : i32 to index
      %get3A_293 = arith.constant 48 : index
      %get3A_294 = tpu.vector_load %arg5[%get3A_292, %get3A_293] {strides = array<i32>} : memref<80x128xi32, #tpu.memory_space<vmem>>, vector<1x16xi32>,
      %get3A_295 = vector.shape_cast %get3A_294 : vector<1x16xi32> to vector<16xi32>
      %shift_right_logical3A_296 = arith.constant 16 : i32
      %shift_right_logical3A_297 = vector.broadcast %shift_right_logical3A_296 : i32 to vector<16xi32>
      %shift_right_logical3A_298 = arith.shrui %get3A_295, %shift_right_logical3A_297 : vector<16xi32>
      %swap3A_299 = arith.constant 0 : i32
      %swap3A_300 = arith.index_cast %swap3A_299 : i32 to index
      %swap3A_301 = arith.constant 48 : index
      %swap3A_302 = tpu.vector_load %arg7[%swap3A_300, %swap3A_301] {strides = array<i32>} : memref<2x128xi32, #tpu.memory_space<vmem>>, vector<1x16xi32>,
      %swap3A_303 = vector.shape_cast %swap3A_302 : vector<1x16xi32> to vector<16xi32>
      %swap3A_304 = vector.shape_cast %shift_right_logical3A_298 : vector<16xi32> to vector<1x16xi32>
      tpu.vector_store %arg7[%swap3A_300, %swap3A_301], %swap3A_304 {strides = array<i32>} : memref<2x128xi32, #tpu.memory_space<vmem>>, vector<1x16xi32>,
      %get3A_305 = arith.index_cast %add3A_247 : i32 to index
      %get3A_306 = arith.constant 64 : index
      %get3A_307 = tpu.vector_load %arg5[%get3A_305, %get3A_306] {strides = array<i32>} : memref<80x128xi32, #tpu.memory_space<vmem>>, vector<1x16xi32>,
      %get3A_308 = vector.shape_cast %get3A_307 : vector<1x16xi32> to vector<16xi32>
      %shift_right_logical3A_309 = arith.constant 16 : i32
      %shift_right_logical3A_310 = vector.broadcast %shift_right_logical3A_309 : i32 to vector<16xi32>
      %shift_right_logical3A_311 = arith.shrui %get3A_308, %shift_right_logical3A_310 : vector<16xi32>
      %swap3A_312 = arith.constant 0 : i32
      %swap3A_313 = arith.index_cast %swap3A_312 : i32 to index
      %swap3A_314 = arith.constant 64 : index
      %swap3A_315 = tpu.vector_load %arg7[%swap3A_313, %swap3A_314] {strides = array<i32>} : memref<2x128xi32, #tpu.memory_space<vmem>>, vector<1x16xi32>,
      %swap3A_316 = vector.shape_cast %swap3A_315 : vector<1x16xi32> to vector<16xi32>
      %swap3A_317 = vector.shape_cast %shift_right_logical3A_311 : vector<16xi32> to vector<1x16xi32>
      tpu.vector_store %arg7[%swap3A_313, %swap3A_314], %swap3A_317 {strides = array<i32>} : memref<2x128xi32, #tpu.memory_space<vmem>>, vector<1x16xi32>,
      %get3A_318 = arith.index_cast %add3A_247 : i32 to index
      %get3A_319 = arith.constant 80 : index
      %get3A_320 = tpu.vector_load %arg5[%get3A_318, %get3A_319] {strides = array<i32>} : memref<80x128xi32, #tpu.memory_space<vmem>>, vector<1x16xi32>,
      %get3A_321 = vector.shape_cast %get3A_320 : vector<1x16xi32> to vector<16xi32>
      %shift_right_logical3A_322 = arith.constant 16 : i32
      %shift_right_logical3A_323 = vector.broadcast %shift_right_logical3A_322 : i32 to vector<16xi32>
      %shift_right_logical3A_324 = arith.shrui %get3A_321, %shift_right_logical3A_323 : vector<16xi32>
      %swap3A_325 = arith.constant 0 : i32
      %swap3A_326 = arith.index_cast %swap3A_325 : i32 to index
      %swap3A_327 = arith.constant 80 : index
      %swap3A_328 = tpu.vector_load %arg7[%swap3A_326, %swap3A_327] {strides = array<i32>} : memref<2x128xi32, #tpu.memory_space<vmem>>, vector<1x16xi32>,
      %swap3A_329 = vector.shape_cast %swap3A_328 : vector<1x16xi32> to vector<16xi32>
      %swap3A_330 = vector.shape_cast %shift_right_logical3A_324 : vector<16xi32> to vector<1x16xi32>
      tpu.vector_store %arg7[%swap3A_326, %swap3A_327], %swap3A_330 {strides = array<i32>} : memref<2x128xi32, #tpu.memory_space<vmem>>, vector<1x16xi32>,
      %get3A_331 = arith.index_cast %add3A_247 : i32 to index
      %get3A_332 = arith.constant 96 : index
      %get3A_333 = tpu.vector_load %arg5[%get3A_331, %get3A_332] {strides = array<i32>} : memref<80x128xi32, #tpu.memory_space<vmem>>, vector<1x16xi32>,
      %get3A_334 = vector.shape_cast %get3A_333 : vector<1x16xi32> to vector<16xi32>
      %shift_right_logical3A_335 = arith.constant 16 : i32
      %shift_right_logical3A_336 = vector.broadcast %shift_right_logical3A_335 : i32 to vector<16xi32>
      %shift_right_logical3A_337 = arith.shrui %get3A_334, %shift_right_logical3A_336 : vector<16xi32>
      %swap3A_338 = arith.constant 0 : i32
      %swap3A_339 = arith.index_cast %swap3A_338 : i32 to index
      %swap3A_340 = arith.constant 96 : index
      %swap3A_341 = tpu.vector_load %arg7[%swap3A_339, %swap3A_340] {strides = array<i32>} : memref<2x128xi32, #tpu.memory_space<vmem>>, vector<1x16xi32>,
      %swap3A_342 = vector.shape_cast %swap3A_341 : vector<1x16xi32> to vector<16xi32>
      %swap3A_343 = vector.shape_cast %shift_right_logical3A_337 : vector<16xi32> to vector<1x16xi32>
      tpu.vector_store %arg7[%swap3A_339, %swap3A_340], %swap3A_343 {strides = array<i32>} : memref<2x128xi32, #tpu.memory_space<vmem>>, vector<1x16xi32>,
      %get3A_344 = arith.index_cast %add3A_247 : i32 to index
      %get3A_345 = arith.constant 112 : index
      %get3A_346 = tpu.vector_load %arg5[%get3A_344, %get3A_345] {strides = array<i32>} : memref<80x128xi32, #tpu.memory_space<vmem>>, vector<1x16xi32>,
      %get3A_347 = vector.shape_cast %get3A_346 : vector<1x16xi32> to vector<16xi32>
      %shift_right_logical3A_348 = arith.constant 16 : i32
      %shift_right_logical3A_349 = vector.broadcast %shift_right_logical3A_348 : i32 to vector<16xi32>
      %shift_right_logical3A_350 = arith.shrui %get3A_347, %shift_right_logical3A_349 : vector<16xi32>
      %swap3A_351 = arith.constant 0 : i32
      %swap3A_352 = arith.index_cast %swap3A_351 : i32 to index
      %swap3A_353 = arith.constant 112 : index
      %swap3A_354 = tpu.vector_load %arg7[%swap3A_352, %swap3A_353] {strides = array<i32>} : memref<2x128xi32, #tpu.memory_space<vmem>>, vector<1x16xi32>,
      %swap3A_355 = vector.shape_cast %swap3A_354 : vector<1x16xi32> to vector<16xi32>
      %swap3A_356 = vector.shape_cast %shift_right_logical3A_350 : vector<16xi32> to vector<1x16xi32>
      tpu.vector_store %arg7[%swap3A_352, %swap3A_353], %swap3A_356 {strides = array<i32>} : memref<2x128xi32, #tpu.memory_space<vmem>>, vector<1x16xi32>,
      %dma_start3A_357 = arith.constant 0 : i32
      %dma_start3A_358 = arith.constant 0 : i32
      %dma_start3A_359 = tpu.memref_slice %arg7[%dma_start3A_357, %dma_start3A_358] : memref<2x128xi32, #tpu.memory_space<vmem>> -> memref<1x128xi32, #tpu.memory_space<vmem>>
      %dma_start3A_360 = tpu.memref_squeeze %dma_start3A_359 : memref<1x128xi32, #tpu.memory_space<vmem>> -> memref<128xi32, #tpu.memory_space<vmem>>
      %dma_start3A_361 = arith.constant 0 : i32
      %dma_start3A_362 = arith.constant 0 : i32
      %dma_start3A_363 = tpu.memref_slice %arg8[%dma_start3A_361, %dma_start3A_362] : memref<10112x128xf32, #tpu.memory_space<vmem_shared>> -> memref<10112x128xf32, #tpu.memory_space<vmem_shared>>
      tpu.enqueue_indirect_dma source(%arg11 : memref<128x128xf32, #tpu.memory_space<vmem>>) target(%dma_start3A_363 : memref<10112x128xf32, #tpu.memory_space<vmem_shared>>) offsets(%dma_start3A_360 : memref<128xi32, #tpu.memory_space<vmem>>) semaphore(%arg10 : memref<!tpu.dma_semaphore, #tpu.memory_space<semaphore_mem>>) {add = true}
      %add3A_364 = arith.constant 1 : i32
      %add3A_365 = arith.addi %mul3A_245, %add3A_364 : i32
      %dma_wait3A_366 = arith.constant 1 : i32
      %dma_wait3A_367 = arith.constant 0 : i32
      %dma_wait3A_368 = tpu.memref_slice %arg6[%dma_wait3A_366, %dma_wait3A_367] : memref<2x128xi32, #tpu.memory_space<vmem>> -> memref<1x128xi32, #tpu.memory_space<vmem>>
      %dma_wait3A_369 = tpu.memref_squeeze %dma_wait3A_368 : memref<1x128xi32, #tpu.memory_space<vmem>> -> memref<128xi32, #tpu.memory_space<vmem>>
      %dma_wait3A_370 = arith.constant 0 : i32
      %dma_wait3A_371 = arith.constant 0 : i32
      %dma_wait3A_372 = tpu.memref_slice %arg2[%dma_wait3A_370, %dma_wait3A_371] : memref<10112x128xf32, #tpu.memory_space<hbm>> -> memref<10112x128xf32, #tpu.memory_space<hbm>>
      tpu.wait_indirect_dma semaphore(%arg9 : memref<!tpu.dma_semaphore, #tpu.memory_space<semaphore_mem>>) src(%dma_wait3A_372 : memref<10112x128xf32, #tpu.memory_space<hbm>>) dst(%arg12 : memref<128x128xf32, #tpu.memory_space<vmem>>)
      %get3A_373 = arith.index_cast %add3A_365 : i32 to index
      %get3A_374 = arith.constant 0 : index
      %get3A_375 = tpu.vector_load %arg5[%get3A_373, %get3A_374] {strides = array<i32>} : memref<80x128xi32, #tpu.memory_space<vmem>>, vector<1x16xi32>,
      %get3A_376 = vector.shape_cast %get3A_375 : vector<1x16xi32> to vector<16xi32>
      %shift_right_logical3A_377 = arith.constant 16 : i32
      %shift_right_logical3A_378 = vector.broadcast %shift_right_logical3A_377 : i32 to vector<16xi32>
      %shift_right_logical3A_379 = arith.shrui %get3A_376, %shift_right_logical3A_378 : vector<16xi32>
      %swap3A_380 = arith.constant 1 : i32
      %swap3A_381 = arith.index_cast %swap3A_380 : i32 to index
      %swap3A_382 = arith.constant 0 : index
      %swap3A_383 = tpu.vector_load %arg7[%swap3A_381, %swap3A_382] {strides = array<i32>} : memref<2x128xi32, #tpu.memory_space<vmem>>, vector<1x16xi32>,
      %swap3A_384 = vector.shape_cast %swap3A_383 : vector<1x16xi32> to vector<16xi32>
      %swap3A_385 = vector.shape_cast %shift_right_logical3A_379 : vector<16xi32> to vector<1x16xi32>
      tpu.vector_store %arg7[%swap3A_381, %swap3A_382], %swap3A_385 {strides = array<i32>} : memref<2x128xi32, #tpu.memory_space<vmem>>, vector<1x16xi32>,
      %get3A_386 = arith.index_cast %add3A_365 : i32 to index
      %get3A_387 = arith.constant 16 : index
      %get3A_388 = tpu.vector_load %arg5[%get3A_386, %get3A_387] {strides = array<i32>} : memref<80x128xi32, #tpu.memory_space<vmem>>, vector<1x16xi32>,
      %get3A_389 = vector.shape_cast %get3A_388 : vector<1x16xi32> to vector<16xi32>
      %shift_right_logical3A_390 = arith.constant 16 : i32
      %shift_right_logical3A_391 = vector.broadcast %shift_right_logical3A_390 : i32 to vector<16xi32>
      %shift_right_logical3A_392 = arith.shrui %get3A_389, %shift_right_logical3A_391 : vector<16xi32>
      %swap3A_393 = arith.constant 1 : i32
      %swap3A_394 = arith.index_cast %swap3A_393 : i32 to index
      %swap3A_395 = arith.constant 16 : index
      %swap3A_396 = tpu.vector_load %arg7[%swap3A_394, %swap3A_395] {strides = array<i32>} : memref<2x128xi32, #tpu.memory_space<vmem>>, vector<1x16xi32>,
      %swap3A_397 = vector.shape_cast %swap3A_396 : vector<1x16xi32> to vector<16xi32>
      %swap3A_398 = vector.shape_cast %shift_right_logical3A_392 : vector<16xi32> to vector<1x16xi32>
      tpu.vector_store %arg7[%swap3A_394, %swap3A_395], %swap3A_398 {strides = array<i32>} : memref<2x128xi32, #tpu.memory_space<vmem>>, vector<1x16xi32>,
      %get3A_399 = arith.index_cast %add3A_365 : i32 to index
      %get3A_400 = arith.constant 32 : index
      %get3A_401 = tpu.vector_load %arg5[%get3A_399, %get3A_400] {strides = array<i32>} : memref<80x128xi32, #tpu.memory_space<vmem>>, vector<1x16xi32>,
      %get3A_402 = vector.shape_cast %get3A_401 : vector<1x16xi32> to vector<16xi32>
      %shift_right_logical3A_403 = arith.constant 16 : i32
      %shift_right_logical3A_404 = vector.broadcast %shift_right_logical3A_403 : i32 to vector<16xi32>
      %shift_right_logical3A_405 = arith.shrui %get3A_402, %shift_right_logical3A_404 : vector<16xi32>
      %swap3A_406 = arith.constant 1 : i32
      %swap3A_407 = arith.index_cast %swap3A_406 : i32 to index
      %swap3A_408 = arith.constant 32 : index
      %swap3A_409 = tpu.vector_load %arg7[%swap3A_407, %swap3A_408] {strides = array<i32>} : memref<2x128xi32, #tpu.memory_space<vmem>>, vector<1x16xi32>,
      %swap3A_410 = vector.shape_cast %swap3A_409 : vector<1x16xi32> to vector<16xi32>
      %swap3A_411 = vector.shape_cast %shift_right_logical3A_405 : vector<16xi32> to vector<1x16xi32>
      tpu.vector_store %arg7[%swap3A_407, %swap3A_408], %swap3A_411 {strides = array<i32>} : memref<2x128xi32, #tpu.memory_space<vmem>>, vector<1x16xi32>,
      %get3A_412 = arith.index_cast %add3A_365 : i32 to index
      %get3A_413 = arith.constant 48 : index
      %get3A_414 = tpu.vector_load %arg5[%get3A_412, %get3A_413] {strides = array<i32>} : memref<80x128xi32, #tpu.memory_space<vmem>>, vector<1x16xi32>,
      %get3A_415 = vector.shape_cast %get3A_414 : vector<1x16xi32> to vector<16xi32>
      %shift_right_logical3A_416 = arith.constant 16 : i32
      %shift_right_logical3A_417 = vector.broadcast %shift_right_logical3A_416 : i32 to vector<16xi32>
      %shift_right_logical3A_418 = arith.shrui %get3A_415, %shift_right_logical3A_417 : vector<16xi32>
      %swap3A_419 = arith.constant 1 : i32
      %swap3A_420 = arith.index_cast %swap3A_419 : i32 to index
      %swap3A_421 = arith.constant 48 : index
      %swap3A_422 = tpu.vector_load %arg7[%swap3A_420, %swap3A_421] {strides = array<i32>} : memref<2x128xi32, #tpu.memory_space<vmem>>, vector<1x16xi32>,
      %swap3A_423 = vector.shape_cast %swap3A_422 : vector<1x16xi32> to vector<16xi32>
      %swap3A_424 = vector.shape_cast %shift_right_logical3A_418 : vector<16xi32> to vector<1x16xi32>
      tpu.vector_store %arg7[%swap3A_420, %swap3A_421], %swap3A_424 {strides = array<i32>} : memref<2x128xi32, #tpu.memory_space<vmem>>, vector<1x16xi32>,
      %get3A_425 = arith.index_cast %add3A_365 : i32 to index
      %get3A_426 = arith.constant 64 : index
      %get3A_427 = tpu.vector_load %arg5[%get3A_425, %get3A_426] {strides = array<i32>} : memref<80x128xi32, #tpu.memory_space<vmem>>, vector<1x16xi32>,
      %get3A_428 = vector.shape_cast %get3A_427 : vector<1x16xi32> to vector<16xi32>
      %shift_right_logical3A_429 = arith.constant 16 : i32
      %shift_right_logical3A_430 = vector.broadcast %shift_right_logical3A_429 : i32 to vector<16xi32>
      %shift_right_logical3A_431 = arith.shrui %get3A_428, %shift_right_logical3A_430 : vector<16xi32>
      %swap3A_432 = arith.constant 1 : i32
      %swap3A_433 = arith.index_cast %swap3A_432 : i32 to index
      %swap3A_434 = arith.constant 64 : index
      %swap3A_435 = tpu.vector_load %arg7[%swap3A_433, %swap3A_434] {strides = array<i32>} : memref<2x128xi32, #tpu.memory_space<vmem>>, vector<1x16xi32>,
      %swap3A_436 = vector.shape_cast %swap3A_435 : vector<1x16xi32> to vector<16xi32>
      %swap3A_437 = vector.shape_cast %shift_right_logical3A_431 : vector<16xi32> to vector<1x16xi32>
      tpu.vector_store %arg7[%swap3A_433, %swap3A_434], %swap3A_437 {strides = array<i32>} : memref<2x128xi32, #tpu.memory_space<vmem>>, vector<1x16xi32>,
      %get3A_438 = arith.index_cast %add3A_365 : i32 to index
      %get3A_439 = arith.constant 80 : index
      %get3A_440 = tpu.vector_load %arg5[%get3A_438, %get3A_439] {strides = array<i32>} : memref<80x128xi32, #tpu.memory_space<vmem>>, vector<1x16xi32>,
      %get3A_441 = vector.shape_cast %get3A_440 : vector<1x16xi32> to vector<16xi32>
      %shift_right_logical3A_442 = arith.constant 16 : i32
      %shift_right_logical3A_443 = vector.broadcast %shift_right_logical3A_442 : i32 to vector<16xi32>
      %shift_right_logical3A_444 = arith.shrui %get3A_441, %shift_right_logical3A_443 : vector<16xi32>
      %swap3A_445 = arith.constant 1 : i32
      %swap3A_446 = arith.index_cast %swap3A_445 : i32 to index
      %swap3A_447 = arith.constant 80 : index
      %swap3A_448 = tpu.vector_load %arg7[%swap3A_446, %swap3A_447] {strides = array<i32>} : memref<2x128xi32, #tpu.memory_space<vmem>>, vector<1x16xi32>,
      %swap3A_449 = vector.shape_cast %swap3A_448 : vector<1x16xi32> to vector<16xi32>
      %swap3A_450 = vector.shape_cast %shift_right_logical3A_444 : vector<16xi32> to vector<1x16xi32>
      tpu.vector_store %arg7[%swap3A_446, %swap3A_447], %swap3A_450 {strides = array<i32>} : memref<2x128xi32, #tpu.memory_space<vmem>>, vector<1x16xi32>,
      %get3A_451 = arith.index_cast %add3A_365 : i32 to index
      %get3A_452 = arith.constant 96 : index
      %get3A_453 = tpu.vector_load %arg5[%get3A_451, %get3A_452] {strides = array<i32>} : memref<80x128xi32, #tpu.memory_space<vmem>>, vector<1x16xi32>,
      %get3A_454 = vector.shape_cast %get3A_453 : vector<1x16xi32> to vector<16xi32>
      %shift_right_logical3A_455 = arith.constant 16 : i32
      %shift_right_logical3A_456 = vector.broadcast %shift_right_logical3A_455 : i32 to vector<16xi32>
      %shift_right_logical3A_457 = arith.shrui %get3A_454, %shift_right_logical3A_456 : vector<16xi32>
      %swap3A_458 = arith.constant 1 : i32
      %swap3A_459 = arith.index_cast %swap3A_458 : i32 to index
      %swap3A_460 = arith.constant 96 : index
      %swap3A_461 = tpu.vector_load %arg7[%swap3A_459, %swap3A_460] {strides = array<i32>} : memref<2x128xi32, #tpu.memory_space<vmem>>, vector<1x16xi32>,
      %swap3A_462 = vector.shape_cast %swap3A_461 : vector<1x16xi32> to vector<16xi32>
      %swap3A_463 = vector.shape_cast %shift_right_logical3A_457 : vector<16xi32> to vector<1x16xi32>
      tpu.vector_store %arg7[%swap3A_459, %swap3A_460], %swap3A_463 {strides = array<i32>} : memref<2x128xi32, #tpu.memory_space<vmem>>, vector<1x16xi32>,
      %get3A_464 = arith.index_cast %add3A_365 : i32 to index
      %get3A_465 = arith.constant 112 : index
      %get3A_466 = tpu.vector_load %arg5[%get3A_464, %get3A_465] {strides = array<i32>} : memref<80x128xi32, #tpu.memory_space<vmem>>, vector<1x16xi32>,
      %get3A_467 = vector.shape_cast %get3A_466 : vector<1x16xi32> to vector<16xi32>
      %shift_right_logical3A_468 = arith.constant 16 : i32
      %shift_right_logical3A_469 = vector.broadcast %shift_right_logical3A_468 : i32 to vector<16xi32>
      %shift_right_logical3A_470 = arith.shrui %get3A_467, %shift_right_logical3A_469 : vector<16xi32>
      %swap3A_471 = arith.constant 1 : i32
      %swap3A_472 = arith.index_cast %swap3A_471 : i32 to index
      %swap3A_473 = arith.constant 112 : index
      %swap3A_474 = tpu.vector_load %arg7[%swap3A_472, %swap3A_473] {strides = array<i32>} : memref<2x128xi32, #tpu.memory_space<vmem>>, vector<1x16xi32>,
      %swap3A_475 = vector.shape_cast %swap3A_474 : vector<1x16xi32> to vector<16xi32>
      %swap3A_476 = vector.shape_cast %shift_right_logical3A_470 : vector<16xi32> to vector<1x16xi32>
      tpu.vector_store %arg7[%swap3A_472, %swap3A_473], %swap3A_476 {strides = array<i32>} : memref<2x128xi32, #tpu.memory_space<vmem>>, vector<1x16xi32>,
      %dma_start3A_477 = arith.constant 1 : i32
      %dma_start3A_478 = arith.constant 0 : i32
      %dma_start3A_479 = tpu.memref_slice %arg7[%dma_start3A_477, %dma_start3A_478] : memref<2x128xi32, #tpu.memory_space<vmem>> -> memref<1x128xi32, #tpu.memory_space<vmem>>
      %dma_start3A_480 = tpu.memref_squeeze %dma_start3A_479 : memref<1x128xi32, #tpu.memory_space<vmem>> -> memref<128xi32, #tpu.memory_space<vmem>>
      %dma_start3A_481 = arith.constant 0 : i32
      %dma_start3A_482 = arith.constant 0 : i32
      %dma_start3A_483 = tpu.memref_slice %arg8[%dma_start3A_481, %dma_start3A_482] : memref<10112x128xf32, #tpu.memory_space<vmem_shared>> -> memref<10112x128xf32, #tpu.memory_space<vmem_shared>>
      tpu.enqueue_indirect_dma source(%arg12 : memref<128x128xf32, #tpu.memory_space<vmem>>) target(%dma_start3A_483 : memref<10112x128xf32, #tpu.memory_space<vmem_shared>>) offsets(%dma_start3A_480 : memref<128xi32, #tpu.memory_space<vmem>>) semaphore(%arg10 : memref<!tpu.dma_semaphore, #tpu.memory_space<semaphore_mem>>) {add = true}
      %add3A_484 = arith.constant 0 : i32
      %add3A_485 = arith.addi %mul3A_245, %add3A_484 : i32
      %dma_wait3A_486 = arith.constant 0 : i32
      %dma_wait3A_487 = arith.constant 0 : i32
      %dma_wait3A_488 = tpu.memref_slice %arg7[%dma_wait3A_486, %dma_wait3A_487] : memref<2x128xi32, #tpu.memory_space<vmem>> -> memref<1x128xi32, #tpu.memory_space<vmem>>
      %dma_wait3A_489 = tpu.memref_squeeze %dma_wait3A_488 : memref<1x128xi32, #tpu.memory_space<vmem>> -> memref<128xi32, #tpu.memory_space<vmem>>
      %dma_wait3A_490 = arith.constant 0 : i32
      %dma_wait3A_491 = arith.constant 0 : i32
      %dma_wait3A_492 = tpu.memref_slice %arg8[%dma_wait3A_490, %dma_wait3A_491] : memref<10112x128xf32, #tpu.memory_space<vmem_shared>> -> memref<10112x128xf32, #tpu.memory_space<vmem_shared>>
      tpu.wait_indirect_dma semaphore(%arg10 : memref<!tpu.dma_semaphore, #tpu.memory_space<semaphore_mem>>) src(%arg11 : memref<128x128xf32, #tpu.memory_space<vmem>>) dst(%dma_wait3A_492 : memref<10112x128xf32, #tpu.memory_space<vmem_shared>>)
      %add3A_493 = arith.constant 2 : i32
      %add3A_494 = arith.addi %add3A_485, %add3A_493 : i32
      %lt3A = arith.constant 80 : i32
      %lt3A_495 = arith.cmpi slt, %add3A_494, %lt3A : i32
      %convert_element_type3A = arith.extui %lt3A_495 : i1 to i32
      %cond3A = arith.constant 0 : i32
      %cond3A_496 = arith.cmpi ne, %convert_element_type3A, %cond3A : i32
      scf.if %cond3A_496 {
        %get3A_513 = arith.index_cast %add3A_494 : i32 to index
        %get3A_514 = arith.constant 0 : index
        %get3A_515 = tpu.vector_load %arg5[%get3A_513, %get3A_514] {strides = array<i32>} : memref<80x128xi32, #tpu.memory_space<vmem>>, vector<1x16xi32>,
        %get3A_516 = vector.shape_cast %get3A_515 : vector<1x16xi32> to vector<16xi32>
        %and3A_517 = arith.constant 65535 : i32
        %and3A_518 = vector.broadcast %and3A_517 : i32 to vector<16xi32>
        %and3A_519 = arith.andi %get3A_516, %and3A_518 : vector<16xi32>
        %swap3A_520 = arith.constant 0 : i32
        %swap3A_521 = arith.index_cast %swap3A_520 : i32 to index
        %swap3A_522 = arith.constant 0 : index
        %swap3A_523 = tpu.vector_load %arg6[%swap3A_521, %swap3A_522] {strides = array<i32>} : memref<2x128xi32, #tpu.memory_space<vmem>>, vector<1x16xi32>,
        %swap3A_524 = vector.shape_cast %swap3A_523 : vector<1x16xi32> to vector<16xi32>
        %swap3A_525 = vector.shape_cast %and3A_519 : vector<16xi32> to vector<1x16xi32>
        tpu.vector_store %arg6[%swap3A_521, %swap3A_522], %swap3A_525 {strides = array<i32>} : memref<2x128xi32, #tpu.memory_space<vmem>>, vector<1x16xi32>,
        %get3A_526 = arith.index_cast %add3A_494 : i32 to index
        %get3A_527 = arith.constant 16 : index
        %get3A_528 = tpu.vector_load %arg5[%get3A_526, %get3A_527] {strides = array<i32>} : memref<80x128xi32, #tpu.memory_space<vmem>>, vector<1x16xi32>,
        %get3A_529 = vector.shape_cast %get3A_528 : vector<1x16xi32> to vector<16xi32>
        %and3A_530 = arith.constant 65535 : i32
        %and3A_531 = vector.broadcast %and3A_530 : i32 to vector<16xi32>
        %and3A_532 = arith.andi %get3A_529, %and3A_531 : vector<16xi32>
        %swap3A_533 = arith.constant 0 : i32
        %swap3A_534 = arith.index_cast %swap3A_533 : i32 to index
        %swap3A_535 = arith.constant 16 : index
        %swap3A_536 = tpu.vector_load %arg6[%swap3A_534, %swap3A_535] {strides = array<i32>} : memref<2x128xi32, #tpu.memory_space<vmem>>, vector<1x16xi32>,
        %swap3A_537 = vector.shape_cast %swap3A_536 : vector<1x16xi32> to vector<16xi32>
        %swap3A_538 = vector.shape_cast %and3A_532 : vector<16xi32> to vector<1x16xi32>
        tpu.vector_store %arg6[%swap3A_534, %swap3A_535], %swap3A_538 {strides = array<i32>} : memref<2x128xi32, #tpu.memory_space<vmem>>, vector<1x16xi32>,
        %get3A_539 = arith.index_cast %add3A_494 : i32 to index
        %get3A_540 = arith.constant 32 : index
        %get3A_541 = tpu.vector_load %arg5[%get3A_539, %get3A_540] {strides = array<i32>} : memref<80x128xi32, #tpu.memory_space<vmem>>, vector<1x16xi32>,
        %get3A_542 = vector.shape_cast %get3A_541 : vector<1x16xi32> to vector<16xi32>
        %and3A_543 = arith.constant 65535 : i32
        %and3A_544 = vector.broadcast %and3A_543 : i32 to vector<16xi32>
        %and3A_545 = arith.andi %get3A_542, %and3A_544 : vector<16xi32>
        %swap3A_546 = arith.constant 0 : i32
        %swap3A_547 = arith.index_cast %swap3A_546 : i32 to index
        %swap3A_548 = arith.constant 32 : index
        %swap3A_549 = tpu.vector_load %arg6[%swap3A_547, %swap3A_548] {strides = array<i32>} : memref<2x128xi32, #tpu.memory_space<vmem>>, vector<1x16xi32>,
        %swap3A_550 = vector.shape_cast %swap3A_549 : vector<1x16xi32> to vector<16xi32>
        %swap3A_551 = vector.shape_cast %and3A_545 : vector<16xi32> to vector<1x16xi32>
        tpu.vector_store %arg6[%swap3A_547, %swap3A_548], %swap3A_551 {strides = array<i32>} : memref<2x128xi32, #tpu.memory_space<vmem>>, vector<1x16xi32>,
        %get3A_552 = arith.index_cast %add3A_494 : i32 to index
        %get3A_553 = arith.constant 48 : index
        %get3A_554 = tpu.vector_load %arg5[%get3A_552, %get3A_553] {strides = array<i32>} : memref<80x128xi32, #tpu.memory_space<vmem>>, vector<1x16xi32>,
        %get3A_555 = vector.shape_cast %get3A_554 : vector<1x16xi32> to vector<16xi32>
        %and3A_556 = arith.constant 65535 : i32
        %and3A_557 = vector.broadcast %and3A_556 : i32 to vector<16xi32>
        %and3A_558 = arith.andi %get3A_555, %and3A_557 : vector<16xi32>
        %swap3A_559 = arith.constant 0 : i32
        %swap3A_560 = arith.index_cast %swap3A_559 : i32 to index
        %swap3A_561 = arith.constant 48 : index
        %swap3A_562 = tpu.vector_load %arg6[%swap3A_560, %swap3A_561] {strides = array<i32>} : memref<2x128xi32, #tpu.memory_space<vmem>>, vector<1x16xi32>,
        %swap3A_563 = vector.shape_cast %swap3A_562 : vector<1x16xi32> to vector<16xi32>
        %swap3A_564 = vector.shape_cast %and3A_558 : vector<16xi32> to vector<1x16xi32>
        tpu.vector_store %arg6[%swap3A_560, %swap3A_561], %swap3A_564 {strides = array<i32>} : memref<2x128xi32, #tpu.memory_space<vmem>>, vector<1x16xi32>,
        %get3A_565 = arith.index_cast %add3A_494 : i32 to index
        %get3A_566 = arith.constant 64 : index
        %get3A_567 = tpu.vector_load %arg5[%get3A_565, %get3A_566] {strides = array<i32>} : memref<80x128xi32, #tpu.memory_space<vmem>>, vector<1x16xi32>,
        %get3A_568 = vector.shape_cast %get3A_567 : vector<1x16xi32> to vector<16xi32>
        %and3A_569 = arith.constant 65535 : i32
        %and3A_570 = vector.broadcast %and3A_569 : i32 to vector<16xi32>
        %and3A_571 = arith.andi %get3A_568, %and3A_570 : vector<16xi32>
        %swap3A_572 = arith.constant 0 : i32
        %swap3A_573 = arith.index_cast %swap3A_572 : i32 to index
        %swap3A_574 = arith.constant 64 : index
        %swap3A_575 = tpu.vector_load %arg6[%swap3A_573, %swap3A_574] {strides = array<i32>} : memref<2x128xi32, #tpu.memory_space<vmem>>, vector<1x16xi32>,
        %swap3A_576 = vector.shape_cast %swap3A_575 : vector<1x16xi32> to vector<16xi32>
        %swap3A_577 = vector.shape_cast %and3A_571 : vector<16xi32> to vector<1x16xi32>
        tpu.vector_store %arg6[%swap3A_573, %swap3A_574], %swap3A_577 {strides = array<i32>} : memref<2x128xi32, #tpu.memory_space<vmem>>, vector<1x16xi32>,
        %get3A_578 = arith.index_cast %add3A_494 : i32 to index
        %get3A_579 = arith.constant 80 : index
        %get3A_580 = tpu.vector_load %arg5[%get3A_578, %get3A_579] {strides = array<i32>} : memref<80x128xi32, #tpu.memory_space<vmem>>, vector<1x16xi32>,
        %get3A_581 = vector.shape_cast %get3A_580 : vector<1x16xi32> to vector<16xi32>
        %and3A_582 = arith.constant 65535 : i32
        %and3A_583 = vector.broadcast %and3A_582 : i32 to vector<16xi32>
        %and3A_584 = arith.andi %get3A_581, %and3A_583 : vector<16xi32>
        %swap3A_585 = arith.constant 0 : i32
        %swap3A_586 = arith.index_cast %swap3A_585 : i32 to index
        %swap3A_587 = arith.constant 80 : index
        %swap3A_588 = tpu.vector_load %arg6[%swap3A_586, %swap3A_587] {strides = array<i32>} : memref<2x128xi32, #tpu.memory_space<vmem>>, vector<1x16xi32>,
        %swap3A_589 = vector.shape_cast %swap3A_588 : vector<1x16xi32> to vector<16xi32>
        %swap3A_590 = vector.shape_cast %and3A_584 : vector<16xi32> to vector<1x16xi32>
        tpu.vector_store %arg6[%swap3A_586, %swap3A_587], %swap3A_590 {strides = array<i32>} : memref<2x128xi32, #tpu.memory_space<vmem>>, vector<1x16xi32>,
        %get3A_591 = arith.index_cast %add3A_494 : i32 to index
        %get3A_592 = arith.constant 96 : index
        %get3A_593 = tpu.vector_load %arg5[%get3A_591, %get3A_592] {strides = array<i32>} : memref<80x128xi32, #tpu.memory_space<vmem>>, vector<1x16xi32>,
        %get3A_594 = vector.shape_cast %get3A_593 : vector<1x16xi32> to vector<16xi32>
        %and3A_595 = arith.constant 65535 : i32
        %and3A_596 = vector.broadcast %and3A_595 : i32 to vector<16xi32>
        %and3A_597 = arith.andi %get3A_594, %and3A_596 : vector<16xi32>
        %swap3A_598 = arith.constant 0 : i32
        %swap3A_599 = arith.index_cast %swap3A_598 : i32 to index
        %swap3A_600 = arith.constant 96 : index
        %swap3A_601 = tpu.vector_load %arg6[%swap3A_599, %swap3A_600] {strides = array<i32>} : memref<2x128xi32, #tpu.memory_space<vmem>>, vector<1x16xi32>,
        %swap3A_602 = vector.shape_cast %swap3A_601 : vector<1x16xi32> to vector<16xi32>
        %swap3A_603 = vector.shape_cast %and3A_597 : vector<16xi32> to vector<1x16xi32>
        tpu.vector_store %arg6[%swap3A_599, %swap3A_600], %swap3A_603 {strides = array<i32>} : memref<2x128xi32, #tpu.memory_space<vmem>>, vector<1x16xi32>,
        %get3A_604 = arith.index_cast %add3A_494 : i32 to index
        %get3A_605 = arith.constant 112 : index
        %get3A_606 = tpu.vector_load %arg5[%get3A_604, %get3A_605] {strides = array<i32>} : memref<80x128xi32, #tpu.memory_space<vmem>>, vector<1x16xi32>,
        %get3A_607 = vector.shape_cast %get3A_606 : vector<1x16xi32> to vector<16xi32>
        %and3A_608 = arith.constant 65535 : i32
        %and3A_609 = vector.broadcast %and3A_608 : i32 to vector<16xi32>
        %and3A_610 = arith.andi %get3A_607, %and3A_609 : vector<16xi32>
        %swap3A_611 = arith.constant 0 : i32
        %swap3A_612 = arith.index_cast %swap3A_611 : i32 to index
        %swap3A_613 = arith.constant 112 : index
        %swap3A_614 = tpu.vector_load %arg6[%swap3A_612, %swap3A_613] {strides = array<i32>} : memref<2x128xi32, #tpu.memory_space<vmem>>, vector<1x16xi32>,
        %swap3A_615 = vector.shape_cast %swap3A_614 : vector<1x16xi32> to vector<16xi32>
        %swap3A_616 = vector.shape_cast %and3A_610 : vector<16xi32> to vector<1x16xi32>
        tpu.vector_store %arg6[%swap3A_612, %swap3A_613], %swap3A_616 {strides = array<i32>} : memref<2x128xi32, #tpu.memory_space<vmem>>, vector<1x16xi32>,
        %dma_start3A_617 = arith.constant 0 : i32
        %dma_start3A_618 = arith.constant 0 : i32
        %dma_start3A_619 = tpu.memref_slice %arg6[%dma_start3A_617, %dma_start3A_618] : memref<2x128xi32, #tpu.memory_space<vmem>> -> memref<1x128xi32, #tpu.memory_space<vmem>>
        %dma_start3A_620 = tpu.memref_squeeze %dma_start3A_619 : memref<1x128xi32, #tpu.memory_space<vmem>> -> memref<128xi32, #tpu.memory_space<vmem>>
        %dma_start3A_621 = arith.constant 0 : i32
        %dma_start3A_622 = arith.constant 0 : i32
        %dma_start3A_623 = tpu.memref_slice %arg2[%dma_start3A_621, %dma_start3A_622] : memref<10112x128xf32, #tpu.memory_space<hbm>> -> memref<10112x128xf32, #tpu.memory_space<hbm>>
        tpu.enqueue_indirect_dma source(%dma_start3A_623 : memref<10112x128xf32, #tpu.memory_space<hbm>>) target(%arg11 : memref<128x128xf32, #tpu.memory_space<vmem>>) offsets(%dma_start3A_620 : memref<128xi32, #tpu.memory_space<vmem>>) semaphore(%arg9 : memref<!tpu.dma_semaphore, #tpu.memory_space<semaphore_mem>>)
      } else {
      }
      %add3A_497 = arith.constant 1 : i32
      %add3A_498 = arith.addi %mul3A_245, %add3A_497 : i32
      %dma_wait3A_499 = arith.constant 1 : i32
      %dma_wait3A_500 = arith.constant 0 : i32
      %dma_wait3A_501 = tpu.memref_slice %arg7[%dma_wait3A_499, %dma_wait3A_500] : memref<2x128xi32, #tpu.memory_space<vmem>> -> memref<1x128xi32, #tpu.memory_space<vmem>>
      %dma_wait3A_502 = tpu.memref_squeeze %dma_wait3A_501 : memref<1x128xi32, #tpu.memory_space<vmem>> -> memref<128xi32, #tpu.memory_space<vmem>>
      %dma_wait3A_503 = arith.constant 0 : i32
      %dma_wait3A_504 = arith.constant 0 : i32
      %dma_wait3A_505 = tpu.memref_slice %arg8[%dma_wait3A_503, %dma_wait3A_504] : memref<10112x128xf32, #tpu.memory_space<vmem_shared>> -> memref<10112x128xf32, #tpu.memory_space<vmem_shared>>
      tpu.wait_indirect_dma semaphore(%arg10 : memref<!tpu.dma_semaphore, #tpu.memory_space<semaphore_mem>>) src(%arg12 : memref<128x128xf32, #tpu.memory_space<vmem>>) dst(%dma_wait3A_505 : memref<10112x128xf32, #tpu.memory_space<vmem_shared>>)
      %add3A_506 = arith.constant 2 : i32
      %add3A_507 = arith.addi %add3A_498, %add3A_506 : i32
      %lt3A_508 = arith.constant 80 : i32
      %lt3A_509 = arith.cmpi slt, %add3A_507, %lt3A_508 : i32
      %convert_element_type3A_510 = arith.extui %lt3A_509 : i1 to i32
      %cond3A_511 = arith.constant 0 : i32
      %cond3A_512 = arith.cmpi ne, %convert_element_type3A_510, %cond3A_511 : i32
      scf.if %cond3A_512 {
        %get3A_513 = arith.index_cast %add3A_507 : i32 to index
        %get3A_514 = arith.constant 0 : index
        %get3A_515 = tpu.vector_load %arg5[%get3A_513, %get3A_514] {strides = array<i32>} : memref<80x128xi32, #tpu.memory_space<vmem>>, vector<1x16xi32>,
        %get3A_516 = vector.shape_cast %get3A_515 : vector<1x16xi32> to vector<16xi32>
        %and3A_517 = arith.constant 65535 : i32
        %and3A_518 = vector.broadcast %and3A_517 : i32 to vector<16xi32>
        %and3A_519 = arith.andi %get3A_516, %and3A_518 : vector<16xi32>
        %swap3A_520 = arith.constant 1 : i32
        %swap3A_521 = arith.index_cast %swap3A_520 : i32 to index
        %swap3A_522 = arith.constant 0 : index
        %swap3A_523 = tpu.vector_load %arg6[%swap3A_521, %swap3A_522] {strides = array<i32>} : memref<2x128xi32, #tpu.memory_space<vmem>>, vector<1x16xi32>,
        %swap3A_524 = vector.shape_cast %swap3A_523 : vector<1x16xi32> to vector<16xi32>
        %swap3A_525 = vector.shape_cast %and3A_519 : vector<16xi32> to vector<1x16xi32>
        tpu.vector_store %arg6[%swap3A_521, %swap3A_522], %swap3A_525 {strides = array<i32>} : memref<2x128xi32, #tpu.memory_space<vmem>>, vector<1x16xi32>,
        %get3A_526 = arith.index_cast %add3A_507 : i32 to index
        %get3A_527 = arith.constant 16 : index
        %get3A_528 = tpu.vector_load %arg5[%get3A_526, %get3A_527] {strides = array<i32>} : memref<80x128xi32, #tpu.memory_space<vmem>>, vector<1x16xi32>,
        %get3A_529 = vector.shape_cast %get3A_528 : vector<1x16xi32> to vector<16xi32>
        %and3A_530 = arith.constant 65535 : i32
        %and3A_531 = vector.broadcast %and3A_530 : i32 to vector<16xi32>
        %and3A_532 = arith.andi %get3A_529, %and3A_531 : vector<16xi32>
        %swap3A_533 = arith.constant 1 : i32
        %swap3A_534 = arith.index_cast %swap3A_533 : i32 to index
        %swap3A_535 = arith.constant 16 : index
        %swap3A_536 = tpu.vector_load %arg6[%swap3A_534, %swap3A_535] {strides = array<i32>} : memref<2x128xi32, #tpu.memory_space<vmem>>, vector<1x16xi32>,
        %swap3A_537 = vector.shape_cast %swap3A_536 : vector<1x16xi32> to vector<16xi32>
        %swap3A_538 = vector.shape_cast %and3A_532 : vector<16xi32> to vector<1x16xi32>
        tpu.vector_store %arg6[%swap3A_534, %swap3A_535], %swap3A_538 {strides = array<i32>} : memref<2x128xi32, #tpu.memory_space<vmem>>, vector<1x16xi32>,
        %get3A_539 = arith.index_cast %add3A_507 : i32 to index
        %get3A_540 = arith.constant 32 : index
        %get3A_541 = tpu.vector_load %arg5[%get3A_539, %get3A_540] {strides = array<i32>} : memref<80x128xi32, #tpu.memory_space<vmem>>, vector<1x16xi32>,
        %get3A_542 = vector.shape_cast %get3A_541 : vector<1x16xi32> to vector<16xi32>
        %and3A_543 = arith.constant 65535 : i32
        %and3A_544 = vector.broadcast %and3A_543 : i32 to vector<16xi32>
        %and3A_545 = arith.andi %get3A_542, %and3A_544 : vector<16xi32>
        %swap3A_546 = arith.constant 1 : i32
        %swap3A_547 = arith.index_cast %swap3A_546 : i32 to index
        %swap3A_548 = arith.constant 32 : index
        %swap3A_549 = tpu.vector_load %arg6[%swap3A_547, %swap3A_548] {strides = array<i32>} : memref<2x128xi32, #tpu.memory_space<vmem>>, vector<1x16xi32>,
        %swap3A_550 = vector.shape_cast %swap3A_549 : vector<1x16xi32> to vector<16xi32>
        %swap3A_551 = vector.shape_cast %and3A_545 : vector<16xi32> to vector<1x16xi32>
        tpu.vector_store %arg6[%swap3A_547, %swap3A_548], %swap3A_551 {strides = array<i32>} : memref<2x128xi32, #tpu.memory_space<vmem>>, vector<1x16xi32>,
        %get3A_552 = arith.index_cast %add3A_507 : i32 to index
        %get3A_553 = arith.constant 48 : index
        %get3A_554 = tpu.vector_load %arg5[%get3A_552, %get3A_553] {strides = array<i32>} : memref<80x128xi32, #tpu.memory_space<vmem>>, vector<1x16xi32>,
        %get3A_555 = vector.shape_cast %get3A_554 : vector<1x16xi32> to vector<16xi32>
        %and3A_556 = arith.constant 65535 : i32
        %and3A_557 = vector.broadcast %and3A_556 : i32 to vector<16xi32>
        %and3A_558 = arith.andi %get3A_555, %and3A_557 : vector<16xi32>
        %swap3A_559 = arith.constant 1 : i32
        %swap3A_560 = arith.index_cast %swap3A_559 : i32 to index
        %swap3A_561 = arith.constant 48 : index
        %swap3A_562 = tpu.vector_load %arg6[%swap3A_560, %swap3A_561] {strides = array<i32>} : memref<2x128xi32, #tpu.memory_space<vmem>>, vector<1x16xi32>,
        %swap3A_563 = vector.shape_cast %swap3A_562 : vector<1x16xi32> to vector<16xi32>
        %swap3A_564 = vector.shape_cast %and3A_558 : vector<16xi32> to vector<1x16xi32>
        tpu.vector_store %arg6[%swap3A_560, %swap3A_561], %swap3A_564 {strides = array<i32>} : memref<2x128xi32, #tpu.memory_space<vmem>>, vector<1x16xi32>,
        %get3A_565 = arith.index_cast %add3A_507 : i32 to index
        %get3A_566 = arith.constant 64 : index
        %get3A_567 = tpu.vector_load %arg5[%get3A_565, %get3A_566] {strides = array<i32>} : memref<80x128xi32, #tpu.memory_space<vmem>>, vector<1x16xi32>,
        %get3A_568 = vector.shape_cast %get3A_567 : vector<1x16xi32> to vector<16xi32>
        %and3A_569 = arith.constant 65535 : i32
        %and3A_570 = vector.broadcast %and3A_569 : i32 to vector<16xi32>
        %and3A_571 = arith.andi %get3A_568, %and3A_570 : vector<16xi32>
        %swap3A_572 = arith.constant 1 : i32
        %swap3A_573 = arith.index_cast %swap3A_572 : i32 to index
        %swap3A_574 = arith.constant 64 : index
        %swap3A_575 = tpu.vector_load %arg6[%swap3A_573, %swap3A_574] {strides = array<i32>} : memref<2x128xi32, #tpu.memory_space<vmem>>, vector<1x16xi32>,
        %swap3A_576 = vector.shape_cast %swap3A_575 : vector<1x16xi32> to vector<16xi32>
        %swap3A_577 = vector.shape_cast %and3A_571 : vector<16xi32> to vector<1x16xi32>
        tpu.vector_store %arg6[%swap3A_573, %swap3A_574], %swap3A_577 {strides = array<i32>} : memref<2x128xi32, #tpu.memory_space<vmem>>, vector<1x16xi32>,
        %get3A_578 = arith.index_cast %add3A_507 : i32 to index
        %get3A_579 = arith.constant 80 : index
        %get3A_580 = tpu.vector_load %arg5[%get3A_578, %get3A_579] {strides = array<i32>} : memref<80x128xi32, #tpu.memory_space<vmem>>, vector<1x16xi32>,
        %get3A_581 = vector.shape_cast %get3A_580 : vector<1x16xi32> to vector<16xi32>
        %and3A_582 = arith.constant 65535 : i32
        %and3A_583 = vector.broadcast %and3A_582 : i32 to vector<16xi32>
        %and3A_584 = arith.andi %get3A_581, %and3A_583 : vector<16xi32>
        %swap3A_585 = arith.constant 1 : i32
        %swap3A_586 = arith.index_cast %swap3A_585 : i32 to index
        %swap3A_587 = arith.constant 80 : index
        %swap3A_588 = tpu.vector_load %arg6[%swap3A_586, %swap3A_587] {strides = array<i32>} : memref<2x128xi32, #tpu.memory_space<vmem>>, vector<1x16xi32>,
        %swap3A_589 = vector.shape_cast %swap3A_588 : vector<1x16xi32> to vector<16xi32>
        %swap3A_590 = vector.shape_cast %and3A_584 : vector<16xi32> to vector<1x16xi32>
        tpu.vector_store %arg6[%swap3A_586, %swap3A_587], %swap3A_590 {strides = array<i32>} : memref<2x128xi32, #tpu.memory_space<vmem>>, vector<1x16xi32>,
        %get3A_591 = arith.index_cast %add3A_507 : i32 to index
        %get3A_592 = arith.constant 96 : index
        %get3A_593 = tpu.vector_load %arg5[%get3A_591, %get3A_592] {strides = array<i32>} : memref<80x128xi32, #tpu.memory_space<vmem>>, vector<1x16xi32>,
        %get3A_594 = vector.shape_cast %get3A_593 : vector<1x16xi32> to vector<16xi32>
        %and3A_595 = arith.constant 65535 : i32
        %and3A_596 = vector.broadcast %and3A_595 : i32 to vector<16xi32>
        %and3A_597 = arith.andi %get3A_594, %and3A_596 : vector<16xi32>
        %swap3A_598 = arith.constant 1 : i32
        %swap3A_599 = arith.index_cast %swap3A_598 : i32 to index
        %swap3A_600 = arith.constant 96 : index
        %swap3A_601 = tpu.vector_load %arg6[%swap3A_599, %swap3A_600] {strides = array<i32>} : memref<2x128xi32, #tpu.memory_space<vmem>>, vector<1x16xi32>,
        %swap3A_602 = vector.shape_cast %swap3A_601 : vector<1x16xi32> to vector<16xi32>
        %swap3A_603 = vector.shape_cast %and3A_597 : vector<16xi32> to vector<1x16xi32>
        tpu.vector_store %arg6[%swap3A_599, %swap3A_600], %swap3A_603 {strides = array<i32>} : memref<2x128xi32, #tpu.memory_space<vmem>>, vector<1x16xi32>,
        %get3A_604 = arith.index_cast %add3A_507 : i32 to index
        %get3A_605 = arith.constant 112 : index
        %get3A_606 = tpu.vector_load %arg5[%get3A_604, %get3A_605] {strides = array<i32>} : memref<80x128xi32, #tpu.memory_space<vmem>>, vector<1x16xi32>,
        %get3A_607 = vector.shape_cast %get3A_606 : vector<1x16xi32> to vector<16xi32>
        %and3A_608 = arith.constant 65535 : i32
        %and3A_609 = vector.broadcast %and3A_608 : i32 to vector<16xi32>
        %and3A_610 = arith.andi %get3A_607, %and3A_609 : vector<16xi32>
        %swap3A_611 = arith.constant 1 : i32
        %swap3A_612 = arith.index_cast %swap3A_611 : i32 to index
        %swap3A_613 = arith.constant 112 : index
        %swap3A_614 = tpu.vector_load %arg6[%swap3A_612, %swap3A_613] {strides = array<i32>} : memref<2x128xi32, #tpu.memory_space<vmem>>, vector<1x16xi32>,
        %swap3A_615 = vector.shape_cast %swap3A_614 : vector<1x16xi32> to vector<16xi32>
        %swap3A_616 = vector.shape_cast %and3A_610 : vector<16xi32> to vector<1x16xi32>
        tpu.vector_store %arg6[%swap3A_612, %swap3A_613], %swap3A_616 {strides = array<i32>} : memref<2x128xi32, #tpu.memory_space<vmem>>, vector<1x16xi32>,
        %dma_start3A_617 = arith.constant 1 : i32
        %dma_start3A_618 = arith.constant 0 : i32
        %dma_start3A_619 = tpu.memref_slice %arg6[%dma_start3A_617, %dma_start3A_618] : memref<2x128xi32, #tpu.memory_space<vmem>> -> memref<1x128xi32, #tpu.memory_space<vmem>>
        %dma_start3A_620 = tpu.memref_squeeze %dma_start3A_619 : memref<1x128xi32, #tpu.memory_space<vmem>> -> memref<128xi32, #tpu.memory_space<vmem>>
        %dma_start3A_621 = arith.constant 0 : i32
        %dma_start3A_622 = arith.constant 0 : i32
        %dma_start3A_623 = tpu.memref_slice %arg2[%dma_start3A_621, %dma_start3A_622] : memref<10112x128xf32, #tpu.memory_space<hbm>> -> memref<10112x128xf32, #tpu.memory_space<hbm>>
        tpu.enqueue_indirect_dma source(%dma_start3A_623 : memref<10112x128xf32, #tpu.memory_space<hbm>>) target(%arg12 : memref<128x128xf32, #tpu.memory_space<vmem>>) offsets(%dma_start3A_620 : memref<128xi32, #tpu.memory_space<vmem>>) semaphore(%arg9 : memref<!tpu.dma_semaphore, #tpu.memory_space<semaphore_mem>>)
      } else {
      }
    }
    %scan3A_241 = arith.constant 40 : i32
    %barrier3A_242 = arith.constant 0 : index
    tpu.barrier barrier_id(%barrier3A_242)
    "tpu.region"() ({
      %run_scoped3A = tpu.sem_alloc : memref<!tpu.dma_semaphore, #tpu.memory_space<semaphore_mem>>
      %dma_start3A_243 = arith.constant 0 : i32
      %dma_start3A_244 = arith.constant 0 : i32
      %dma_start3A_245 = tpu.memref_slice %arg4[%arg0, %dma_start3A_243, %dma_start3A_244] : memref<2x10112x128xf32, #tpu.memory_space<hbm>> -> memref<1x10112x128xf32, #tpu.memory_space<hbm>>
      %dma_start3A_246 = tpu.memref_squeeze %dma_start3A_245 : memref<1x10112x128xf32, #tpu.memory_space<hbm>> -> memref<10112x128xf32, #tpu.memory_space<hbm>>
      %dma_start3A_247 = arith.constant 0 : i32
      %dma_start3A_248 = tpu.memref_slice %dma_start3A_246[%multiple_of3A, %dma_start3A_247] : memref<10112x128xf32, #tpu.memory_space<hbm>> -> memref<632x128xf32, #tpu.memory_space<hbm>>
      %dma_start3A_249 = arith.constant 0 : i32
      %dma_start3A_250 = tpu.memref_slice %arg8[%multiple_of3A, %dma_start3A_249] : memref<10112x128xf32, #tpu.memory_space<vmem_shared>> -> memref<632x128xf32, #tpu.memory_space<vmem_shared>>
      tpu.enqueue_dma source(%dma_start3A_250 : memref<632x128xf32, #tpu.memory_space<vmem_shared>>) target(%dma_start3A_248 : memref<632x128xf32, #tpu.memory_space<hbm>>) target_semaphore(%run_scoped3A : memref<!tpu.dma_semaphore, #tpu.memory_space<semaphore_mem>>)
      %dma_wait3A = arith.constant 0 : i32
      %dma_wait3A_251 = arith.constant 0 : i32
      %dma_wait3A_252 = tpu.memref_slice %arg4[%arg0, %dma_wait3A, %dma_wait3A_251] : memref<2x10112x128xf32, #tpu.memory_space<hbm>> -> memref<1x10112x128xf32, #tpu.memory_space<hbm>>
      %dma_wait3A_253 = tpu.memref_squeeze %dma_wait3A_252 : memref<1x10112x128xf32, #tpu.memory_space<hbm>> -> memref<10112x128xf32, #tpu.memory_space<hbm>>
      %dma_wait3A_254 = arith.constant 0 : i32
      %dma_wait3A_255 = tpu.memref_slice %dma_wait3A_253[%multiple_of3A, %dma_wait3A_254] : memref<10112x128xf32, #tpu.memory_space<hbm>> -> memref<632x128xf32, #tpu.memory_space<hbm>>
      %dma_wait3A_256 = arith.constant 0 : i32
      %dma_wait3A_257 = tpu.memref_slice %arg8[%multiple_of3A, %dma_wait3A_256] : memref<10112x128xf32, #tpu.memory_space<vmem_shared>> -> memref<632x128xf32, #tpu.memory_space<vmem_shared>>
      tpu.wait_dma2 semaphore(%run_scoped3A : memref<!tpu.dma_semaphore, #tpu.memory_space<semaphore_mem>>) src(%dma_wait3A_257 : memref<632x128xf32, #tpu.memory_space<vmem_shared>>) dst(%dma_wait3A_255 : memref<632x128xf32, #tpu.memory_space<hbm>>)
      tpu.yield
    }) : () -> ()
    return
  }
}

#map = affine_map<(d0, d1) -> (0, 0)>
#map1 = affine_map<(d0, d1) -> (0, 0, 0)>
module attributes {stable_mosaic.version = 14 : i64} {
  func.func @body(%arg0: i32, %arg1: i32, %arg2: memref<10112x128xf32, #tpu.memory_space<hbm>>, %arg3: memref<32x80x128xi32, #tpu.memory_space<hbm>>, %arg4: memref<2x10112x128xf32, #tpu.memory_space<hbm>>, %arg5: memref<80x128xi32, #tpu.memory_space<vmem>>, %arg6: memref<2x128xi32, #tpu.memory_space<vmem>>, %arg7: memref<2x128xi32, #tpu.memory_space<vmem>>, %arg8: memref<10112x128xf32, #tpu.memory_space<vmem_shared>>, %arg9: memref<!tpu.dma_semaphore, #tpu.memory_space<semaphore_mem>>, %arg10: memref<!tpu.dma_semaphore, #tpu.memory_space<semaphore_mem>>, %arg11: memref<128x128xf32, #tpu.memory_space<vmem>>, %arg12: memref<128x128xf32, #tpu.memory_space<vmem>>) attributes {dimension_semantics = [#tpu.dimension_semantics<core_parallel>, #tpu.dimension_semantics<subcore_parallel>], iteration_bounds = array<i64: 2, 16>, scalar_prefetch = 0 : i64, scratch_operands = 8 : i64, tpu.core_type = #tpu.core_type<sc_vector_subcore>, window_params = [{transform_indices = #map}, {transform_indices = #map1}, {transform_indices = #map1}]} {
    %mul3A = arith.constant 16 : i32
    %mul3A_0 = arith.muli %arg0, %mul3A : i32
    %add3A = arith.addi %mul3A_0, %arg1 : i32
    %mul3A_1 = arith.constant 632 : i32
    %mul3A_2 = arith.muli %arg1, %mul3A_1 : i32
    %multiple_of3A = tpu.assume_multiple %mul3A_2, 8 : i32
    "tpu.region"() ({
      %run_scoped3A = tpu.sem_alloc : memref<!tpu.dma_semaphore, #tpu.memory_space<semaphore_mem>>
      %dma_start3A_243 = arith.constant 0 : i32
      %dma_start3A_244 = arith.constant 0 : i32
      %dma_start3A_245 = tpu.memref_slice %arg3[%add3A, %dma_start3A_243, %dma_start3A_244] : memref<32x80x128xi32, #tpu.memory_space<hbm>> -> memref<1x80x128xi32, #tpu.memory_space<hbm>>
      %dma_start3A_246 = tpu.memref_squeeze %dma_start3A_245 : memref<1x80x128xi32, #tpu.memory_space<hbm>> -> memref<80x128xi32, #tpu.memory_space<hbm>>
      %dma_start3A_247 = arith.constant 0 : i32
      %dma_start3A_248 = arith.constant 0 : i32
      %dma_start3A_249 = tpu.memref_slice %arg3[%add3A, %dma_start3A_247, %dma_start3A_248] : memref<32x80x128xi32, #tpu.memory_space<hbm>> -> memref<1x80x128xi32, #tpu.memory_space<hbm>>
      %dma_start3A_250 = tpu.memref_squeeze %dma_start3A_249 : memref<1x80x128xi32, #tpu.memory_space<hbm>> -> memref<80x128xi32, #tpu.memory_space<hbm>>
      tpu.enqueue_dma source(%dma_start3A_250 : memref<80x128xi32, #tpu.memory_space<hbm>>) target(%arg5 : memref<80x128xi32, #tpu.memory_space<vmem>>) target_semaphore(%run_scoped3A : memref<!tpu.dma_semaphore, #tpu.memory_space<semaphore_mem>>)
      %dma_wait3A = arith.constant 0 : i32
      %dma_wait3A_251 = arith.constant 0 : i32
      %dma_wait3A_252 = tpu.memref_slice %arg3[%add3A, %dma_wait3A, %dma_wait3A_251] : memref<32x80x128xi32, #tpu.memory_space<hbm>> -> memref<1x80x128xi32, #tpu.memory_space<hbm>>
      %dma_wait3A_253 = tpu.memref_squeeze %dma_wait3A_252 : memref<1x80x128xi32, #tpu.memory_space<hbm>> -> memref<80x128xi32, #tpu.memory_space<hbm>>
      %dma_wait3A_254 = arith.constant 0 : i32
      %dma_wait3A_255 = arith.constant 0 : i32
      %dma_wait3A_256 = tpu.memref_slice %arg3[%add3A, %dma_wait3A_254, %dma_wait3A_255] : memref<32x80x128xi32, #tpu.memory_space<hbm>> -> memref<1x80x128xi32, #tpu.memory_space<hbm>>
      %dma_wait3A_257 = tpu.memref_squeeze %dma_wait3A_256 : memref<1x80x128xi32, #tpu.memory_space<hbm>> -> memref<80x128xi32, #tpu.memory_space<hbm>>
      tpu.wait_dma2 semaphore(%run_scoped3A : memref<!tpu.dma_semaphore, #tpu.memory_space<semaphore_mem>>) src(%dma_wait3A_257 : memref<80x128xi32, #tpu.memory_space<hbm>>) dst(%arg5 : memref<80x128xi32, #tpu.memory_space<vmem>>)
      tpu.yield
    }) : () -> ()
    %get3A = arith.constant 0 : i32
    %get3A_3 = arith.index_cast %get3A : i32 to index
    %get3A_4 = arith.constant 0 : index
    %get3A_5 = tpu.vector_load %arg5[%get3A_3, %get3A_4] {strides = array<i32>} : memref<80x128xi32, #tpu.memory_space<vmem>>, vector<1x16xi32>,
    %get3A_6 = vector.shape_cast %get3A_5 : vector<1x16xi32> to vector<16xi32>
    %and3A = arith.constant 65535 : i32
    %and3A_7 = vector.broadcast %and3A : i32 to vector<16xi32>
    %and3A_8 = arith.andi %get3A_6, %and3A_7 : vector<16xi32>
    %swap3A = arith.constant 0 : i32
    %swap3A_9 = arith.index_cast %swap3A : i32 to index
    %swap3A_10 = arith.constant 0 : index
    %swap3A_11 = tpu.vector_load %arg6[%swap3A_9, %swap3A_10] {strides = array<i32>} : memref<2x128xi32, #tpu.memory_space<vmem>>, vector<1x16xi32>,
    %swap3A_12 = vector.shape_cast %swap3A_11 : vector<1x16xi32> to vector<16xi32>
    %swap3A_13 = vector.shape_cast %and3A_8 : vector<16xi32> to vector<1x16xi32>
    tpu.vector_store %arg6[%swap3A_9, %swap3A_10], %swap3A_13 {strides = array<i32>} : memref<2x128xi32, #tpu.memory_space<vmem>>, vector<1x16xi32>,
    %get3A_14 = arith.constant 0 : i32
    %get3A_15 = arith.index_cast %get3A_14 : i32 to index
    %get3A_16 = arith.constant 16 : index
    %get3A_17 = tpu.vector_load %arg5[%get3A_15, %get3A_16] {strides = array<i32>} : memref<80x128xi32, #tpu.memory_space<vmem>>, vector<1x16xi32>,
    %get3A_18 = vector.shape_cast %get3A_17 : vector<1x16xi32> to vector<16xi32>
    %and3A_19 = arith.constant 65535 : i32
    %and3A_20 = vector.broadcast %and3A_19 : i32 to vector<16xi32>
    %and3A_21 = arith.andi %get3A_18, %and3A_20 : vector<16xi32>
    %swap3A_22 = arith.constant 0 : i32
    %swap3A_23 = arith.index_cast %swap3A_22 : i32 to index
    %swap3A_24 = arith.constant 16 : index
    %swap3A_25 = tpu.vector_load %arg6[%swap3A_23, %swap3A_24] {strides = array<i32>} : memref<2x128xi32, #tpu.memory_space<vmem>>, vector<1x16xi32>,
    %swap3A_26 = vector.shape_cast %swap3A_25 : vector<1x16xi32> to vector<16xi32>
    %swap3A_27 = vector.shape_cast %and3A_21 : vector<16xi32> to vector<1x16xi32>
    tpu.vector_store %arg6[%swap3A_23, %swap3A_24], %swap3A_27 {strides = array<i32>} : memref<2x128xi32, #tpu.memory_space<vmem>>, vector<1x16xi32>,
    %get3A_28 = arith.constant 0 : i32
    %get3A_29 = arith.index_cast %get3A_28 : i32 to index
    %get3A_30 = arith.constant 32 : index
    %get3A_31 = tpu.vector_load %arg5[%get3A_29, %get3A_30] {strides = array<i32>} : memref<80x128xi32, #tpu.memory_space<vmem>>, vector<1x16xi32>,
    %get3A_32 = vector.shape_cast %get3A_31 : vector<1x16xi32> to vector<16xi32>
    %and3A_33 = arith.constant 65535 : i32
    %and3A_34 = vector.broadcast %and3A_33 : i32 to vector<16xi32>
    %and3A_35 = arith.andi %get3A_32, %and3A_34 : vector<16xi32>
    %swap3A_36 = arith.constant 0 : i32
    %swap3A_37 = arith.index_cast %swap3A_36 : i32 to index
    %swap3A_38 = arith.constant 32 : index
    %swap3A_39 = tpu.vector_load %arg6[%swap3A_37, %swap3A_38] {strides = array<i32>} : memref<2x128xi32, #tpu.memory_space<vmem>>, vector<1x16xi32>,
    %swap3A_40 = vector.shape_cast %swap3A_39 : vector<1x16xi32> to vector<16xi32>
    %swap3A_41 = vector.shape_cast %and3A_35 : vector<16xi32> to vector<1x16xi32>
    tpu.vector_store %arg6[%swap3A_37, %swap3A_38], %swap3A_41 {strides = array<i32>} : memref<2x128xi32, #tpu.memory_space<vmem>>, vector<1x16xi32>,
    %get3A_42 = arith.constant 0 : i32
    %get3A_43 = arith.index_cast %get3A_42 : i32 to index
    %get3A_44 = arith.constant 48 : index
    %get3A_45 = tpu.vector_load %arg5[%get3A_43, %get3A_44] {strides = array<i32>} : memref<80x128xi32, #tpu.memory_space<vmem>>, vector<1x16xi32>,
    %get3A_46 = vector.shape_cast %get3A_45 : vector<1x16xi32> to vector<16xi32>
    %and3A_47 = arith.constant 65535 : i32
    %and3A_48 = vector.broadcast %and3A_47 : i32 to vector<16xi32>
    %and3A_49 = arith.andi %get3A_46, %and3A_48 : vector<16xi32>
    %swap3A_50 = arith.constant 0 : i32
    %swap3A_51 = arith.index_cast %swap3A_50 : i32 to index
    %swap3A_52 = arith.constant 48 : index
    %swap3A_53 = tpu.vector_load %arg6[%swap3A_51, %swap3A_52] {strides = array<i32>} : memref<2x128xi32, #tpu.memory_space<vmem>>, vector<1x16xi32>,
    %swap3A_54 = vector.shape_cast %swap3A_53 : vector<1x16xi32> to vector<16xi32>
    %swap3A_55 = vector.shape_cast %and3A_49 : vector<16xi32> to vector<1x16xi32>
    tpu.vector_store %arg6[%swap3A_51, %swap3A_52], %swap3A_55 {strides = array<i32>} : memref<2x128xi32, #tpu.memory_space<vmem>>, vector<1x16xi32>,
    %get3A_56 = arith.constant 0 : i32
    %get3A_57 = arith.index_cast %get3A_56 : i32 to index
    %get3A_58 = arith.constant 64 : index
    %get3A_59 = tpu.vector_load %arg5[%get3A_57, %get3A_58] {strides = array<i32>} : memref<80x128xi32, #tpu.memory_space<vmem>>, vector<1x16xi32>,
    %get3A_60 = vector.shape_cast %get3A_59 : vector<1x16xi32> to vector<16xi32>
    %and3A_61 = arith.constant 65535 : i32
    %and3A_62 = vector.broadcast %and3A_61 : i32 to vector<16xi32>
    %and3A_63 = arith.andi %get3A_60, %and3A_62 : vector<16xi32>
    %swap3A_64 = arith.constant 0 : i32
    %swap3A_65 = arith.index_cast %swap3A_64 : i32 to index
    %swap3A_66 = arith.constant 64 : index
    %swap3A_67 = tpu.vector_load %arg6[%swap3A_65, %swap3A_66] {strides = array<i32>} : memref<2x128xi32, #tpu.memory_space<vmem>>, vector<1x16xi32>,
    %swap3A_68 = vector.shape_cast %swap3A_67 : vector<1x16xi32> to vector<16xi32>
    %swap3A_69 = vector.shape_cast %and3A_63 : vector<16xi32> to vector<1x16xi32>
    tpu.vector_store %arg6[%swap3A_65, %swap3A_66], %swap3A_69 {strides = array<i32>} : memref<2x128xi32, #tpu.memory_space<vmem>>, vector<1x16xi32>,
    %get3A_70 = arith.constant 0 : i32
    %get3A_71 = arith.index_cast %get3A_70 : i32 to index
    %get3A_72 = arith.constant 80 : index
    %get3A_73 = tpu.vector_load %arg5[%get3A_71, %get3A_72] {strides = array<i32>} : memref<80x128xi32, #tpu.memory_space<vmem>>, vector<1x16xi32>,
    %get3A_74 = vector.shape_cast %get3A_73 : vector<1x16xi32> to vector<16xi32>
    %and3A_75 = arith.constant 65535 : i32
    %and3A_76 = vector.broadcast %and3A_75 : i32 to vector<16xi32>
    %and3A_77 = arith.andi %get3A_74, %and3A_76 : vector<16xi32>
    %swap3A_78 = arith.constant 0 : i32
    %swap3A_79 = arith.index_cast %swap3A_78 : i32 to index
    %swap3A_80 = arith.constant 80 : index
    %swap3A_81 = tpu.vector_load %arg6[%swap3A_79, %swap3A_80] {strides = array<i32>} : memref<2x128xi32, #tpu.memory_space<vmem>>, vector<1x16xi32>,
    %swap3A_82 = vector.shape_cast %swap3A_81 : vector<1x16xi32> to vector<16xi32>
    %swap3A_83 = vector.shape_cast %and3A_77 : vector<16xi32> to vector<1x16xi32>
    tpu.vector_store %arg6[%swap3A_79, %swap3A_80], %swap3A_83 {strides = array<i32>} : memref<2x128xi32, #tpu.memory_space<vmem>>, vector<1x16xi32>,
    %get3A_84 = arith.constant 0 : i32
    %get3A_85 = arith.index_cast %get3A_84 : i32 to index
    %get3A_86 = arith.constant 96 : index
    %get3A_87 = tpu.vector_load %arg5[%get3A_85, %get3A_86] {strides = array<i32>} : memref<80x128xi32, #tpu.memory_space<vmem>>, vector<1x16xi32>,
    %get3A_88 = vector.shape_cast %get3A_87 : vector<1x16xi32> to vector<16xi32>
    %and3A_89 = arith.constant 65535 : i32
    %and3A_90 = vector.broadcast %and3A_89 : i32 to vector<16xi32>
    %and3A_91 = arith.andi %get3A_88, %and3A_90 : vector<16xi32>
    %swap3A_92 = arith.constant 0 : i32
    %swap3A_93 = arith.index_cast %swap3A_92 : i32 to index
    %swap3A_94 = arith.constant 96 : index
    %swap3A_95 = tpu.vector_load %arg6[%swap3A_93, %swap3A_94] {strides = array<i32>} : memref<2x128xi32, #tpu.memory_space<vmem>>, vector<1x16xi32>,
    %swap3A_96 = vector.shape_cast %swap3A_95 : vector<1x16xi32> to vector<16xi32>
    %swap3A_97 = vector.shape_cast %and3A_91 : vector<16xi32> to vector<1x16xi32>
    tpu.vector_store %arg6[%swap3A_93, %swap3A_94], %swap3A_97 {strides = array<i32>} : memref<2x128xi32, #tpu.memory_space<vmem>>, vector<1x16xi32>,
    %get3A_98 = arith.constant 0 : i32
    %get3A_99 = arith.index_cast %get3A_98 : i32 to index
    %get3A_100 = arith.constant 112 : index
    %get3A_101 = tpu.vector_load %arg5[%get3A_99, %get3A_100] {strides = array<i32>} : memref<80x128xi32, #tpu.memory_space<vmem>>, vector<1x16xi32>,
    %get3A_102 = vector.shape_cast %get3A_101 : vector<1x16xi32> to vector<16xi32>
    %and3A_103 = arith.constant 65535 : i32
    %and3A_104 = vector.broadcast %and3A_103 : i32 to vector<16xi32>
    %and3A_105 = arith.andi %get3A_102, %and3A_104 : vector<16xi32>
    %swap3A_106 = arith.constant 0 : i32
    %swap3A_107 = arith.index_cast %swap3A_106 : i32 to index
    %swap3A_108 = arith.constant 112 : index
    %swap3A_109 = tpu.vector_load %arg6[%swap3A_107, %swap3A_108] {strides = array<i32>} : memref<2x128xi32, #tpu.memory_space<vmem>>, vector<1x16xi32>,
    %swap3A_110 = vector.shape_cast %swap3A_109 : vector<1x16xi32> to vector<16xi32>
    %swap3A_111 = vector.shape_cast %and3A_105 : vector<16xi32> to vector<1x16xi32>
    tpu.vector_store %arg6[%swap3A_107, %swap3A_108], %swap3A_111 {strides = array<i32>} : memref<2x128xi32, #tpu.memory_space<vmem>>, vector<1x16xi32>,
    %dma_start3A = arith.constant 0 : i32
    %dma_start3A_112 = arith.constant 0 : i32
    %dma_start3A_113 = tpu.memref_slice %arg6[%dma_start3A, %dma_start3A_112] : memref<2x128xi32, #tpu.memory_space<vmem>> -> memref<1x128xi32, #tpu.memory_space<vmem>>
    %dma_start3A_114 = tpu.memref_squeeze %dma_start3A_113 : memref<1x128xi32, #tpu.memory_space<vmem>> -> memref<128xi32, #tpu.memory_space<vmem>>
    %dma_start3A_115 = arith.constant 0 : i32
    %dma_start3A_116 = arith.constant 0 : i32
    %dma_start3A_117 = tpu.memref_slice %arg2[%dma_start3A_115, %dma_start3A_116] : memref<10112x128xf32, #tpu.memory_space<hbm>> -> memref<10112x128xf32, #tpu.memory_space<hbm>>
    tpu.enqueue_indirect_dma source(%dma_start3A_117 : memref<10112x128xf32, #tpu.memory_space<hbm>>) target(%arg11 : memref<128x128xf32, #tpu.memory_space<vmem>>) offsets(%dma_start3A_114 : memref<128xi32, #tpu.memory_space<vmem>>) semaphore(%arg9 : memref<!tpu.dma_semaphore, #tpu.memory_space<semaphore_mem>>)
    %get3A_118 = arith.constant 1 : i32
    %get3A_119 = arith.index_cast %get3A_118 : i32 to index
    %get3A_120 = arith.constant 0 : index
    %get3A_121 = tpu.vector_load %arg5[%get3A_119, %get3A_120] {strides = array<i32>} : memref<80x128xi32, #tpu.memory_space<vmem>>, vector<1x16xi32>,
    %get3A_122 = vector.shape_cast %get3A_121 : vector<1x16xi32> to vector<16xi32>
    %and3A_123 = arith.constant 65535 : i32
    %and3A_124 = vector.broadcast %and3A_123 : i32 to vector<16xi32>
    %and3A_125 = arith.andi %get3A_122, %and3A_124 : vector<16xi32>
    %swap3A_126 = arith.constant 1 : i32
    %swap3A_127 = arith.index_cast %swap3A_126 : i32 to index
    %swap3A_128 = arith.constant 0 : index
    %swap3A_129 = tpu.vector_load %arg6[%swap3A_127, %swap3A_128] {strides = array<i32>} : memref<2x128xi32, #tpu.memory_space<vmem>>, vector<1x16xi32>,
    %swap3A_130 = vector.shape_cast %swap3A_129 : vector<1x16xi32> to vector<16xi32>
    %swap3A_131 = vector.shape_cast %and3A_125 : vector<16xi32> to vector<1x16xi32>
    tpu.vector_store %arg6[%swap3A_127, %swap3A_128], %swap3A_131 {strides = array<i32>} : memref<2x128xi32, #tpu.memory_space<vmem>>, vector<1x16xi32>,
    %get3A_132 = arith.constant 1 : i32
    %get3A_133 = arith.index_cast %get3A_132 : i32 to index
    %get3A_134 = arith.constant 16 : index
    %get3A_135 = tpu.vector_load %arg5[%get3A_133, %get3A_134] {strides = array<i32>} : memref<80x128xi32, #tpu.memory_space<vmem>>, vector<1x16xi32>,
    %get3A_136 = vector.shape_cast %get3A_135 : vector<1x16xi32> to vector<16xi32>
    %and3A_137 = arith.constant 65535 : i32
    %and3A_138 = vector.broadcast %and3A_137 : i32 to vector<16xi32>
    %and3A_139 = arith.andi %get3A_136, %and3A_138 : vector<16xi32>
    %swap3A_140 = arith.constant 1 : i32
    %swap3A_141 = arith.index_cast %swap3A_140 : i32 to index
    %swap3A_142 = arith.constant 16 : index
    %swap3A_143 = tpu.vector_load %arg6[%swap3A_141, %swap3A_142] {strides = array<i32>} : memref<2x128xi32, #tpu.memory_space<vmem>>, vector<1x16xi32>,
    %swap3A_144 = vector.shape_cast %swap3A_143 : vector<1x16xi32> to vector<16xi32>
    %swap3A_145 = vector.shape_cast %and3A_139 : vector<16xi32> to vector<1x16xi32>
    tpu.vector_store %arg6[%swap3A_141, %swap3A_142], %swap3A_145 {strides = array<i32>} : memref<2x128xi32, #tpu.memory_space<vmem>>, vector<1x16xi32>,
    %get3A_146 = arith.constant 1 : i32
    %get3A_147 = arith.index_cast %get3A_146 : i32 to index
    %get3A_148 = arith.constant 32 : index
    %get3A_149 = tpu.vector_load %arg5[%get3A_147, %get3A_148] {strides = array<i32>} : memref<80x128xi32, #tpu.memory_space<vmem>>, vector<1x16xi32>,
    %get3A_150 = vector.shape_cast %get3A_149 : vector<1x16xi32> to vector<16xi32>
    %and3A_151 = arith.constant 65535 : i32
    %and3A_152 = vector.broadcast %and3A_151 : i32 to vector<16xi32>
    %and3A_153 = arith.andi %get3A_150, %and3A_152 : vector<16xi32>
    %swap3A_154 = arith.constant 1 : i32
    %swap3A_155 = arith.index_cast %swap3A_154 : i32 to index
    %swap3A_156 = arith.constant 32 : index
    %swap3A_157 = tpu.vector_load %arg6[%swap3A_155, %swap3A_156] {strides = array<i32>} : memref<2x128xi32, #tpu.memory_space<vmem>>, vector<1x16xi32>,
    %swap3A_158 = vector.shape_cast %swap3A_157 : vector<1x16xi32> to vector<16xi32>
    %swap3A_159 = vector.shape_cast %and3A_153 : vector<16xi32> to vector<1x16xi32>
    tpu.vector_store %arg6[%swap3A_155, %swap3A_156], %swap3A_159 {strides = array<i32>} : memref<2x128xi32, #tpu.memory_space<vmem>>, vector<1x16xi32>,
    %get3A_160 = arith.constant 1 : i32
    %get3A_161 = arith.index_cast %get3A_160 : i32 to index
    %get3A_162 = arith.constant 48 : index
    %get3A_163 = tpu.vector_load %arg5[%get3A_161, %get3A_162] {strides = array<i32>} : memref<80x128xi32, #tpu.memory_space<vmem>>, vector<1x16xi32>,
    %get3A_164 = vector.shape_cast %get3A_163 : vector<1x16xi32> to vector<16xi32>
    %and3A_165 = arith.constant 65535 : i32
    %and3A_166 = vector.broadcast %and3A_165 : i32 to vector<16xi32>
    %and3A_167 = arith.andi %get3A_164, %and3A_166 : vector<16xi32>
    %swap3A_168 = arith.constant 1 : i32
    %swap3A_169 = arith.index_cast %swap3A_168 : i32 to index
    %swap3A_170 = arith.constant 48 : index
    %swap3A_171 = tpu.vector_load %arg6[%swap3A_169, %swap3A_170] {strides = array<i32>} : memref<2x128xi32, #tpu.memory_space<vmem>>, vector<1x16xi32>,
    %swap3A_172 = vector.shape_cast %swap3A_171 : vector<1x16xi32> to vector<16xi32>
    %swap3A_173 = vector.shape_cast %and3A_167 : vector<16xi32> to vector<1x16xi32>
    tpu.vector_store %arg6[%swap3A_169, %swap3A_170], %swap3A_173 {strides = array<i32>} : memref<2x128xi32, #tpu.memory_space<vmem>>, vector<1x16xi32>,
    %get3A_174 = arith.constant 1 : i32
    %get3A_175 = arith.index_cast %get3A_174 : i32 to index
    %get3A_176 = arith.constant 64 : index
    %get3A_177 = tpu.vector_load %arg5[%get3A_175, %get3A_176] {strides = array<i32>} : memref<80x128xi32, #tpu.memory_space<vmem>>, vector<1x16xi32>,
    %get3A_178 = vector.shape_cast %get3A_177 : vector<1x16xi32> to vector<16xi32>
    %and3A_179 = arith.constant 65535 : i32
    %and3A_180 = vector.broadcast %and3A_179 : i32 to vector<16xi32>
    %and3A_181 = arith.andi %get3A_178, %and3A_180 : vector<16xi32>
    %swap3A_182 = arith.constant 1 : i32
    %swap3A_183 = arith.index_cast %swap3A_182 : i32 to index
    %swap3A_184 = arith.constant 64 : index
    %swap3A_185 = tpu.vector_load %arg6[%swap3A_183, %swap3A_184] {strides = array<i32>} : memref<2x128xi32, #tpu.memory_space<vmem>>, vector<1x16xi32>,
    %swap3A_186 = vector.shape_cast %swap3A_185 : vector<1x16xi32> to vector<16xi32>
    %swap3A_187 = vector.shape_cast %and3A_181 : vector<16xi32> to vector<1x16xi32>
    tpu.vector_store %arg6[%swap3A_183, %swap3A_184], %swap3A_187 {strides = array<i32>} : memref<2x128xi32, #tpu.memory_space<vmem>>, vector<1x16xi32>,
    %get3A_188 = arith.constant 1 : i32
    %get3A_189 = arith.index_cast %get3A_188 : i32 to index
    %get3A_190 = arith.constant 80 : index
    %get3A_191 = tpu.vector_load %arg5[%get3A_189, %get3A_190] {strides = array<i32>} : memref<80x128xi32, #tpu.memory_space<vmem>>, vector<1x16xi32>,
    %get3A_192 = vector.shape_cast %get3A_191 : vector<1x16xi32> to vector<16xi32>
    %and3A_193 = arith.constant 65535 : i32
    %and3A_194 = vector.broadcast %and3A_193 : i32 to vector<16xi32>
    %and3A_195 = arith.andi %get3A_192, %and3A_194 : vector<16xi32>
    %swap3A_196 = arith.constant 1 : i32
    %swap3A_197 = arith.index_cast %swap3A_196 : i32 to index
    %swap3A_198 = arith.constant 80 : index
    %swap3A_199 = tpu.vector_load %arg6[%swap3A_197, %swap3A_198] {strides = array<i32>} : memref<2x128xi32, #tpu.memory_space<vmem>>, vector<1x16xi32>,
    %swap3A_200 = vector.shape_cast %swap3A_199 : vector<1x16xi32> to vector<16xi32>
    %swap3A_201 = vector.shape_cast %and3A_195 : vector<16xi32> to vector<1x16xi32>
    tpu.vector_store %arg6[%swap3A_197, %swap3A_198], %swap3A_201 {strides = array<i32>} : memref<2x128xi32, #tpu.memory_space<vmem>>, vector<1x16xi32>,
    %get3A_202 = arith.constant 1 : i32
    %get3A_203 = arith.index_cast %get3A_202 : i32 to index
    %get3A_204 = arith.constant 96 : index
    %get3A_205 = tpu.vector_load %arg5[%get3A_203, %get3A_204] {strides = array<i32>} : memref<80x128xi32, #tpu.memory_space<vmem>>, vector<1x16xi32>,
    %get3A_206 = vector.shape_cast %get3A_205 : vector<1x16xi32> to vector<16xi32>
    %and3A_207 = arith.constant 65535 : i32
    %and3A_208 = vector.broadcast %and3A_207 : i32 to vector<16xi32>
    %and3A_209 = arith.andi %get3A_206, %and3A_208 : vector<16xi32>
    %swap3A_210 = arith.constant 1 : i32
    %swap3A_211 = arith.index_cast %swap3A_210 : i32 to index
    %swap3A_212 = arith.constant 96 : index
    %swap3A_213 = tpu.vector_load %arg6[%swap3A_211, %swap3A_212] {strides = array<i32>} : memref<2x128xi32, #tpu.memory_space<vmem>>, vector<1x16xi32>,
    %swap3A_214 = vector.shape_cast %swap3A_213 : vector<1x16xi32> to vector<16xi32>
    %swap3A_215 = vector.shape_cast %and3A_209 : vector<16xi32> to vector<1x16xi32>
    tpu.vector_store %arg6[%swap3A_211, %swap3A_212], %swap3A_215 {strides = array<i32>} : memref<2x128xi32, #tpu.memory_space<vmem>>, vector<1x16xi32>,
    %get3A_216 = arith.constant 1 : i32
    %get3A_217 = arith.index_cast %get3A_216 : i32 to index
    %get3A_218 = arith.constant 112 : index
    %get3A_219 = tpu.vector_load %arg5[%get3A_217, %get3A_218] {strides = array<i32>} : memref<80x128xi32, #tpu.memory_space<vmem>>, vector<1x16xi32>,
    %get3A_220 = vector.shape_cast %get3A_219 : vector<1x16xi32> to vector<16xi32>
    %and3A_221 = arith.constant 65535 : i32
    %and3A_222 = vector.broadcast %and3A_221 : i32 to vector<16xi32>
    %and3A_223 = arith.andi %get3A_220, %and3A_222 : vector<16xi32>
    %swap3A_224 = arith.constant 1 : i32
    %swap3A_225 = arith.index_cast %swap3A_224 : i32 to index
    %swap3A_226 = arith.constant 112 : index
    %swap3A_227 = tpu.vector_load %arg6[%swap3A_225, %swap3A_226] {strides = array<i32>} : memref<2x128xi32, #tpu.memory_space<vmem>>, vector<1x16xi32>,
    %swap3A_228 = vector.shape_cast %swap3A_227 : vector<1x16xi32> to vector<16xi32>
    %swap3A_229 = vector.shape_cast %and3A_223 : vector<16xi32> to vector<1x16xi32>
    tpu.vector_store %arg6[%swap3A_225, %swap3A_226], %swap3A_229 {strides = array<i32>} : memref<2x128xi32, #tpu.memory_space<vmem>>, vector<1x16xi32>,
    %dma_start3A_230 = arith.constant 1 : i32
    %dma_start3A_231 = arith.constant 0 : i32
    %dma_start3A_232 = tpu.memref_slice %arg6[%dma_start3A_230, %dma_start3A_231] : memref<2x128xi32, #tpu.memory_space<vmem>> -> memref<1x128xi32, #tpu.memory_space<vmem>>
    %dma_start3A_233 = tpu.memref_squeeze %dma_start3A_232 : memref<1x128xi32, #tpu.memory_space<vmem>> -> memref<128xi32, #tpu.memory_space<vmem>>
    %dma_start3A_234 = arith.constant 0 : i32
    %dma_start3A_235 = arith.constant 0 : i32
    %dma_start3A_236 = tpu.memref_slice %arg2[%dma_start3A_234, %dma_start3A_235] : memref<10112x128xf32, #tpu.memory_space<hbm>> -> memref<10112x128xf32, #tpu.memory_space<hbm>>
    tpu.enqueue_indirect_dma source(%dma_start3A_236 : memref<10112x128xf32, #tpu.memory_space<hbm>>) target(%arg12 : memref<128x128xf32, #tpu.memory_space<vmem>>) offsets(%dma_start3A_233 : memref<128xi32, #tpu.memory_space<vmem>>) semaphore(%arg9 : memref<!tpu.dma_semaphore, #tpu.memory_space<semaphore_mem>>)
    "tpu.region"() ({
      %run_scoped3A = tpu.sem_alloc : memref<!tpu.dma_semaphore, #tpu.memory_space<semaphore_mem>>
      %dma_start3A_243 = arith.constant 0 : i32
      %dma_start3A_244 = tpu.memref_slice %arg8[%multiple_of3A, %dma_start3A_243] : memref<10112x128xf32, #tpu.memory_space<vmem_shared>> -> memref<632x128xf32, #tpu.memory_space<vmem_shared>>
      %dma_start3A_245 = arith.constant 0 : i32
      %dma_start3A_246 = tpu.memref_slice %arg2[%multiple_of3A, %dma_start3A_245] : memref<10112x128xf32, #tpu.memory_space<hbm>> -> memref<632x128xf32, #tpu.memory_space<hbm>>
      tpu.enqueue_dma source(%dma_start3A_246 : memref<632x128xf32, #tpu.memory_space<hbm>>) target(%dma_start3A_244 : memref<632x128xf32, #tpu.memory_space<vmem_shared>>) target_semaphore(%run_scoped3A : memref<!tpu.dma_semaphore, #tpu.memory_space<semaphore_mem>>)
      %dma_wait3A = arith.constant 0 : i32
      %dma_wait3A_247 = tpu.memref_slice %arg8[%multiple_of3A, %dma_wait3A] : memref<10112x128xf32, #tpu.memory_space<vmem_shared>> -> memref<632x128xf32, #tpu.memory_space<vmem_shared>>
      %dma_wait3A_248 = arith.constant 0 : i32
      %dma_wait3A_249 = tpu.memref_slice %arg2[%multiple_of3A, %dma_wait3A_248] : memref<10112x128xf32, #tpu.memory_space<hbm>> -> memref<632x128xf32, #tpu.memory_space<hbm>>
      tpu.wait_dma2 semaphore(%run_scoped3A : memref<!tpu.dma_semaphore, #tpu.memory_space<semaphore_mem>>) src(%dma_wait3A_249 : memref<632x128xf32, #tpu.memory_space<hbm>>) dst(%dma_wait3A_247 : memref<632x128xf32, #tpu.memory_space<vmem_shared>>)
      tpu.yield
    }) : () -> ()
    %barrier3A = arith.constant 0 : index
    tpu.barrier barrier_id(%barrier3A)
    %scan3A = arith.constant 0 : i32
    %scan3A_237 = arith.constant 0 : i32
    %scan3A_238 = arith.constant 40 : i32
    %scan3A_239 = arith.addi %scan3A_237, %scan3A_238 : i32
    %scan3A_240 = arith.constant 1 : i32
    scf.for %scan3A_243 = %scan3A_237 to %scan3A_239 step %scan3A_240  : i32 {
      %mul3A_244 = arith.constant 2 : i32
      %mul3A_245 = arith.muli %scan3A_243, %mul3A_244 : i32
      %add3A_246 = arith.constant 0 : i32
      %add3A_247 = arith.addi %mul3A_245, %add3A_246 : i32
      %dma_wait3A = arith.constant 0 : i32
      %dma_wait3A_248 = arith.constant 0 : i32
      %dma_wait3A_249 = tpu.memref_slice %arg6[%dma_wait3A, %dma_wait3A_248] : memref<2x128xi32, #tpu.memory_space<vmem>> -> memref<1x128xi32, #tpu.memory_space<vmem>>
      %dma_wait3A_250 = tpu.memref_squeeze %dma_wait3A_249 : memref<1x128xi32, #tpu.memory_space<vmem>> -> memref<128xi32, #tpu.memory_space<vmem>>
      %dma_wait3A_251 = arith.constant 0 : i32
      %dma_wait3A_252 = arith.constant 0 : i32
      %dma_wait3A_253 = tpu.memref_slice %arg2[%dma_wait3A_251, %dma_wait3A_252] : memref<10112x128xf32, #tpu.memory_space<hbm>> -> memref<10112x128xf32, #tpu.memory_space<hbm>>
      tpu.wait_indirect_dma semaphore(%arg9 : memref<!tpu.dma_semaphore, #tpu.memory_space<semaphore_mem>>) src(%dma_wait3A_253 : memref<10112x128xf32, #tpu.memory_space<hbm>>) dst(%arg11 : memref<128x128xf32, #tpu.memory_space<vmem>>)
      %get3A_254 = arith.index_cast %add3A_247 : i32 to index
      %get3A_255 = arith.constant 0 : index
      %get3A_256 = tpu.vector_load %arg5[%get3A_254, %get3A_255] {strides = array<i32>} : memref<80x128xi32, #tpu.memory_space<vmem>>, vector<1x16xi32>,
      %get3A_257 = vector.shape_cast %get3A_256 : vector<1x16xi32> to vector<16xi32>
      %shift_right_logical3A = arith.constant 16 : i32
      %shift_right_logical3A_258 = vector.broadcast %shift_right_logical3A : i32 to vector<16xi32>
      %shift_right_logical3A_259 = arith.shrui %get3A_257, %shift_right_logical3A_258 : vector<16xi32>
      %swap3A_260 = arith.constant 0 : i32
      %swap3A_261 = arith.index_cast %swap3A_260 : i32 to index
      %swap3A_262 = arith.constant 0 : index
      %swap3A_263 = tpu.vector_load %arg7[%swap3A_261, %swap3A_262] {strides = array<i32>} : memref<2x128xi32, #tpu.memory_space<vmem>>, vector<1x16xi32>,
      %swap3A_264 = vector.shape_cast %swap3A_263 : vector<1x16xi32> to vector<16xi32>
      %swap3A_265 = vector.shape_cast %shift_right_logical3A_259 : vector<16xi32> to vector<1x16xi32>
      tpu.vector_store %arg7[%swap3A_261, %swap3A_262], %swap3A_265 {strides = array<i32>} : memref<2x128xi32, #tpu.memory_space<vmem>>, vector<1x16xi32>,
      %get3A_266 = arith.index_cast %add3A_247 : i32 to index
      %get3A_267 = arith.constant 16 : index
      %get3A_268 = tpu.vector_load %arg5[%get3A_266, %get3A_267] {strides = array<i32>} : memref<80x128xi32, #tpu.memory_space<vmem>>, vector<1x16xi32>,
      %get3A_269 = vector.shape_cast %get3A_268 : vector<1x16xi32> to vector<16xi32>
      %shift_right_logical3A_270 = arith.constant 16 : i32
      %shift_right_logical3A_271 = vector.broadcast %shift_right_logical3A_270 : i32 to vector<16xi32>
      %shift_right_logical3A_272 = arith.shrui %get3A_269, %shift_right_logical3A_271 : vector<16xi32>
      %swap3A_273 = arith.constant 0 : i32
      %swap3A_274 = arith.index_cast %swap3A_273 : i32 to index
      %swap3A_275 = arith.constant 16 : index
      %swap3A_276 = tpu.vector_load %arg7[%swap3A_274, %swap3A_275] {strides = array<i32>} : memref<2x128xi32, #tpu.memory_space<vmem>>, vector<1x16xi32>,
      %swap3A_277 = vector.shape_cast %swap3A_276 : vector<1x16xi32> to vector<16xi32>
      %swap3A_278 = vector.shape_cast %shift_right_logical3A_272 : vector<16xi32> to vector<1x16xi32>
      tpu.vector_store %arg7[%swap3A_274, %swap3A_275], %swap3A_278 {strides = array<i32>} : memref<2x128xi32, #tpu.memory_space<vmem>>, vector<1x16xi32>,
      %get3A_279 = arith.index_cast %add3A_247 : i32 to index
      %get3A_280 = arith.constant 32 : index
      %get3A_281 = tpu.vector_load %arg5[%get3A_279, %get3A_280] {strides = array<i32>} : memref<80x128xi32, #tpu.memory_space<vmem>>, vector<1x16xi32>,
      %get3A_282 = vector.shape_cast %get3A_281 : vector<1x16xi32> to vector<16xi32>
      %shift_right_logical3A_283 = arith.constant 16 : i32
      %shift_right_logical3A_284 = vector.broadcast %shift_right_logical3A_283 : i32 to vector<16xi32>
      %shift_right_logical3A_285 = arith.shrui %get3A_282, %shift_right_logical3A_284 : vector<16xi32>
      %swap3A_286 = arith.constant 0 : i32
      %swap3A_287 = arith.index_cast %swap3A_286 : i32 to index
      %swap3A_288 = arith.constant 32 : index
      %swap3A_289 = tpu.vector_load %arg7[%swap3A_287, %swap3A_288] {strides = array<i32>} : memref<2x128xi32, #tpu.memory_space<vmem>>, vector<1x16xi32>,
      %swap3A_290 = vector.shape_cast %swap3A_289 : vector<1x16xi32> to vector<16xi32>
      %swap3A_291 = vector.shape_cast %shift_right_logical3A_285 : vector<16xi32> to vector<1x16xi32>
      tpu.vector_store %arg7[%swap3A_287, %swap3A_288], %swap3A_291 {strides = array<i32>} : memref<2x128xi32, #tpu.memory_space<vmem>>, vector<1x16xi32>,
      %get3A_292 = arith.index_cast %add3A_247 : i32 to index
      %get3A_293 = arith.constant 48 : index
      %get3A_294 = tpu.vector_load %arg5[%get3A_292, %get3A_293] {strides = array<i32>} : memref<80x128xi32, #tpu.memory_space<vmem>>, vector<1x16xi32>,
      %get3A_295 = vector.shape_cast %get3A_294 : vector<1x16xi32> to vector<16xi32>
      %shift_right_logical3A_296 = arith.constant 16 : i32
      %shift_right_logical3A_297 = vector.broadcast %shift_right_logical3A_296 : i32 to vector<16xi32>
      %shift_right_logical3A_298 = arith.shrui %get3A_295, %shift_right_logical3A_297 : vector<16xi32>
      %swap3A_299 = arith.constant 0 : i32
      %swap3A_300 = arith.index_cast %swap3A_299 : i32 to index
      %swap3A_301 = arith.constant 48 : index
      %swap3A_302 = tpu.vector_load %arg7[%swap3A_300, %swap3A_301] {strides = array<i32>} : memref<2x128xi32, #tpu.memory_space<vmem>>, vector<1x16xi32>,
      %swap3A_303 = vector.shape_cast %swap3A_302 : vector<1x16xi32> to vector<16xi32>
      %swap3A_304 = vector.shape_cast %shift_right_logical3A_298 : vector<16xi32> to vector<1x16xi32>
      tpu.vector_store %arg7[%swap3A_300, %swap3A_301], %swap3A_304 {strides = array<i32>} : memref<2x128xi32, #tpu.memory_space<vmem>>, vector<1x16xi32>,
      %get3A_305 = arith.index_cast %add3A_247 : i32 to index
      %get3A_306 = arith.constant 64 : index
      %get3A_307 = tpu.vector_load %arg5[%get3A_305, %get3A_306] {strides = array<i32>} : memref<80x128xi32, #tpu.memory_space<vmem>>, vector<1x16xi32>,
      %get3A_308 = vector.shape_cast %get3A_307 : vector<1x16xi32> to vector<16xi32>
      %shift_right_logical3A_309 = arith.constant 16 : i32
      %shift_right_logical3A_310 = vector.broadcast %shift_right_logical3A_309 : i32 to vector<16xi32>
      %shift_right_logical3A_311 = arith.shrui %get3A_308, %shift_right_logical3A_310 : vector<16xi32>
      %swap3A_312 = arith.constant 0 : i32
      %swap3A_313 = arith.index_cast %swap3A_312 : i32 to index
      %swap3A_314 = arith.constant 64 : index
      %swap3A_315 = tpu.vector_load %arg7[%swap3A_313, %swap3A_314] {strides = array<i32>} : memref<2x128xi32, #tpu.memory_space<vmem>>, vector<1x16xi32>,
      %swap3A_316 = vector.shape_cast %swap3A_315 : vector<1x16xi32> to vector<16xi32>
      %swap3A_317 = vector.shape_cast %shift_right_logical3A_311 : vector<16xi32> to vector<1x16xi32>
      tpu.vector_store %arg7[%swap3A_313, %swap3A_314], %swap3A_317 {strides = array<i32>} : memref<2x128xi32, #tpu.memory_space<vmem>>, vector<1x16xi32>,
      %get3A_318 = arith.index_cast %add3A_247 : i32 to index
      %get3A_319 = arith.constant 80 : index
      %get3A_320 = tpu.vector_load %arg5[%get3A_318, %get3A_319] {strides = array<i32>} : memref<80x128xi32, #tpu.memory_space<vmem>>, vector<1x16xi32>,
      %get3A_321 = vector.shape_cast %get3A_320 : vector<1x16xi32> to vector<16xi32>
      %shift_right_logical3A_322 = arith.constant 16 : i32
      %shift_right_logical3A_323 = vector.broadcast %shift_right_logical3A_322 : i32 to vector<16xi32>
      %shift_right_logical3A_324 = arith.shrui %get3A_321, %shift_right_logical3A_323 : vector<16xi32>
      %swap3A_325 = arith.constant 0 : i32
      %swap3A_326 = arith.index_cast %swap3A_325 : i32 to index
      %swap3A_327 = arith.constant 80 : index
      %swap3A_328 = tpu.vector_load %arg7[%swap3A_326, %swap3A_327] {strides = array<i32>} : memref<2x128xi32, #tpu.memory_space<vmem>>, vector<1x16xi32>,
      %swap3A_329 = vector.shape_cast %swap3A_328 : vector<1x16xi32> to vector<16xi32>
      %swap3A_330 = vector.shape_cast %shift_right_logical3A_324 : vector<16xi32> to vector<1x16xi32>
      tpu.vector_store %arg7[%swap3A_326, %swap3A_327], %swap3A_330 {strides = array<i32>} : memref<2x128xi32, #tpu.memory_space<vmem>>, vector<1x16xi32>,
      %get3A_331 = arith.index_cast %add3A_247 : i32 to index
      %get3A_332 = arith.constant 96 : index
      %get3A_333 = tpu.vector_load %arg5[%get3A_331, %get3A_332] {strides = array<i32>} : memref<80x128xi32, #tpu.memory_space<vmem>>, vector<1x16xi32>,
      %get3A_334 = vector.shape_cast %get3A_333 : vector<1x16xi32> to vector<16xi32>
      %shift_right_logical3A_335 = arith.constant 16 : i32
      %shift_right_logical3A_336 = vector.broadcast %shift_right_logical3A_335 : i32 to vector<16xi32>
      %shift_right_logical3A_337 = arith.shrui %get3A_334, %shift_right_logical3A_336 : vector<16xi32>
      %swap3A_338 = arith.constant 0 : i32
      %swap3A_339 = arith.index_cast %swap3A_338 : i32 to index
      %swap3A_340 = arith.constant 96 : index
      %swap3A_341 = tpu.vector_load %arg7[%swap3A_339, %swap3A_340] {strides = array<i32>} : memref<2x128xi32, #tpu.memory_space<vmem>>, vector<1x16xi32>,
      %swap3A_342 = vector.shape_cast %swap3A_341 : vector<1x16xi32> to vector<16xi32>
      %swap3A_343 = vector.shape_cast %shift_right_logical3A_337 : vector<16xi32> to vector<1x16xi32>
      tpu.vector_store %arg7[%swap3A_339, %swap3A_340], %swap3A_343 {strides = array<i32>} : memref<2x128xi32, #tpu.memory_space<vmem>>, vector<1x16xi32>,
      %get3A_344 = arith.index_cast %add3A_247 : i32 to index
      %get3A_345 = arith.constant 112 : index
      %get3A_346 = tpu.vector_load %arg5[%get3A_344, %get3A_345] {strides = array<i32>} : memref<80x128xi32, #tpu.memory_space<vmem>>, vector<1x16xi32>,
      %get3A_347 = vector.shape_cast %get3A_346 : vector<1x16xi32> to vector<16xi32>
      %shift_right_logical3A_348 = arith.constant 16 : i32
      %shift_right_logical3A_349 = vector.broadcast %shift_right_logical3A_348 : i32 to vector<16xi32>
      %shift_right_logical3A_350 = arith.shrui %get3A_347, %shift_right_logical3A_349 : vector<16xi32>
      %swap3A_351 = arith.constant 0 : i32
      %swap3A_352 = arith.index_cast %swap3A_351 : i32 to index
      %swap3A_353 = arith.constant 112 : index
      %swap3A_354 = tpu.vector_load %arg7[%swap3A_352, %swap3A_353] {strides = array<i32>} : memref<2x128xi32, #tpu.memory_space<vmem>>, vector<1x16xi32>,
      %swap3A_355 = vector.shape_cast %swap3A_354 : vector<1x16xi32> to vector<16xi32>
      %swap3A_356 = vector.shape_cast %shift_right_logical3A_350 : vector<16xi32> to vector<1x16xi32>
      tpu.vector_store %arg7[%swap3A_352, %swap3A_353], %swap3A_356 {strides = array<i32>} : memref<2x128xi32, #tpu.memory_space<vmem>>, vector<1x16xi32>,
      %dma_start3A_357 = arith.constant 0 : i32
      %dma_start3A_358 = arith.constant 0 : i32
      %dma_start3A_359 = tpu.memref_slice %arg7[%dma_start3A_357, %dma_start3A_358] : memref<2x128xi32, #tpu.memory_space<vmem>> -> memref<1x128xi32, #tpu.memory_space<vmem>>
      %dma_start3A_360 = tpu.memref_squeeze %dma_start3A_359 : memref<1x128xi32, #tpu.memory_space<vmem>> -> memref<128xi32, #tpu.memory_space<vmem>>
      %dma_start3A_361 = arith.constant 0 : i32
      %dma_start3A_362 = arith.constant 0 : i32
      %dma_start3A_363 = tpu.memref_slice %arg8[%dma_start3A_361, %dma_start3A_362] : memref<10112x128xf32, #tpu.memory_space<vmem_shared>> -> memref<10112x128xf32, #tpu.memory_space<vmem_shared>>
      tpu.enqueue_indirect_dma source(%arg11 : memref<128x128xf32, #tpu.memory_space<vmem>>) target(%dma_start3A_363 : memref<10112x128xf32, #tpu.memory_space<vmem_shared>>) offsets(%dma_start3A_360 : memref<128xi32, #tpu.memory_space<vmem>>) semaphore(%arg10 : memref<!tpu.dma_semaphore, #tpu.memory_space<semaphore_mem>>) {add = true}
      %add3A_364 = arith.constant 1 : i32
      %add3A_365 = arith.addi %mul3A_245, %add3A_364 : i32
      %dma_wait3A_366 = arith.constant 1 : i32
      %dma_wait3A_367 = arith.constant 0 : i32
      %dma_wait3A_368 = tpu.memref_slice %arg6[%dma_wait3A_366, %dma_wait3A_367] : memref<2x128xi32, #tpu.memory_space<vmem>> -> memref<1x128xi32, #tpu.memory_space<vmem>>
      %dma_wait3A_369 = tpu.memref_squeeze %dma_wait3A_368 : memref<1x128xi32, #tpu.memory_space<vmem>> -> memref<128xi32, #tpu.memory_space<vmem>>
      %dma_wait3A_370 = arith.constant 0 : i32
      %dma_wait3A_371 = arith.constant 0 : i32
      %dma_wait3A_372 = tpu.memref_slice %arg2[%dma_wait3A_370, %dma_wait3A_371] : memref<10112x128xf32, #tpu.memory_space<hbm>> -> memref<10112x128xf32, #tpu.memory_space<hbm>>
      tpu.wait_indirect_dma semaphore(%arg9 : memref<!tpu.dma_semaphore, #tpu.memory_space<semaphore_mem>>) src(%dma_wait3A_372 : memref<10112x128xf32, #tpu.memory_space<hbm>>) dst(%arg12 : memref<128x128xf32, #tpu.memory_space<vmem>>)
      %get3A_373 = arith.index_cast %add3A_365 : i32 to index
      %get3A_374 = arith.constant 0 : index
      %get3A_375 = tpu.vector_load %arg5[%get3A_373, %get3A_374] {strides = array<i32>} : memref<80x128xi32, #tpu.memory_space<vmem>>, vector<1x16xi32>,
      %get3A_376 = vector.shape_cast %get3A_375 : vector<1x16xi32> to vector<16xi32>
      %shift_right_logical3A_377 = arith.constant 16 : i32
      %shift_right_logical3A_378 = vector.broadcast %shift_right_logical3A_377 : i32 to vector<16xi32>
      %shift_right_logical3A_379 = arith.shrui %get3A_376, %shift_right_logical3A_378 : vector<16xi32>
      %swap3A_380 = arith.constant 1 : i32
      %swap3A_381 = arith.index_cast %swap3A_380 : i32 to index
      %swap3A_382 = arith.constant 0 : index
      %swap3A_383 = tpu.vector_load %arg7[%swap3A_381, %swap3A_382] {strides = array<i32>} : memref<2x128xi32, #tpu.memory_space<vmem>>, vector<1x16xi32>,
      %swap3A_384 = vector.shape_cast %swap3A_383 : vector<1x16xi32> to vector<16xi32>
      %swap3A_385 = vector.shape_cast %shift_right_logical3A_379 : vector<16xi32> to vector<1x16xi32>
      tpu.vector_store %arg7[%swap3A_381, %swap3A_382], %swap3A_385 {strides = array<i32>} : memref<2x128xi32, #tpu.memory_space<vmem>>, vector<1x16xi32>,
      %get3A_386 = arith.index_cast %add3A_365 : i32 to index
      %get3A_387 = arith.constant 16 : index
      %get3A_388 = tpu.vector_load %arg5[%get3A_386, %get3A_387] {strides = array<i32>} : memref<80x128xi32, #tpu.memory_space<vmem>>, vector<1x16xi32>,
      %get3A_389 = vector.shape_cast %get3A_388 : vector<1x16xi32> to vector<16xi32>
      %shift_right_logical3A_390 = arith.constant 16 : i32
      %shift_right_logical3A_391 = vector.broadcast %shift_right_logical3A_390 : i32 to vector<16xi32>
      %shift_right_logical3A_392 = arith.shrui %get3A_389, %shift_right_logical3A_391 : vector<16xi32>
      %swap3A_393 = arith.constant 1 : i32
      %swap3A_394 = arith.index_cast %swap3A_393 : i32 to index
      %swap3A_395 = arith.constant 16 : index
      %swap3A_396 = tpu.vector_load %arg7[%swap3A_394, %swap3A_395] {strides = array<i32>} : memref<2x128xi32, #tpu.memory_space<vmem>>, vector<1x16xi32>,
      %swap3A_397 = vector.shape_cast %swap3A_396 : vector<1x16xi32> to vector<16xi32>
      %swap3A_398 = vector.shape_cast %shift_right_logical3A_392 : vector<16xi32> to vector<1x16xi32>
      tpu.vector_store %arg7[%swap3A_394, %swap3A_395], %swap3A_398 {strides = array<i32>} : memref<2x128xi32, #tpu.memory_space<vmem>>, vector<1x16xi32>,
      %get3A_399 = arith.index_cast %add3A_365 : i32 to index
      %get3A_400 = arith.constant 32 : index
      %get3A_401 = tpu.vector_load %arg5[%get3A_399, %get3A_400] {strides = array<i32>} : memref<80x128xi32, #tpu.memory_space<vmem>>, vector<1x16xi32>,
      %get3A_402 = vector.shape_cast %get3A_401 : vector<1x16xi32> to vector<16xi32>
      %shift_right_logical3A_403 = arith.constant 16 : i32
      %shift_right_logical3A_404 = vector.broadcast %shift_right_logical3A_403 : i32 to vector<16xi32>
      %shift_right_logical3A_405 = arith.shrui %get3A_402, %shift_right_logical3A_404 : vector<16xi32>
      %swap3A_406 = arith.constant 1 : i32
      %swap3A_407 = arith.index_cast %swap3A_406 : i32 to index
      %swap3A_408 = arith.constant 32 : index
      %swap3A_409 = tpu.vector_load %arg7[%swap3A_407, %swap3A_408] {strides = array<i32>} : memref<2x128xi32, #tpu.memory_space<vmem>>, vector<1x16xi32>,
      %swap3A_410 = vector.shape_cast %swap3A_409 : vector<1x16xi32> to vector<16xi32>
      %swap3A_411 = vector.shape_cast %shift_right_logical3A_405 : vector<16xi32> to vector<1x16xi32>
      tpu.vector_store %arg7[%swap3A_407, %swap3A_408], %swap3A_411 {strides = array<i32>} : memref<2x128xi32, #tpu.memory_space<vmem>>, vector<1x16xi32>,
      %get3A_412 = arith.index_cast %add3A_365 : i32 to index
      %get3A_413 = arith.constant 48 : index
      %get3A_414 = tpu.vector_load %arg5[%get3A_412, %get3A_413] {strides = array<i32>} : memref<80x128xi32, #tpu.memory_space<vmem>>, vector<1x16xi32>,
      %get3A_415 = vector.shape_cast %get3A_414 : vector<1x16xi32> to vector<16xi32>
      %shift_right_logical3A_416 = arith.constant 16 : i32
      %shift_right_logical3A_417 = vector.broadcast %shift_right_logical3A_416 : i32 to vector<16xi32>
      %shift_right_logical3A_418 = arith.shrui %get3A_415, %shift_right_logical3A_417 : vector<16xi32>
      %swap3A_419 = arith.constant 1 : i32
      %swap3A_420 = arith.index_cast %swap3A_419 : i32 to index
      %swap3A_421 = arith.constant 48 : index
      %swap3A_422 = tpu.vector_load %arg7[%swap3A_420, %swap3A_421] {strides = array<i32>} : memref<2x128xi32, #tpu.memory_space<vmem>>, vector<1x16xi32>,
      %swap3A_423 = vector.shape_cast %swap3A_422 : vector<1x16xi32> to vector<16xi32>
      %swap3A_424 = vector.shape_cast %shift_right_logical3A_418 : vector<16xi32> to vector<1x16xi32>
      tpu.vector_store %arg7[%swap3A_420, %swap3A_421], %swap3A_424 {strides = array<i32>} : memref<2x128xi32, #tpu.memory_space<vmem>>, vector<1x16xi32>,
      %get3A_425 = arith.index_cast %add3A_365 : i32 to index
      %get3A_426 = arith.constant 64 : index
      %get3A_427 = tpu.vector_load %arg5[%get3A_425, %get3A_426] {strides = array<i32>} : memref<80x128xi32, #tpu.memory_space<vmem>>, vector<1x16xi32>,
      %get3A_428 = vector.shape_cast %get3A_427 : vector<1x16xi32> to vector<16xi32>
      %shift_right_logical3A_429 = arith.constant 16 : i32
      %shift_right_logical3A_430 = vector.broadcast %shift_right_logical3A_429 : i32 to vector<16xi32>
      %shift_right_logical3A_431 = arith.shrui %get3A_428, %shift_right_logical3A_430 : vector<16xi32>
      %swap3A_432 = arith.constant 1 : i32
      %swap3A_433 = arith.index_cast %swap3A_432 : i32 to index
      %swap3A_434 = arith.constant 64 : index
      %swap3A_435 = tpu.vector_load %arg7[%swap3A_433, %swap3A_434] {strides = array<i32>} : memref<2x128xi32, #tpu.memory_space<vmem>>, vector<1x16xi32>,
      %swap3A_436 = vector.shape_cast %swap3A_435 : vector<1x16xi32> to vector<16xi32>
      %swap3A_437 = vector.shape_cast %shift_right_logical3A_431 : vector<16xi32> to vector<1x16xi32>
      tpu.vector_store %arg7[%swap3A_433, %swap3A_434], %swap3A_437 {strides = array<i32>} : memref<2x128xi32, #tpu.memory_space<vmem>>, vector<1x16xi32>,
      %get3A_438 = arith.index_cast %add3A_365 : i32 to index
      %get3A_439 = arith.constant 80 : index
      %get3A_440 = tpu.vector_load %arg5[%get3A_438, %get3A_439] {strides = array<i32>} : memref<80x128xi32, #tpu.memory_space<vmem>>, vector<1x16xi32>,
      %get3A_441 = vector.shape_cast %get3A_440 : vector<1x16xi32> to vector<16xi32>
      %shift_right_logical3A_442 = arith.constant 16 : i32
      %shift_right_logical3A_443 = vector.broadcast %shift_right_logical3A_442 : i32 to vector<16xi32>
      %shift_right_logical3A_444 = arith.shrui %get3A_441, %shift_right_logical3A_443 : vector<16xi32>
      %swap3A_445 = arith.constant 1 : i32
      %swap3A_446 = arith.index_cast %swap3A_445 : i32 to index
      %swap3A_447 = arith.constant 80 : index
      %swap3A_448 = tpu.vector_load %arg7[%swap3A_446, %swap3A_447] {strides = array<i32>} : memref<2x128xi32, #tpu.memory_space<vmem>>, vector<1x16xi32>,
      %swap3A_449 = vector.shape_cast %swap3A_448 : vector<1x16xi32> to vector<16xi32>
      %swap3A_450 = vector.shape_cast %shift_right_logical3A_444 : vector<16xi32> to vector<1x16xi32>
      tpu.vector_store %arg7[%swap3A_446, %swap3A_447], %swap3A_450 {strides = array<i32>} : memref<2x128xi32, #tpu.memory_space<vmem>>, vector<1x16xi32>,
      %get3A_451 = arith.index_cast %add3A_365 : i32 to index
      %get3A_452 = arith.constant 96 : index
      %get3A_453 = tpu.vector_load %arg5[%get3A_451, %get3A_452] {strides = array<i32>} : memref<80x128xi32, #tpu.memory_space<vmem>>, vector<1x16xi32>,
      %get3A_454 = vector.shape_cast %get3A_453 : vector<1x16xi32> to vector<16xi32>
      %shift_right_logical3A_455 = arith.constant 16 : i32
      %shift_right_logical3A_456 = vector.broadcast %shift_right_logical3A_455 : i32 to vector<16xi32>
      %shift_right_logical3A_457 = arith.shrui %get3A_454, %shift_right_logical3A_456 : vector<16xi32>
      %swap3A_458 = arith.constant 1 : i32
      %swap3A_459 = arith.index_cast %swap3A_458 : i32 to index
      %swap3A_460 = arith.constant 96 : index
      %swap3A_461 = tpu.vector_load %arg7[%swap3A_459, %swap3A_460] {strides = array<i32>} : memref<2x128xi32, #tpu.memory_space<vmem>>, vector<1x16xi32>,
      %swap3A_462 = vector.shape_cast %swap3A_461 : vector<1x16xi32> to vector<16xi32>
      %swap3A_463 = vector.shape_cast %shift_right_logical3A_457 : vector<16xi32> to vector<1x16xi32>
      tpu.vector_store %arg7[%swap3A_459, %swap3A_460], %swap3A_463 {strides = array<i32>} : memref<2x128xi32, #tpu.memory_space<vmem>>, vector<1x16xi32>,
      %get3A_464 = arith.index_cast %add3A_365 : i32 to index
      %get3A_465 = arith.constant 112 : index
      %get3A_466 = tpu.vector_load %arg5[%get3A_464, %get3A_465] {strides = array<i32>} : memref<80x128xi32, #tpu.memory_space<vmem>>, vector<1x16xi32>,
      %get3A_467 = vector.shape_cast %get3A_466 : vector<1x16xi32> to vector<16xi32>
      %shift_right_logical3A_468 = arith.constant 16 : i32
      %shift_right_logical3A_469 = vector.broadcast %shift_right_logical3A_468 : i32 to vector<16xi32>
      %shift_right_logical3A_470 = arith.shrui %get3A_467, %shift_right_logical3A_469 : vector<16xi32>
      %swap3A_471 = arith.constant 1 : i32
      %swap3A_472 = arith.index_cast %swap3A_471 : i32 to index
      %swap3A_473 = arith.constant 112 : index
      %swap3A_474 = tpu.vector_load %arg7[%swap3A_472, %swap3A_473] {strides = array<i32>} : memref<2x128xi32, #tpu.memory_space<vmem>>, vector<1x16xi32>,
      %swap3A_475 = vector.shape_cast %swap3A_474 : vector<1x16xi32> to vector<16xi32>
      %swap3A_476 = vector.shape_cast %shift_right_logical3A_470 : vector<16xi32> to vector<1x16xi32>
      tpu.vector_store %arg7[%swap3A_472, %swap3A_473], %swap3A_476 {strides = array<i32>} : memref<2x128xi32, #tpu.memory_space<vmem>>, vector<1x16xi32>,
      %dma_start3A_477 = arith.constant 1 : i32
      %dma_start3A_478 = arith.constant 0 : i32
      %dma_start3A_479 = tpu.memref_slice %arg7[%dma_start3A_477, %dma_start3A_478] : memref<2x128xi32, #tpu.memory_space<vmem>> -> memref<1x128xi32, #tpu.memory_space<vmem>>
      %dma_start3A_480 = tpu.memref_squeeze %dma_start3A_479 : memref<1x128xi32, #tpu.memory_space<vmem>> -> memref<128xi32, #tpu.memory_space<vmem>>
      %dma_start3A_481 = arith.constant 0 : i32
      %dma_start3A_482 = arith.constant 0 : i32
      %dma_start3A_483 = tpu.memref_slice %arg8[%dma_start3A_481, %dma_start3A_482] : memref<10112x128xf32, #tpu.memory_space<vmem_shared>> -> memref<10112x128xf32, #tpu.memory_space<vmem_shared>>
      tpu.enqueue_indirect_dma source(%arg12 : memref<128x128xf32, #tpu.memory_space<vmem>>) target(%dma_start3A_483 : memref<10112x128xf32, #tpu.memory_space<vmem_shared>>) offsets(%dma_start3A_480 : memref<128xi32, #tpu.memory_space<vmem>>) semaphore(%arg10 : memref<!tpu.dma_semaphore, #tpu.memory_space<semaphore_mem>>) {add = true}
      %add3A_484 = arith.constant 0 : i32
      %add3A_485 = arith.addi %mul3A_245, %add3A_484 : i32
      %dma_wait3A_486 = arith.constant 0 : i32
      %dma_wait3A_487 = arith.constant 0 : i32
      %dma_wait3A_488 = tpu.memref_slice %arg7[%dma_wait3A_486, %dma_wait3A_487] : memref<2x128xi32, #tpu.memory_space<vmem>> -> memref<1x128xi32, #tpu.memory_space<vmem>>
      %dma_wait3A_489 = tpu.memref_squeeze %dma_wait3A_488 : memref<1x128xi32, #tpu.memory_space<vmem>> -> memref<128xi32, #tpu.memory_space<vmem>>
      %dma_wait3A_490 = arith.constant 0 : i32
      %dma_wait3A_491 = arith.constant 0 : i32
      %dma_wait3A_492 = tpu.memref_slice %arg8[%dma_wait3A_490, %dma_wait3A_491] : memref<10112x128xf32, #tpu.memory_space<vmem_shared>> -> memref<10112x128xf32, #tpu.memory_space<vmem_shared>>
      tpu.wait_indirect_dma semaphore(%arg10 : memref<!tpu.dma_semaphore, #tpu.memory_space<semaphore_mem>>) src(%arg11 : memref<128x128xf32, #tpu.memory_space<vmem>>) dst(%dma_wait3A_492 : memref<10112x128xf32, #tpu.memory_space<vmem_shared>>)
      %add3A_493 = arith.constant 2 : i32
      %add3A_494 = arith.addi %add3A_485, %add3A_493 : i32
      %lt3A = arith.constant 80 : i32
      %lt3A_495 = arith.cmpi slt, %add3A_494, %lt3A : i32
      %convert_element_type3A = arith.extui %lt3A_495 : i1 to i32
      %cond3A = arith.constant 0 : i32
      %cond3A_496 = arith.cmpi ne, %convert_element_type3A, %cond3A : i32
      scf.if %cond3A_496 {
        %get3A_513 = arith.index_cast %add3A_494 : i32 to index
        %get3A_514 = arith.constant 0 : index
        %get3A_515 = tpu.vector_load %arg5[%get3A_513, %get3A_514] {strides = array<i32>} : memref<80x128xi32, #tpu.memory_space<vmem>>, vector<1x16xi32>,
        %get3A_516 = vector.shape_cast %get3A_515 : vector<1x16xi32> to vector<16xi32>
        %and3A_517 = arith.constant 65535 : i32
        %and3A_518 = vector.broadcast %and3A_517 : i32 to vector<16xi32>
        %and3A_519 = arith.andi %get3A_516, %and3A_518 : vector<16xi32>
        %swap3A_520 = arith.constant 0 : i32
        %swap3A_521 = arith.index_cast %swap3A_520 : i32 to index
        %swap3A_522 = arith.constant 0 : index
        %swap3A_523 = tpu.vector_load %arg6[%swap3A_521, %swap3A_522] {strides = array<i32>} : memref<2x128xi32, #tpu.memory_space<vmem>>, vector<1x16xi32>,
        %swap3A_524 = vector.shape_cast %swap3A_523 : vector<1x16xi32> to vector<16xi32>
        %swap3A_525 = vector.shape_cast %and3A_519 : vector<16xi32> to vector<1x16xi32>
        tpu.vector_store %arg6[%swap3A_521, %swap3A_522], %swap3A_525 {strides = array<i32>} : memref<2x128xi32, #tpu.memory_space<vmem>>, vector<1x16xi32>,
        %get3A_526 = arith.index_cast %add3A_494 : i32 to index
        %get3A_527 = arith.constant 16 : index
        %get3A_528 = tpu.vector_load %arg5[%get3A_526, %get3A_527] {strides = array<i32>} : memref<80x128xi32, #tpu.memory_space<vmem>>, vector<1x16xi32>,
        %get3A_529 = vector.shape_cast %get3A_528 : vector<1x16xi32> to vector<16xi32>
        %and3A_530 = arith.constant 65535 : i32
        %and3A_531 = vector.broadcast %and3A_530 : i32 to vector<16xi32>
        %and3A_532 = arith.andi %get3A_529, %and3A_531 : vector<16xi32>
        %swap3A_533 = arith.constant 0 : i32
        %swap3A_534 = arith.index_cast %swap3A_533 : i32 to index
        %swap3A_535 = arith.constant 16 : index
        %swap3A_536 = tpu.vector_load %arg6[%swap3A_534, %swap3A_535] {strides = array<i32>} : memref<2x128xi32, #tpu.memory_space<vmem>>, vector<1x16xi32>,
        %swap3A_537 = vector.shape_cast %swap3A_536 : vector<1x16xi32> to vector<16xi32>
        %swap3A_538 = vector.shape_cast %and3A_532 : vector<16xi32> to vector<1x16xi32>
        tpu.vector_store %arg6[%swap3A_534, %swap3A_535], %swap3A_538 {strides = array<i32>} : memref<2x128xi32, #tpu.memory_space<vmem>>, vector<1x16xi32>,
        %get3A_539 = arith.index_cast %add3A_494 : i32 to index
        %get3A_540 = arith.constant 32 : index
        %get3A_541 = tpu.vector_load %arg5[%get3A_539, %get3A_540] {strides = array<i32>} : memref<80x128xi32, #tpu.memory_space<vmem>>, vector<1x16xi32>,
        %get3A_542 = vector.shape_cast %get3A_541 : vector<1x16xi32> to vector<16xi32>
        %and3A_543 = arith.constant 65535 : i32
        %and3A_544 = vector.broadcast %and3A_543 : i32 to vector<16xi32>
        %and3A_545 = arith.andi %get3A_542, %and3A_544 : vector<16xi32>
        %swap3A_546 = arith.constant 0 : i32
        %swap3A_547 = arith.index_cast %swap3A_546 : i32 to index
        %swap3A_548 = arith.constant 32 : index
        %swap3A_549 = tpu.vector_load %arg6[%swap3A_547, %swap3A_548] {strides = array<i32>} : memref<2x128xi32, #tpu.memory_space<vmem>>, vector<1x16xi32>,
        %swap3A_550 = vector.shape_cast %swap3A_549 : vector<1x16xi32> to vector<16xi32>
        %swap3A_551 = vector.shape_cast %and3A_545 : vector<16xi32> to vector<1x16xi32>
        tpu.vector_store %arg6[%swap3A_547, %swap3A_548], %swap3A_551 {strides = array<i32>} : memref<2x128xi32, #tpu.memory_space<vmem>>, vector<1x16xi32>,
        %get3A_552 = arith.index_cast %add3A_494 : i32 to index
        %get3A_553 = arith.constant 48 : index
        %get3A_554 = tpu.vector_load %arg5[%get3A_552, %get3A_553] {strides = array<i32>} : memref<80x128xi32, #tpu.memory_space<vmem>>, vector<1x16xi32>,
        %get3A_555 = vector.shape_cast %get3A_554 : vector<1x16xi32> to vector<16xi32>
        %and3A_556 = arith.constant 65535 : i32
        %and3A_557 = vector.broadcast %and3A_556 : i32 to vector<16xi32>
        %and3A_558 = arith.andi %get3A_555, %and3A_557 : vector<16xi32>
        %swap3A_559 = arith.constant 0 : i32
        %swap3A_560 = arith.index_cast %swap3A_559 : i32 to index
        %swap3A_561 = arith.constant 48 : index
        %swap3A_562 = tpu.vector_load %arg6[%swap3A_560, %swap3A_561] {strides = array<i32>} : memref<2x128xi32, #tpu.memory_space<vmem>>, vector<1x16xi32>,
        %swap3A_563 = vector.shape_cast %swap3A_562 : vector<1x16xi32> to vector<16xi32>
        %swap3A_564 = vector.shape_cast %and3A_558 : vector<16xi32> to vector<1x16xi32>
        tpu.vector_store %arg6[%swap3A_560, %swap3A_561], %swap3A_564 {strides = array<i32>} : memref<2x128xi32, #tpu.memory_space<vmem>>, vector<1x16xi32>,
        %get3A_565 = arith.index_cast %add3A_494 : i32 to index
        %get3A_566 = arith.constant 64 : index
        %get3A_567 = tpu.vector_load %arg5[%get3A_565, %get3A_566] {strides = array<i32>} : memref<80x128xi32, #tpu.memory_space<vmem>>, vector<1x16xi32>,
        %get3A_568 = vector.shape_cast %get3A_567 : vector<1x16xi32> to vector<16xi32>
        %and3A_569 = arith.constant 65535 : i32
        %and3A_570 = vector.broadcast %and3A_569 : i32 to vector<16xi32>
        %and3A_571 = arith.andi %get3A_568, %and3A_570 : vector<16xi32>
        %swap3A_572 = arith.constant 0 : i32
        %swap3A_573 = arith.index_cast %swap3A_572 : i32 to index
        %swap3A_574 = arith.constant 64 : index
        %swap3A_575 = tpu.vector_load %arg6[%swap3A_573, %swap3A_574] {strides = array<i32>} : memref<2x128xi32, #tpu.memory_space<vmem>>, vector<1x16xi32>,
        %swap3A_576 = vector.shape_cast %swap3A_575 : vector<1x16xi32> to vector<16xi32>
        %swap3A_577 = vector.shape_cast %and3A_571 : vector<16xi32> to vector<1x16xi32>
        tpu.vector_store %arg6[%swap3A_573, %swap3A_574], %swap3A_577 {strides = array<i32>} : memref<2x128xi32, #tpu.memory_space<vmem>>, vector<1x16xi32>,
        %get3A_578 = arith.index_cast %add3A_494 : i32 to index
        %get3A_579 = arith.constant 80 : index
        %get3A_580 = tpu.vector_load %arg5[%get3A_578, %get3A_579] {strides = array<i32>} : memref<80x128xi32, #tpu.memory_space<vmem>>, vector<1x16xi32>,
        %get3A_581 = vector.shape_cast %get3A_580 : vector<1x16xi32> to vector<16xi32>
        %and3A_582 = arith.constant 65535 : i32
        %and3A_583 = vector.broadcast %and3A_582 : i32 to vector<16xi32>
        %and3A_584 = arith.andi %get3A_581, %and3A_583 : vector<16xi32>
        %swap3A_585 = arith.constant 0 : i32
        %swap3A_586 = arith.index_cast %swap3A_585 : i32 to index
        %swap3A_587 = arith.constant 80 : index
        %swap3A_588 = tpu.vector_load %arg6[%swap3A_586, %swap3A_587] {strides = array<i32>} : memref<2x128xi32, #tpu.memory_space<vmem>>, vector<1x16xi32>,
        %swap3A_589 = vector.shape_cast %swap3A_588 : vector<1x16xi32> to vector<16xi32>
        %swap3A_590 = vector.shape_cast %and3A_584 : vector<16xi32> to vector<1x16xi32>
        tpu.vector_store %arg6[%swap3A_586, %swap3A_587], %swap3A_590 {strides = array<i32>} : memref<2x128xi32, #tpu.memory_space<vmem>>, vector<1x16xi32>,
        %get3A_591 = arith.index_cast %add3A_494 : i32 to index
        %get3A_592 = arith.constant 96 : index
        %get3A_593 = tpu.vector_load %arg5[%get3A_591, %get3A_592] {strides = array<i32>} : memref<80x128xi32, #tpu.memory_space<vmem>>, vector<1x16xi32>,
        %get3A_594 = vector.shape_cast %get3A_593 : vector<1x16xi32> to vector<16xi32>
        %and3A_595 = arith.constant 65535 : i32
        %and3A_596 = vector.broadcast %and3A_595 : i32 to vector<16xi32>
        %and3A_597 = arith.andi %get3A_594, %and3A_596 : vector<16xi32>
        %swap3A_598 = arith.constant 0 : i32
        %swap3A_599 = arith.index_cast %swap3A_598 : i32 to index
        %swap3A_600 = arith.constant 96 : index
        %swap3A_601 = tpu.vector_load %arg6[%swap3A_599, %swap3A_600] {strides = array<i32>} : memref<2x128xi32, #tpu.memory_space<vmem>>, vector<1x16xi32>,
        %swap3A_602 = vector.shape_cast %swap3A_601 : vector<1x16xi32> to vector<16xi32>
        %swap3A_603 = vector.shape_cast %and3A_597 : vector<16xi32> to vector<1x16xi32>
        tpu.vector_store %arg6[%swap3A_599, %swap3A_600], %swap3A_603 {strides = array<i32>} : memref<2x128xi32, #tpu.memory_space<vmem>>, vector<1x16xi32>,
        %get3A_604 = arith.index_cast %add3A_494 : i32 to index
        %get3A_605 = arith.constant 112 : index
        %get3A_606 = tpu.vector_load %arg5[%get3A_604, %get3A_605] {strides = array<i32>} : memref<80x128xi32, #tpu.memory_space<vmem>>, vector<1x16xi32>,
        %get3A_607 = vector.shape_cast %get3A_606 : vector<1x16xi32> to vector<16xi32>
        %and3A_608 = arith.constant 65535 : i32
        %and3A_609 = vector.broadcast %and3A_608 : i32 to vector<16xi32>
        %and3A_610 = arith.andi %get3A_607, %and3A_609 : vector<16xi32>
        %swap3A_611 = arith.constant 0 : i32
        %swap3A_612 = arith.index_cast %swap3A_611 : i32 to index
        %swap3A_613 = arith.constant 112 : index
        %swap3A_614 = tpu.vector_load %arg6[%swap3A_612, %swap3A_613] {strides = array<i32>} : memref<2x128xi32, #tpu.memory_space<vmem>>, vector<1x16xi32>,
        %swap3A_615 = vector.shape_cast %swap3A_614 : vector<1x16xi32> to vector<16xi32>
        %swap3A_616 = vector.shape_cast %and3A_610 : vector<16xi32> to vector<1x16xi32>
        tpu.vector_store %arg6[%swap3A_612, %swap3A_613], %swap3A_616 {strides = array<i32>} : memref<2x128xi32, #tpu.memory_space<vmem>>, vector<1x16xi32>,
        %dma_start3A_617 = arith.constant 0 : i32
        %dma_start3A_618 = arith.constant 0 : i32
        %dma_start3A_619 = tpu.memref_slice %arg6[%dma_start3A_617, %dma_start3A_618] : memref<2x128xi32, #tpu.memory_space<vmem>> -> memref<1x128xi32, #tpu.memory_space<vmem>>
        %dma_start3A_620 = tpu.memref_squeeze %dma_start3A_619 : memref<1x128xi32, #tpu.memory_space<vmem>> -> memref<128xi32, #tpu.memory_space<vmem>>
        %dma_start3A_621 = arith.constant 0 : i32
        %dma_start3A_622 = arith.constant 0 : i32
        %dma_start3A_623 = tpu.memref_slice %arg2[%dma_start3A_621, %dma_start3A_622] : memref<10112x128xf32, #tpu.memory_space<hbm>> -> memref<10112x128xf32, #tpu.memory_space<hbm>>
        tpu.enqueue_indirect_dma source(%dma_start3A_623 : memref<10112x128xf32, #tpu.memory_space<hbm>>) target(%arg11 : memref<128x128xf32, #tpu.memory_space<vmem>>) offsets(%dma_start3A_620 : memref<128xi32, #tpu.memory_space<vmem>>) semaphore(%arg9 : memref<!tpu.dma_semaphore, #tpu.memory_space<semaphore_mem>>)
      } else {
      }
      %add3A_497 = arith.constant 1 : i32
      %add3A_498 = arith.addi %mul3A_245, %add3A_497 : i32
      %dma_wait3A_499 = arith.constant 1 : i32
      %dma_wait3A_500 = arith.constant 0 : i32
      %dma_wait3A_501 = tpu.memref_slice %arg7[%dma_wait3A_499, %dma_wait3A_500] : memref<2x128xi32, #tpu.memory_space<vmem>> -> memref<1x128xi32, #tpu.memory_space<vmem>>
      %dma_wait3A_502 = tpu.memref_squeeze %dma_wait3A_501 : memref<1x128xi32, #tpu.memory_space<vmem>> -> memref<128xi32, #tpu.memory_space<vmem>>
      %dma_wait3A_503 = arith.constant 0 : i32
      %dma_wait3A_504 = arith.constant 0 : i32
      %dma_wait3A_505 = tpu.memref_slice %arg8[%dma_wait3A_503, %dma_wait3A_504] : memref<10112x128xf32, #tpu.memory_space<vmem_shared>> -> memref<10112x128xf32, #tpu.memory_space<vmem_shared>>
      tpu.wait_indirect_dma semaphore(%arg10 : memref<!tpu.dma_semaphore, #tpu.memory_space<semaphore_mem>>) src(%arg12 : memref<128x128xf32, #tpu.memory_space<vmem>>) dst(%dma_wait3A_505 : memref<10112x128xf32, #tpu.memory_space<vmem_shared>>)
      %add3A_506 = arith.constant 2 : i32
      %add3A_507 = arith.addi %add3A_498, %add3A_506 : i32
      %lt3A_508 = arith.constant 80 : i32
      %lt3A_509 = arith.cmpi slt, %add3A_507, %lt3A_508 : i32
      %convert_element_type3A_510 = arith.extui %lt3A_509 : i1 to i32
      %cond3A_511 = arith.constant 0 : i32
      %cond3A_512 = arith.cmpi ne, %convert_element_type3A_510, %cond3A_511 : i32
      scf.if %cond3A_512 {
        %get3A_513 = arith.index_cast %add3A_507 : i32 to index
        %get3A_514 = arith.constant 0 : index
        %get3A_515 = tpu.vector_load %arg5[%get3A_513, %get3A_514] {strides = array<i32>} : memref<80x128xi32, #tpu.memory_space<vmem>>, vector<1x16xi32>,
        %get3A_516 = vector.shape_cast %get3A_515 : vector<1x16xi32> to vector<16xi32>
        %and3A_517 = arith.constant 65535 : i32
        %and3A_518 = vector.broadcast %and3A_517 : i32 to vector<16xi32>
        %and3A_519 = arith.andi %get3A_516, %and3A_518 : vector<16xi32>
        %swap3A_520 = arith.constant 1 : i32
        %swap3A_521 = arith.index_cast %swap3A_520 : i32 to index
        %swap3A_522 = arith.constant 0 : index
        %swap3A_523 = tpu.vector_load %arg6[%swap3A_521, %swap3A_522] {strides = array<i32>} : memref<2x128xi32, #tpu.memory_space<vmem>>, vector<1x16xi32>,
        %swap3A_524 = vector.shape_cast %swap3A_523 : vector<1x16xi32> to vector<16xi32>
        %swap3A_525 = vector.shape_cast %and3A_519 : vector<16xi32> to vector<1x16xi32>
        tpu.vector_store %arg6[%swap3A_521, %swap3A_522], %swap3A_525 {strides = array<i32>} : memref<2x128xi32, #tpu.memory_space<vmem>>, vector<1x16xi32>,
        %get3A_526 = arith.index_cast %add3A_507 : i32 to index
        %get3A_527 = arith.constant 16 : index
        %get3A_528 = tpu.vector_load %arg5[%get3A_526, %get3A_527] {strides = array<i32>} : memref<80x128xi32, #tpu.memory_space<vmem>>, vector<1x16xi32>,
        %get3A_529 = vector.shape_cast %get3A_528 : vector<1x16xi32> to vector<16xi32>
        %and3A_530 = arith.constant 65535 : i32
        %and3A_531 = vector.broadcast %and3A_530 : i32 to vector<16xi32>
        %and3A_532 = arith.andi %get3A_529, %and3A_531 : vector<16xi32>
        %swap3A_533 = arith.constant 1 : i32
        %swap3A_534 = arith.index_cast %swap3A_533 : i32 to index
        %swap3A_535 = arith.constant 16 : index
        %swap3A_536 = tpu.vector_load %arg6[%swap3A_534, %swap3A_535] {strides = array<i32>} : memref<2x128xi32, #tpu.memory_space<vmem>>, vector<1x16xi32>,
        %swap3A_537 = vector.shape_cast %swap3A_536 : vector<1x16xi32> to vector<16xi32>
        %swap3A_538 = vector.shape_cast %and3A_532 : vector<16xi32> to vector<1x16xi32>
        tpu.vector_store %arg6[%swap3A_534, %swap3A_535], %swap3A_538 {strides = array<i32>} : memref<2x128xi32, #tpu.memory_space<vmem>>, vector<1x16xi32>,
        %get3A_539 = arith.index_cast %add3A_507 : i32 to index
        %get3A_540 = arith.constant 32 : index
        %get3A_541 = tpu.vector_load %arg5[%get3A_539, %get3A_540] {strides = array<i32>} : memref<80x128xi32, #tpu.memory_space<vmem>>, vector<1x16xi32>,
        %get3A_542 = vector.shape_cast %get3A_541 : vector<1x16xi32> to vector<16xi32>
        %and3A_543 = arith.constant 65535 : i32
        %and3A_544 = vector.broadcast %and3A_543 : i32 to vector<16xi32>
        %and3A_545 = arith.andi %get3A_542, %and3A_544 : vector<16xi32>
        %swap3A_546 = arith.constant 1 : i32
        %swap3A_547 = arith.index_cast %swap3A_546 : i32 to index
        %swap3A_548 = arith.constant 32 : index
        %swap3A_549 = tpu.vector_load %arg6[%swap3A_547, %swap3A_548] {strides = array<i32>} : memref<2x128xi32, #tpu.memory_space<vmem>>, vector<1x16xi32>,
        %swap3A_550 = vector.shape_cast %swap3A_549 : vector<1x16xi32> to vector<16xi32>
        %swap3A_551 = vector.shape_cast %and3A_545 : vector<16xi32> to vector<1x16xi32>
        tpu.vector_store %arg6[%swap3A_547, %swap3A_548], %swap3A_551 {strides = array<i32>} : memref<2x128xi32, #tpu.memory_space<vmem>>, vector<1x16xi32>,
        %get3A_552 = arith.index_cast %add3A_507 : i32 to index
        %get3A_553 = arith.constant 48 : index
        %get3A_554 = tpu.vector_load %arg5[%get3A_552, %get3A_553] {strides = array<i32>} : memref<80x128xi32, #tpu.memory_space<vmem>>, vector<1x16xi32>,
        %get3A_555 = vector.shape_cast %get3A_554 : vector<1x16xi32> to vector<16xi32>
        %and3A_556 = arith.constant 65535 : i32
        %and3A_557 = vector.broadcast %and3A_556 : i32 to vector<16xi32>
        %and3A_558 = arith.andi %get3A_555, %and3A_557 : vector<16xi32>
        %swap3A_559 = arith.constant 1 : i32
        %swap3A_560 = arith.index_cast %swap3A_559 : i32 to index
        %swap3A_561 = arith.constant 48 : index
        %swap3A_562 = tpu.vector_load %arg6[%swap3A_560, %swap3A_561] {strides = array<i32>} : memref<2x128xi32, #tpu.memory_space<vmem>>, vector<1x16xi32>,
        %swap3A_563 = vector.shape_cast %swap3A_562 : vector<1x16xi32> to vector<16xi32>
        %swap3A_564 = vector.shape_cast %and3A_558 : vector<16xi32> to vector<1x16xi32>
        tpu.vector_store %arg6[%swap3A_560, %swap3A_561], %swap3A_564 {strides = array<i32>} : memref<2x128xi32, #tpu.memory_space<vmem>>, vector<1x16xi32>,
        %get3A_565 = arith.index_cast %add3A_507 : i32 to index
        %get3A_566 = arith.constant 64 : index
        %get3A_567 = tpu.vector_load %arg5[%get3A_565, %get3A_566] {strides = array<i32>} : memref<80x128xi32, #tpu.memory_space<vmem>>, vector<1x16xi32>,
        %get3A_568 = vector.shape_cast %get3A_567 : vector<1x16xi32> to vector<16xi32>
        %and3A_569 = arith.constant 65535 : i32
        %and3A_570 = vector.broadcast %and3A_569 : i32 to vector<16xi32>
        %and3A_571 = arith.andi %get3A_568, %and3A_570 : vector<16xi32>
        %swap3A_572 = arith.constant 1 : i32
        %swap3A_573 = arith.index_cast %swap3A_572 : i32 to index
        %swap3A_574 = arith.constant 64 : index
        %swap3A_575 = tpu.vector_load %arg6[%swap3A_573, %swap3A_574] {strides = array<i32>} : memref<2x128xi32, #tpu.memory_space<vmem>>, vector<1x16xi32>,
        %swap3A_576 = vector.shape_cast %swap3A_575 : vector<1x16xi32> to vector<16xi32>
        %swap3A_577 = vector.shape_cast %and3A_571 : vector<16xi32> to vector<1x16xi32>
        tpu.vector_store %arg6[%swap3A_573, %swap3A_574], %swap3A_577 {strides = array<i32>} : memref<2x128xi32, #tpu.memory_space<vmem>>, vector<1x16xi32>,
        %get3A_578 = arith.index_cast %add3A_507 : i32 to index
        %get3A_579 = arith.constant 80 : index
        %get3A_580 = tpu.vector_load %arg5[%get3A_578, %get3A_579] {strides = array<i32>} : memref<80x128xi32, #tpu.memory_space<vmem>>, vector<1x16xi32>,
        %get3A_581 = vector.shape_cast %get3A_580 : vector<1x16xi32> to vector<16xi32>
        %and3A_582 = arith.constant 65535 : i32
        %and3A_583 = vector.broadcast %and3A_582 : i32 to vector<16xi32>
        %and3A_584 = arith.andi %get3A_581, %and3A_583 : vector<16xi32>
        %swap3A_585 = arith.constant 1 : i32
        %swap3A_586 = arith.index_cast %swap3A_585 : i32 to index
        %swap3A_587 = arith.constant 80 : index
        %swap3A_588 = tpu.vector_load %arg6[%swap3A_586, %swap3A_587] {strides = array<i32>} : memref<2x128xi32, #tpu.memory_space<vmem>>, vector<1x16xi32>,
        %swap3A_589 = vector.shape_cast %swap3A_588 : vector<1x16xi32> to vector<16xi32>
        %swap3A_590 = vector.shape_cast %and3A_584 : vector<16xi32> to vector<1x16xi32>
        tpu.vector_store %arg6[%swap3A_586, %swap3A_587], %swap3A_590 {strides = array<i32>} : memref<2x128xi32, #tpu.memory_space<vmem>>, vector<1x16xi32>,
        %get3A_591 = arith.index_cast %add3A_507 : i32 to index
        %get3A_592 = arith.constant 96 : index
        %get3A_593 = tpu.vector_load %arg5[%get3A_591, %get3A_592] {strides = array<i32>} : memref<80x128xi32, #tpu.memory_space<vmem>>, vector<1x16xi32>,
        %get3A_594 = vector.shape_cast %get3A_593 : vector<1x16xi32> to vector<16xi32>
        %and3A_595 = arith.constant 65535 : i32
        %and3A_596 = vector.broadcast %and3A_595 : i32 to vector<16xi32>
        %and3A_597 = arith.andi %get3A_594, %and3A_596 : vector<16xi32>
        %swap3A_598 = arith.constant 1 : i32
        %swap3A_599 = arith.index_cast %swap3A_598 : i32 to index
        %swap3A_600 = arith.constant 96 : index
        %swap3A_601 = tpu.vector_load %arg6[%swap3A_599, %swap3A_600] {strides = array<i32>} : memref<2x128xi32, #tpu.memory_space<vmem>>, vector<1x16xi32>,
        %swap3A_602 = vector.shape_cast %swap3A_601 : vector<1x16xi32> to vector<16xi32>
        %swap3A_603 = vector.shape_cast %and3A_597 : vector<16xi32> to vector<1x16xi32>
        tpu.vector_store %arg6[%swap3A_599, %swap3A_600], %swap3A_603 {strides = array<i32>} : memref<2x128xi32, #tpu.memory_space<vmem>>, vector<1x16xi32>,
        %get3A_604 = arith.index_cast %add3A_507 : i32 to index
        %get3A_605 = arith.constant 112 : index
        %get3A_606 = tpu.vector_load %arg5[%get3A_604, %get3A_605] {strides = array<i32>} : memref<80x128xi32, #tpu.memory_space<vmem>>, vector<1x16xi32>,
        %get3A_607 = vector.shape_cast %get3A_606 : vector<1x16xi32> to vector<16xi32>
        %and3A_608 = arith.constant 65535 : i32
        %and3A_609 = vector.broadcast %and3A_608 : i32 to vector<16xi32>
        %and3A_610 = arith.andi %get3A_607, %and3A_609 : vector<16xi32>
        %swap3A_611 = arith.constant 1 : i32
        %swap3A_612 = arith.index_cast %swap3A_611 : i32 to index
        %swap3A_613 = arith.constant 112 : index
        %swap3A_614 = tpu.vector_load %arg6[%swap3A_612, %swap3A_613] {strides = array<i32>} : memref<2x128xi32, #tpu.memory_space<vmem>>, vector<1x16xi32>,
        %swap3A_615 = vector.shape_cast %swap3A_614 : vector<1x16xi32> to vector<16xi32>
        %swap3A_616 = vector.shape_cast %and3A_610 : vector<16xi32> to vector<1x16xi32>
        tpu.vector_store %arg6[%swap3A_612, %swap3A_613], %swap3A_616 {strides = array<i32>} : memref<2x128xi32, #tpu.memory_space<vmem>>, vector<1x16xi32>,
        %dma_start3A_617 = arith.constant 1 : i32
        %dma_start3A_618 = arith.constant 0 : i32
        %dma_start3A_619 = tpu.memref_slice %arg6[%dma_start3A_617, %dma_start3A_618] : memref<2x128xi32, #tpu.memory_space<vmem>> -> memref<1x128xi32, #tpu.memory_space<vmem>>
        %dma_start3A_620 = tpu.memref_squeeze %dma_start3A_619 : memref<1x128xi32, #tpu.memory_space<vmem>> -> memref<128xi32, #tpu.memory_space<vmem>>
        %dma_start3A_621 = arith.constant 0 : i32
        %dma_start3A_622 = arith.constant 0 : i32
        %dma_start3A_623 = tpu.memref_slice %arg2[%dma_start3A_621, %dma_start3A_622] : memref<10112x128xf32, #tpu.memory_space<hbm>> -> memref<10112x128xf32, #tpu.memory_space<hbm>>
        tpu.enqueue_indirect_dma source(%dma_start3A_623 : memref<10112x128xf32, #tpu.memory_space<hbm>>) target(%arg12 : memref<128x128xf32, #tpu.memory_space<vmem>>) offsets(%dma_start3A_620 : memref<128xi32, #tpu.memory_space<vmem>>) semaphore(%arg9 : memref<!tpu.dma_semaphore, #tpu.memory_space<semaphore_mem>>)
      } else {
      }
    }
    %scan3A_241 = arith.constant 40 : i32
    %barrier3A_242 = arith.constant 0 : index
    tpu.barrier barrier_id(%barrier3A_242)
    "tpu.region"() ({
      %run_scoped3A = tpu.sem_alloc : memref<!tpu.dma_semaphore, #tpu.memory_space<semaphore_mem>>
      %dma_start3A_243 = arith.constant 0 : i32
      %dma_start3A_244 = arith.constant 0 : i32
      %dma_start3A_245 = tpu.memref_slice %arg4[%arg0, %dma_start3A_243, %dma_start3A_244] : memref<2x10112x128xf32, #tpu.memory_space<hbm>> -> memref<1x10112x128xf32, #tpu.memory_space<hbm>>
      %dma_start3A_246 = tpu.memref_squeeze %dma_start3A_245 : memref<1x10112x128xf32, #tpu.memory_space<hbm>> -> memref<10112x128xf32, #tpu.memory_space<hbm>>
      %dma_start3A_247 = arith.constant 0 : i32
      %dma_start3A_248 = tpu.memref_slice %dma_start3A_246[%multiple_of3A, %dma_start3A_247] : memref<10112x128xf32, #tpu.memory_space<hbm>> -> memref<632x128xf32, #tpu.memory_space<hbm>>
      %dma_start3A_249 = arith.constant 0 : i32
      %dma_start3A_250 = tpu.memref_slice %arg8[%multiple_of3A, %dma_start3A_249] : memref<10112x128xf32, #tpu.memory_space<vmem_shared>> -> memref<632x128xf32, #tpu.memory_space<vmem_shared>>
      tpu.enqueue_dma source(%dma_start3A_250 : memref<632x128xf32, #tpu.memory_space<vmem_shared>>) target(%dma_start3A_248 : memref<632x128xf32, #tpu.memory_space<hbm>>) target_semaphore(%run_scoped3A : memref<!tpu.dma_semaphore, #tpu.memory_space<semaphore_mem>>)
      %dma_wait3A = arith.constant 0 : i32
      %dma_wait3A_251 = arith.constant 0 : i32
      %dma_wait3A_252 = tpu.memref_slice %arg4[%arg0, %dma_wait3A, %dma_wait3A_251] : memref<2x10112x128xf32, #tpu.memory_space<hbm>> -> memref<1x10112x128xf32, #tpu.memory_space<hbm>>
      %dma_wait3A_253 = tpu.memref_squeeze %dma_wait3A_252 : memref<1x10112x128xf32, #tpu.memory_space<hbm>> -> memref<10112x128xf32, #tpu.memory_space<hbm>>
      %dma_wait3A_254 = arith.constant 0 : i32
      %dma_wait3A_255 = tpu.memref_slice %dma_wait3A_253[%multiple_of3A, %dma_wait3A_254] : memref<10112x128xf32, #tpu.memory_space<hbm>> -> memref<632x128xf32, #tpu.memory_space<hbm>>
      %dma_wait3A_256 = arith.constant 0 : i32
      %dma_wait3A_257 = tpu.memref_slice %arg8[%multiple_of3A, %dma_wait3A_256] : memref<10112x128xf32, #tpu.memory_space<vmem_shared>> -> memref<632x128xf32, #tpu.memory_space<vmem_shared>>
      tpu.wait_dma2 semaphore(%run_scoped3A : memref<!tpu.dma_semaphore, #tpu.memory_space<semaphore_mem>>) src(%dma_wait3A_257 : memref<632x128xf32, #tpu.memory_space<vmem_shared>>) dst(%dma_wait3A_255 : memref<632x128xf32, #tpu.memory_space<hbm>>)
      tpu.yield
    }) : () -> ()
    return
  }
}

module attributes {stable_mosaic.version = 14 : i64} {
  func.func @_tc_pre_body(%arg0: memref<2x10112x1xf32, #tpu.memory_space<vmem>>, %arg1: memref<10112x128xf32, #tpu.memory_space<vmem>>, %arg2: memref<128x128xf32, #tpu.memory_space<vmem>>, %arg3: memref<10112x128xf32, #tpu.memory_space<vmem>>, %arg4: memref<10112x1xf32, #tpu.memory_space<vmem>>) attributes {dimension_semantics = [], scalar_prefetch = 0 : i64, scratch_operands = 0 : i64, tpu.core_type = #tpu.core_type<tc>} {
    %get3A = arith.constant 0 : index
    %get3A_0 = arith.constant 0 : index
    %get3A_1 = arith.constant 0 : index
    %get3A_2 = vector.load %arg0[%get3A, %get3A_0, %get3A_1] : memref<2x10112x1xf32, #tpu.memory_space<vmem>>, vector<1x10112x1xf32>
    %get3A_3 = vector.shape_cast %get3A_2 : vector<1x10112x1xf32> to vector<10112x1xf32>
    %get3A_4 = arith.constant 1 : index
    %get3A_5 = arith.constant 0 : index
    %get3A_6 = arith.constant 0 : index
    %get3A_7 = vector.load %arg0[%get3A_4, %get3A_5, %get3A_6] : memref<2x10112x1xf32, #tpu.memory_space<vmem>>, vector<1x10112x1xf32>
    %get3A_8 = vector.shape_cast %get3A_7 : vector<1x10112x1xf32> to vector<10112x1xf32>
    %add3A = arith.addf %get3A_3, %get3A_8 : vector<10112x1xf32>
    %add3A_9 = arith.constant 1.000000e+00 : f32
    %add3A_10 = vector.broadcast %add3A_9 : f32 to vector<10112x1xf32>
    %add3A_11 = arith.addf %add3A, %add3A_10 : vector<10112x1xf32>
    %rsqrt3A = math.rsqrt %add3A_11 : vector<10112x1xf32>
    %swap3A = arith.constant 0 : index
    %swap3A_12 = arith.constant 0 : index
    %swap3A_13 = vector.load %arg4[%swap3A, %swap3A_12] : memref<10112x1xf32, #tpu.memory_space<vmem>>, vector<10112x1xf32>
    tpu.vector_store %arg4[%swap3A, %swap3A_12], %rsqrt3A {strides = array<i32>} : memref<10112x1xf32, #tpu.memory_space<vmem>>, vector<10112x1xf32>,
    %get3A_14 = arith.constant 0 : index
    %get3A_15 = arith.constant 0 : index
    %get3A_16 = vector.load %arg1[%get3A_14, %get3A_15] : memref<10112x128xf32, #tpu.memory_space<vmem>>, vector<10112x128xf32>
    %get3A_17 = arith.constant 0 : index
    %get3A_18 = arith.constant 0 : index
    %get3A_19 = vector.load %arg2[%get3A_17, %get3A_18] : memref<128x128xf32, #tpu.memory_space<vmem>>, vector<128x128xf32>
    %dot_general3A = arith.constant dense<0.000000e+00> : vector<10112x128xf32>
    %dot_general3A_20 = tpu.matmul %get3A_16, %get3A_19, %dot_general3A {dimension_numbers = #tpu.dot_dimension_numbers<[1], [0], [0], [1], [0, 0, 1, 1], [], []>, transpose_lhs_hint = false} : vector<10112x128xf32>, vector<128x128xf32>, vector<10112x128xf32> -> vector<10112x128xf32>
    %mul3A = vector.broadcast %rsqrt3A : vector<10112x1xf32> to vector<10112x128xf32>
    %mul3A_21 = arith.mulf %dot_general3A_20, %mul3A : vector<10112x128xf32>
    %swap3A_22 = arith.constant 0 : index
    %swap3A_23 = arith.constant 0 : index
    %swap3A_24 = vector.load %arg3[%swap3A_22, %swap3A_23] : memref<10112x128xf32, #tpu.memory_space<vmem>>, vector<10112x128xf32>
    tpu.vector_store %arg3[%swap3A_22, %swap3A_23], %mul3A_21 {strides = array<i32>} : memref<10112x128xf32, #tpu.memory_space<vmem>>, vector<10112x128xf32>,
    return
  }
}

module attributes {stable_mosaic.version = 14 : i64} {
  func.func @_tc_mid_body(%arg0: memref<10112x1xf32, #tpu.memory_space<vmem>>, %arg1: memref<2x10112x128xf32, #tpu.memory_space<vmem>>, %arg2: memref<10112x128xf32, #tpu.memory_space<vmem>>, %arg3: memref<1x128xf32, #tpu.memory_space<vmem>>, %arg4: memref<1x128xf32, #tpu.memory_space<vmem>>, %arg5: memref<1x128xf32, #tpu.memory_space<vmem>>, %arg6: memref<1x128xf32, #tpu.memory_space<vmem>>, %arg7: memref<128x128xf32, #tpu.memory_space<vmem>>, %arg8: memref<10112x128xf32, #tpu.memory_space<vmem>>) attributes {dimension_semantics = [], scalar_prefetch = 0 : i64, scratch_operands = 0 : i64, tpu.core_type = #tpu.core_type<tc>} {
    %get3A = arith.constant 0 : index
    %get3A_0 = arith.constant 0 : index
    %get3A_1 = vector.load %arg0[%get3A, %get3A_0] : memref<10112x1xf32, #tpu.memory_space<vmem>>, vector<10112x1xf32>
    %get3A_2 = arith.constant 0 : index
    %get3A_3 = arith.constant 0 : index
    %get3A_4 = arith.constant 0 : index
    %get3A_5 = vector.load %arg1[%get3A_2, %get3A_3, %get3A_4] : memref<2x10112x128xf32, #tpu.memory_space<vmem>>, vector<1x10112x128xf32>
    %get3A_6 = vector.shape_cast %get3A_5 : vector<1x10112x128xf32> to vector<10112x128xf32>
    %get3A_7 = arith.constant 1 : index
    %get3A_8 = arith.constant 0 : index
    %get3A_9 = arith.constant 0 : index
    %get3A_10 = vector.load %arg1[%get3A_7, %get3A_8, %get3A_9] : memref<2x10112x128xf32, #tpu.memory_space<vmem>>, vector<1x10112x128xf32>
    %get3A_11 = vector.shape_cast %get3A_10 : vector<1x10112x128xf32> to vector<10112x128xf32>
    %add3A = arith.addf %get3A_6, %get3A_11 : vector<10112x128xf32>
    %get3A_12 = arith.constant 0 : index
    %get3A_13 = arith.constant 0 : index
    %get3A_14 = vector.load %arg2[%get3A_12, %get3A_13] : memref<10112x128xf32, #tpu.memory_space<vmem>>, vector<10112x128xf32>
    %sub3A = arith.subf %add3A, %get3A_14 : vector<10112x128xf32>
    %mul3A = vector.broadcast %get3A_1 : vector<10112x1xf32> to vector<10112x128xf32>
    %mul3A_15 = arith.mulf %sub3A, %mul3A : vector<10112x128xf32>
    %get3A_16 = arith.constant 0 : index
    %get3A_17 = arith.constant 0 : index
    %get3A_18 = vector.load %arg3[%get3A_16, %get3A_17] : memref<1x128xf32, #tpu.memory_space<vmem>>, vector<1x128xf32>
    %add3A_19 = vector.broadcast %get3A_18 : vector<1x128xf32> to vector<10112x128xf32>
    %add3A_20 = arith.addf %mul3A_15, %add3A_19 : vector<10112x128xf32>
    %get3A_21 = arith.constant 0 : index
    %get3A_22 = arith.constant 0 : index
    %get3A_23 = vector.load %arg4[%get3A_21, %get3A_22] : memref<1x128xf32, #tpu.memory_space<vmem>>, vector<1x128xf32>
    %get3A_24 = arith.constant 0 : index
    %get3A_25 = arith.constant 0 : index
    %get3A_26 = vector.load %arg5[%get3A_24, %get3A_25] : memref<1x128xf32, #tpu.memory_space<vmem>>, vector<1x128xf32>
    %get3A_27 = arith.constant 0 : index
    %get3A_28 = arith.constant 0 : index
    %get3A_29 = vector.load %arg6[%get3A_27, %get3A_28] : memref<1x128xf32, #tpu.memory_space<vmem>>, vector<1x128xf32>
    %iota3A = tpu.iota {dimensions = array<i32: 0>} : vector<10112x128xi32>
    %lt3A = arith.constant 10000 : i32
    %lt3A_30 = vector.broadcast %lt3A : i32 to vector<10112x128xi32>
    %lt3A_31 = arith.cmpi slt, %iota3A, %lt3A_30 : vector<10112x128xi32>
    %jit3A = arith.constant 0.000000e+00 : f32
    %broadcast_in_dim3A = vector.broadcast %jit3A : f32 to vector<10112x128xf32>
    %select_n3A = arith.select %lt3A_31, %add3A_20, %broadcast_in_dim3A : vector<10112x128xi1>, vector<10112x128xf32>
    %reduce_sum3A = arith.constant dense<0.000000e+00> : vector<128xf32>
    %reduce_sum3A_32 = vector.multi_reduction <add>, %select_n3A, %reduce_sum3A [0] : vector<10112x128xf32> to vector<128xf32>
    %broadcast_in_dim3A_33 = vector.shape_cast %reduce_sum3A_32 : vector<128xf32> to vector<1x128xf32>
    %div3A = arith.constant 1.000000e+04 : f32
    %div3A_34 = vector.broadcast %div3A : f32 to vector<1x128xf32>
    %div3A_35 = arith.divf %broadcast_in_dim3A_33, %div3A_34 : vector<1x128xf32>
    %mul3A_36 = arith.mulf %get3A_29, %div3A_35 : vector<1x128xf32>
    %sub3A_37 = vector.broadcast %mul3A_36 : vector<1x128xf32> to vector<10112x128xf32>
    %sub3A_38 = arith.subf %add3A_20, %sub3A_37 : vector<10112x128xf32>
    %jit3A_39 = arith.constant 0.000000e+00 : f32
    %broadcast_in_dim3A_40 = vector.broadcast %jit3A_39 : f32 to vector<10112x128xf32>
    %select_n3A_41 = arith.select %lt3A_31, %sub3A_38, %broadcast_in_dim3A_40 : vector<10112x128xi1>, vector<10112x128xf32>
    %mul3A_42 = arith.mulf %select_n3A_41, %select_n3A_41 : vector<10112x128xf32>
    %reduce_sum3A_43 = arith.constant dense<0.000000e+00> : vector<128xf32>
    %reduce_sum3A_44 = vector.multi_reduction <add>, %mul3A_42, %reduce_sum3A_43 [0] : vector<10112x128xf32> to vector<128xf32>
    %broadcast_in_dim3A_45 = vector.shape_cast %reduce_sum3A_44 : vector<128xf32> to vector<1x128xf32>
    %div3A_46 = arith.constant 1.000000e+04 : f32
    %div3A_47 = vector.broadcast %div3A_46 : f32 to vector<1x128xf32>
    %div3A_48 = arith.divf %broadcast_in_dim3A_45, %div3A_47 : vector<1x128xf32>
    %mul3A_49 = vector.broadcast %get3A_23 : vector<1x128xf32> to vector<10112x128xf32>
    %mul3A_50 = arith.mulf %mul3A_49, %sub3A_38 : vector<10112x128xf32>
    %add3A_51 = arith.constant 9.99999974E-6 : f32
    %add3A_52 = vector.broadcast %add3A_51 : f32 to vector<1x128xf32>
    %add3A_53 = arith.addf %div3A_48, %add3A_52 : vector<1x128xf32>
    %rsqrt3A = math.rsqrt %add3A_53 : vector<1x128xf32>
    %mul3A_54 = vector.broadcast %rsqrt3A : vector<1x128xf32> to vector<10112x128xf32>
    %mul3A_55 = arith.mulf %mul3A_50, %mul3A_54 : vector<10112x128xf32>
    %add3A_56 = vector.broadcast %get3A_26 : vector<1x128xf32> to vector<10112x128xf32>
    %add3A_57 = arith.addf %mul3A_55, %add3A_56 : vector<10112x128xf32>
    %ge3A = arith.constant 0.000000e+00 : f32
    %ge3A_58 = vector.broadcast %ge3A : f32 to vector<10112x128xf32>
    %ge3A_59 = arith.cmpf oge, %add3A_57, %ge3A_58 : vector<10112x128xf32>
    %mul3A_60 = arith.constant 0.00999999977 : f32
    %mul3A_61 = vector.broadcast %mul3A_60 : f32 to vector<10112x128xf32>
    %mul3A_62 = arith.mulf %mul3A_61, %add3A_57 : vector<10112x128xf32>
    %select_n3A_63 = arith.select %ge3A_59, %add3A_57, %mul3A_62 : vector<10112x128xi1>, vector<10112x128xf32>
    %jit3A_64 = arith.constant 0.000000e+00 : f32
    %broadcast_in_dim3A_65 = vector.broadcast %jit3A_64 : f32 to vector<10112x128xf32>
    %select_n3A_66 = arith.select %lt3A_31, %select_n3A_63, %broadcast_in_dim3A_65 : vector<10112x128xi1>, vector<10112x128xf32>
    %get3A_67 = arith.constant 0 : index
    %get3A_68 = arith.constant 0 : index
    %get3A_69 = vector.load %arg7[%get3A_67, %get3A_68] : memref<128x128xf32, #tpu.memory_space<vmem>>, vector<128x128xf32>
    %dot_general3A = arith.constant dense<0.000000e+00> : vector<10112x128xf32>
    %dot_general3A_70 = tpu.matmul %select_n3A_66, %get3A_69, %dot_general3A {dimension_numbers = #tpu.dot_dimension_numbers<[1], [0], [0], [1], [0, 0, 1, 1], [], []>, transpose_lhs_hint = false} : vector<10112x128xf32>, vector<128x128xf32>, vector<10112x128xf32> -> vector<10112x128xf32>
    %mul3A_71 = vector.broadcast %get3A_1 : vector<10112x1xf32> to vector<10112x128xf32>
    %mul3A_72 = arith.mulf %dot_general3A_70, %mul3A_71 : vector<10112x128xf32>
    %swap3A = arith.constant 0 : index
    %swap3A_73 = arith.constant 0 : index
    %swap3A_74 = vector.load %arg8[%swap3A, %swap3A_73] : memref<10112x128xf32, #tpu.memory_space<vmem>>, vector<10112x128xf32>
    tpu.vector_store %arg8[%swap3A, %swap3A_73], %mul3A_72 {strides = array<i32>} : memref<10112x128xf32, #tpu.memory_space<vmem>>, vector<10112x128xf32>,
    return
  }
}

module attributes {stable_mosaic.version = 14 : i64} {
  func.func @_tc_post_body(%arg0: memref<10112x1xf32, #tpu.memory_space<vmem>>, %arg1: memref<2x10112x128xf32, #tpu.memory_space<vmem>>, %arg2: memref<10112x128xf32, #tpu.memory_space<vmem>>, %arg3: memref<1x128xf32, #tpu.memory_space<vmem>>, %arg4: memref<1x128xf32, #tpu.memory_space<vmem>>, %arg5: memref<1x128xf32, #tpu.memory_space<vmem>>, %arg6: memref<1x128xf32, #tpu.memory_space<vmem>>, %arg7: memref<128x32xf32, #tpu.memory_space<vmem>>, %arg8: memref<1x32xf32, #tpu.memory_space<vmem>>, %arg9: memref<32x16xf32, #tpu.memory_space<vmem>>, %arg10: memref<1x16xf32, #tpu.memory_space<vmem>>, %arg11: memref<16x1xf32, #tpu.memory_space<vmem>>, %arg12: memref<1x1xf32, #tpu.memory_space<vmem>>, %arg13: memref<10000x1xf32, #tpu.memory_space<vmem>>) attributes {dimension_semantics = [], scalar_prefetch = 0 : i64, scratch_operands = 0 : i64, tpu.core_type = #tpu.core_type<tc>} {
    %get3A = arith.constant 0 : index
    %get3A_0 = arith.constant 0 : index
    %get3A_1 = vector.load %arg0[%get3A, %get3A_0] : memref<10112x1xf32, #tpu.memory_space<vmem>>, vector<10112x1xf32>
    %get3A_2 = arith.constant 0 : index
    %get3A_3 = arith.constant 0 : index
    %get3A_4 = arith.constant 0 : index
    %get3A_5 = vector.load %arg1[%get3A_2, %get3A_3, %get3A_4] : memref<2x10112x128xf32, #tpu.memory_space<vmem>>, vector<1x10112x128xf32>
    %get3A_6 = vector.shape_cast %get3A_5 : vector<1x10112x128xf32> to vector<10112x128xf32>
    %get3A_7 = arith.constant 1 : index
    %get3A_8 = arith.constant 0 : index
    %get3A_9 = arith.constant 0 : index
    %get3A_10 = vector.load %arg1[%get3A_7, %get3A_8, %get3A_9] : memref<2x10112x128xf32, #tpu.memory_space<vmem>>, vector<1x10112x128xf32>
    %get3A_11 = vector.shape_cast %get3A_10 : vector<1x10112x128xf32> to vector<10112x128xf32>
    %add3A = arith.addf %get3A_6, %get3A_11 : vector<10112x128xf32>
    %get3A_12 = arith.constant 0 : index
    %get3A_13 = arith.constant 0 : index
    %get3A_14 = vector.load %arg2[%get3A_12, %get3A_13] : memref<10112x128xf32, #tpu.memory_space<vmem>>, vector<10112x128xf32>
    %sub3A = arith.subf %add3A, %get3A_14 : vector<10112x128xf32>
    %mul3A = vector.broadcast %get3A_1 : vector<10112x1xf32> to vector<10112x128xf32>
    %mul3A_15 = arith.mulf %sub3A, %mul3A : vector<10112x128xf32>
    %get3A_16 = arith.constant 0 : index
    %get3A_17 = arith.constant 0 : index
    %get3A_18 = vector.load %arg3[%get3A_16, %get3A_17] : memref<1x128xf32, #tpu.memory_space<vmem>>, vector<1x128xf32>
    %add3A_19 = vector.broadcast %get3A_18 : vector<1x128xf32> to vector<10112x128xf32>
    %add3A_20 = arith.addf %mul3A_15, %add3A_19 : vector<10112x128xf32>
    %get3A_21 = arith.constant 0 : index
    %get3A_22 = arith.constant 0 : index
    %get3A_23 = vector.load %arg4[%get3A_21, %get3A_22] : memref<1x128xf32, #tpu.memory_space<vmem>>, vector<1x128xf32>
    %get3A_24 = arith.constant 0 : index
    %get3A_25 = arith.constant 0 : index
    %get3A_26 = vector.load %arg5[%get3A_24, %get3A_25] : memref<1x128xf32, #tpu.memory_space<vmem>>, vector<1x128xf32>
    %get3A_27 = arith.constant 0 : index
    %get3A_28 = arith.constant 0 : index
    %get3A_29 = vector.load %arg6[%get3A_27, %get3A_28] : memref<1x128xf32, #tpu.memory_space<vmem>>, vector<1x128xf32>
    %iota3A = tpu.iota {dimensions = array<i32: 0>} : vector<10112x128xi32>
    %lt3A = arith.constant 10000 : i32
    %lt3A_30 = vector.broadcast %lt3A : i32 to vector<10112x128xi32>
    %lt3A_31 = arith.cmpi slt, %iota3A, %lt3A_30 : vector<10112x128xi32>
    %jit3A = arith.constant 0.000000e+00 : f32
    %broadcast_in_dim3A = vector.broadcast %jit3A : f32 to vector<10112x128xf32>
    %select_n3A = arith.select %lt3A_31, %add3A_20, %broadcast_in_dim3A : vector<10112x128xi1>, vector<10112x128xf32>
    %reduce_sum3A = arith.constant dense<0.000000e+00> : vector<128xf32>
    %reduce_sum3A_32 = vector.multi_reduction <add>, %select_n3A, %reduce_sum3A [0] : vector<10112x128xf32> to vector<128xf32>
    %broadcast_in_dim3A_33 = vector.shape_cast %reduce_sum3A_32 : vector<128xf32> to vector<1x128xf32>
    %div3A = arith.constant 1.000000e+04 : f32
    %div3A_34 = vector.broadcast %div3A : f32 to vector<1x128xf32>
    %div3A_35 = arith.divf %broadcast_in_dim3A_33, %div3A_34 : vector<1x128xf32>
    %mul3A_36 = arith.mulf %get3A_29, %div3A_35 : vector<1x128xf32>
    %sub3A_37 = vector.broadcast %mul3A_36 : vector<1x128xf32> to vector<10112x128xf32>
    %sub3A_38 = arith.subf %add3A_20, %sub3A_37 : vector<10112x128xf32>
    %jit3A_39 = arith.constant 0.000000e+00 : f32
    %broadcast_in_dim3A_40 = vector.broadcast %jit3A_39 : f32 to vector<10112x128xf32>
    %select_n3A_41 = arith.select %lt3A_31, %sub3A_38, %broadcast_in_dim3A_40 : vector<10112x128xi1>, vector<10112x128xf32>
    %mul3A_42 = arith.mulf %select_n3A_41, %select_n3A_41 : vector<10112x128xf32>
    %reduce_sum3A_43 = arith.constant dense<0.000000e+00> : vector<128xf32>
    %reduce_sum3A_44 = vector.multi_reduction <add>, %mul3A_42, %reduce_sum3A_43 [0] : vector<10112x128xf32> to vector<128xf32>
    %broadcast_in_dim3A_45 = vector.shape_cast %reduce_sum3A_44 : vector<128xf32> to vector<1x128xf32>
    %div3A_46 = arith.constant 1.000000e+04 : f32
    %div3A_47 = vector.broadcast %div3A_46 : f32 to vector<1x128xf32>
    %div3A_48 = arith.divf %broadcast_in_dim3A_45, %div3A_47 : vector<1x128xf32>
    %mul3A_49 = vector.broadcast %get3A_23 : vector<1x128xf32> to vector<10112x128xf32>
    %mul3A_50 = arith.mulf %mul3A_49, %sub3A_38 : vector<10112x128xf32>
    %add3A_51 = arith.constant 9.99999974E-6 : f32
    %add3A_52 = vector.broadcast %add3A_51 : f32 to vector<1x128xf32>
    %add3A_53 = arith.addf %div3A_48, %add3A_52 : vector<1x128xf32>
    %rsqrt3A = math.rsqrt %add3A_53 : vector<1x128xf32>
    %mul3A_54 = vector.broadcast %rsqrt3A : vector<1x128xf32> to vector<10112x128xf32>
    %mul3A_55 = arith.mulf %mul3A_50, %mul3A_54 : vector<10112x128xf32>
    %add3A_56 = vector.broadcast %get3A_26 : vector<1x128xf32> to vector<10112x128xf32>
    %add3A_57 = arith.addf %mul3A_55, %add3A_56 : vector<10112x128xf32>
    %ge3A = arith.constant 0.000000e+00 : f32
    %ge3A_58 = vector.broadcast %ge3A : f32 to vector<10112x128xf32>
    %ge3A_59 = arith.cmpf oge, %add3A_57, %ge3A_58 : vector<10112x128xf32>
    %mul3A_60 = arith.constant 0.00999999977 : f32
    %mul3A_61 = vector.broadcast %mul3A_60 : f32 to vector<10112x128xf32>
    %mul3A_62 = arith.mulf %mul3A_61, %add3A_57 : vector<10112x128xf32>
    %select_n3A_63 = arith.select %ge3A_59, %add3A_57, %mul3A_62 : vector<10112x128xi1>, vector<10112x128xf32>
    %jit3A_64 = arith.constant 0.000000e+00 : f32
    %broadcast_in_dim3A_65 = vector.broadcast %jit3A_64 : f32 to vector<10112x128xf32>
    %select_n3A_66 = arith.select %lt3A_31, %select_n3A_63, %broadcast_in_dim3A_65 : vector<10112x128xi1>, vector<10112x128xf32>
    %get3A_67 = arith.constant 0 : index
    %get3A_68 = arith.constant 0 : index
    %get3A_69 = vector.load %arg7[%get3A_67, %get3A_68] : memref<128x32xf32, #tpu.memory_space<vmem>>, vector<128x32xf32>
    %dot_general3A = arith.constant dense<0.000000e+00> : vector<10112x32xf32>
    %dot_general3A_70 = tpu.matmul %select_n3A_66, %get3A_69, %dot_general3A {dimension_numbers = #tpu.dot_dimension_numbers<[1], [0], [0], [1], [0, 0, 1, 1], [], []>, transpose_lhs_hint = false} : vector<10112x128xf32>, vector<128x32xf32>, vector<10112x32xf32> -> vector<10112x32xf32>
    %get3A_71 = arith.constant 0 : index
    %get3A_72 = arith.constant 0 : index
    %get3A_73 = vector.load %arg8[%get3A_71, %get3A_72] : memref<1x32xf32, #tpu.memory_space<vmem>>, vector<1x32xf32>
    %add3A_74 = vector.broadcast %get3A_73 : vector<1x32xf32> to vector<10112x32xf32>
    %add3A_75 = arith.addf %dot_general3A_70, %add3A_74 : vector<10112x32xf32>
    %max3A = arith.constant 0.000000e+00 : f32
    %max3A_76 = vector.broadcast %max3A : f32 to vector<10112x32xf32>
    %max3A_77 = arith.maximumf %add3A_75, %max3A_76 : vector<10112x32xf32>
    %get3A_78 = arith.constant 0 : index
    %get3A_79 = arith.constant 0 : index
    %get3A_80 = vector.load %arg9[%get3A_78, %get3A_79] : memref<32x16xf32, #tpu.memory_space<vmem>>, vector<32x16xf32>
    %dot_general3A_81 = arith.constant dense<0.000000e+00> : vector<10112x16xf32>
    %dot_general3A_82 = tpu.matmul %max3A_77, %get3A_80, %dot_general3A_81 {dimension_numbers = #tpu.dot_dimension_numbers<[1], [0], [0], [1], [0, 0, 1, 1], [], []>, transpose_lhs_hint = false} : vector<10112x32xf32>, vector<32x16xf32>, vector<10112x16xf32> -> vector<10112x16xf32>
    %get3A_83 = arith.constant 0 : index
    %get3A_84 = arith.constant 0 : index
    %get3A_85 = vector.load %arg10[%get3A_83, %get3A_84] : memref<1x16xf32, #tpu.memory_space<vmem>>, vector<1x16xf32>
    %add3A_86 = vector.broadcast %get3A_85 : vector<1x16xf32> to vector<10112x16xf32>
    %add3A_87 = arith.addf %dot_general3A_82, %add3A_86 : vector<10112x16xf32>
    %max3A_88 = arith.constant 0.000000e+00 : f32
    %max3A_89 = vector.broadcast %max3A_88 : f32 to vector<10112x16xf32>
    %max3A_90 = arith.maximumf %add3A_87, %max3A_89 : vector<10112x16xf32>
    %get3A_91 = arith.constant 0 : index
    %get3A_92 = arith.constant 0 : index
    %get3A_93 = vector.load %arg11[%get3A_91, %get3A_92] : memref<16x1xf32, #tpu.memory_space<vmem>>, vector<16x1xf32>
    %dot_general3A_94 = arith.constant dense<0.000000e+00> : vector<10112x1xf32>
    %dot_general3A_95 = tpu.matmul %max3A_90, %get3A_93, %dot_general3A_94 {dimension_numbers = #tpu.dot_dimension_numbers<[1], [0], [0], [1], [0, 0, 1, 1], [], []>, transpose_lhs_hint = false} : vector<10112x16xf32>, vector<16x1xf32>, vector<10112x1xf32> -> vector<10112x1xf32>
    %get3A_96 = arith.constant 0 : index
    %get3A_97 = arith.constant 0 : index
    %get3A_98 = vector.load %arg12[%get3A_96, %get3A_97] : memref<1x1xf32, #tpu.memory_space<vmem>>, vector<1x1xf32>
    %add3A_99 = vector.broadcast %get3A_98 : vector<1x1xf32> to vector<10112x1xf32>
    %add3A_100 = arith.addf %dot_general3A_95, %add3A_99 : vector<10112x1xf32>
    %slice3A = vector.extract_strided_slice %add3A_100 {offsets = [0, 0], sizes = [10000, 1], strides = [1, 1]} : vector<10112x1xf32> to vector<10000x1xf32>
    %swap3A = arith.constant 0 : index
    %swap3A_101 = arith.constant 0 : index
    %swap3A_102 = vector.load %arg13[%swap3A, %swap3A_101] : memref<10000x1xf32, #tpu.memory_space<vmem>>, vector<10000x1xf32>
    tpu.vector_store %arg13[%swap3A, %swap3A_101], %slice3A {strides = array<i32>} : memref<10000x1xf32, #tpu.memory_space<vmem>>, vector<10000x1xf32>,
    return
  }
}

</mosaic_0001>

<sc_bundles>
// kernel: kernel.11.cloned.1.call-start
scs
__scs_entry_jumppad:
0x0: {  	(pc) =	sbr.rel $0x88, $3  }
0x1: {  	(tag) =	ssettag $0x0;
	lr =	simm.s32 $0x1  }
0x2: {  	[smem:$0x3F8F] =	sst lr;
	_ =	strace $0xD0000000  }
0x3: {  	_ = 	snop  }
0x4: {  	_ = 	snop  }
0x5: {  	_ = 	snop  }
0x6: {  	_ = 	snop  }
0x7: {  	_ = 	snop  }
__scs_overlays_trampoline_lowered:
0x8: {  	[smem:$0x3F9E] =	sst s0  }
0x9: {  	[smem:$0x3F9F] =	sst s1  }
0xa: {  	[smem:$0x3FA0] =	sst s2  }
0xb: {  	[smem:$0x3FA1] =	sst s3  }
0xc: {  	[smem:$0x3FA2] =	sst s4  }
0xd: {  	[smem:$0x3FA3] =	sst s5  }
0xe: {  	[smem:$0x3FA4] =	sst s6  }
0xf: {  	[smem:$0x3FA5] =	sst s7  }
0x10: {  	[smem:$0x3FA6] =	sst s8  }
0x11: {  	[smem:$0x3FA7] =	sst s9;
	s0 =	simm.s32 @!p0 $0x0  }
0x12: {  	s1 =	sld [smem:$0x3F8D];
	s0 =	simm.s32 @p0 $0x1  }
0x13: {  	[smem:$0x3FA8] =	sst s0;
	s0 =	simm.s32 @!p1 $0x0  }
0x14: {  	s2 =	sld [smem:$0x3F8C];
	s0 =	simm.s32 @p1 $0x1  }
0x15: {  	[smem:$0x3FA9] =	sst s0;
	s0 =	simm.s32 @!p2 $0x0  }
0x16: {  	s3 =	sld [smem:$0x3FDB];
	s0 =	simm.s32 @p2 $0x1  }
0x17: {  	s4 =	simm.s32 $0x1BF5;
	[smem:$0x3FAB] =	sst s0  }
0x18: {  	s0 =	sld [smem:$0x3F8E];
	_ =	swait.ge [sflag:s4], $0x0  }
0x19: {  	s7 =	sld [smem:$0x3F8F]  }
0x1a: {  	s8 =	sadd.s32 $0xFFFFE003, lr  }
0x1b: {  	s9 =	sadd.s32 $0xFFFFFEF7, lr;
	s5 =	simm.s32 $0xFFFFFFFF;
	p2 =	slt.u32 s8, $0xFFFFF086  }
0x1c: {  	p1 =	slt.u32 s9, $0xF7A;
	s5 =	simm.s32 @!p2 $0x0  }
0x1d: {  	s5 =	simm.s32 @p1 $0x1;
	p0 =	seq.s32 s7, s2  }
0x1e: {  	s7 =	smul.u32 @!p0 $0xF7A, s2;
	p2 =	seq.s32 @!p0 s5, $0x0  }
0x1f: {  	s9 =	smul.u32 $0xF7A, s1;
	s8 =	simm.s32 @!p0 $0x1BF5;
	p2 =	por !p2, p0  }
0x20: {  	[sflag:s8] =	ssyncset.s32 @!p0 $0xFFFFF086;
	s6 =	sadd.s32 @!p0 s3, s7;
	s7 =	simm.s32 @!p0 $0x108  }
0x21: {  	s3 =	sadd.s32 s3, s9;
	s6 =	sadd.s32 @!p0 $0x88, s6;
	s7 =	simm.s32 @p2 $0x1082  }
0x22: {  	[simem:s7], [sflag:s8] =	dma.local @!p0 [hbm:s6], $0xF7A  }
0x23: {  	s9 =	sor.u32 $0xD0000000, s2;
	s6 =	simm.s32 $0x108;
	_ =	swait.ge @!p0 [sflag:s8], $0x0  }
0x24: {  	s3 =	sadd.s32 $0x88, s3;
	s6 =	simm.s32 @!p1 $0x1082;
	[sflag:s4] =	ssyncset.s32 $0xFFFFF086  }
0x25: {  	[simem:s6], [sflag:s4] =	dma.local [hbm:s3], $0xF7A  }
0x26: {  	[smem:$0x3F8F] =	sst s1;
	(tag) =	ssettag s2;
	_ =	strace s9  }
0x27: {  	s1 =	sld [smem:$0x3F9F]  }
0x28: {  	s2 =	sld [smem:$0x3FA0]  }
0x29: {  	s4 =	sld [smem:$0x3FA2]  }
0x2a: {  	p0 =	seq.s32 s5, $0x0;
	s5 =	sld [smem:$0x3FA3]  }
0x2b: {  	s6 =	sld [smem:$0x3FA4]  }
0x2c: {  	s7 =	sld [smem:$0x3FA5]  }
0x2d: {  	s3 =	simm.s32 $0x108;
	s8 =	sld [smem:$0x3FA6]  }
0x2e: {  	s3 =	simm.s32 @!p0 $0x1082;
	s9 =	sld [smem:$0x3FA7]  }
0x2f: {  	lr =	sadd.s32 s0, s3;
	s0 =	sld [smem:$0x3F9E]  }
0x30: {  	s3 =	sld [smem:$0x3FA1]  }
0x31: {  	[smem:$0x3FAA] =	sst s10  }
0x32: {  	s10 =	sld [smem:$0x3FA8];
	_ =	sdelay $0x3  }
0x33: {  	p0 =	seq.s32 s10, $0x1;
	s10 =	sld [smem:$0x3FAA];
	_ =	sdelay $0x3  }
0x34: {  	[smem:$0x3FAA] =	sst s10  }
0x35: {  	s10 =	sld [smem:$0x3FA9];
	_ =	sdelay $0x3  }
0x36: {  	p1 =	seq.s32 s10, $0x1;
	s10 =	sld [smem:$0x3FAA];
	_ =	sdelay $0x3  }
0x37: {  	[smem:$0x3FAA] =	sst s10  }
0x38: {  	s10 =	sld [smem:$0x3FAB]  }
0x39: {  	_ = 	snop;
	(pc) =	sbr.ind lr, $3  }
0x3a: {  	_ = 	snop  }
0x3b: {  	_ = 	snop  }
0x3c: {  	p2 =	seq.s32 s10, $0x1;
	s10 =	sld [smem:$0x3FAA]  }
0x3d: {  	_ =	shalt  }
0x3e: {  	_ =	shalt  }
0x3f: {  	_ =	shalt  }
0x40: {  	_ =	shalt  }
0x41: {  	_ =	shalt  }
0x42: {  	_ =	shalt  }
0x43: {  	_ =	shalt  }
0x44: {  	_ =	shalt  }
0x45: {  	_ =	shalt  }
0x46: {  	_ =	shalt  }
0x47: {  	_ =	shalt  }
0x48: {  	_ =	shalt  }
0x49: {  	_ =	shalt  }
0x4a: {  	_ =	shalt  }
0x4b: {  	_ =	shalt  }
0x4c: {  	_ =	shalt  }
0x4d: {  	_ =	shalt  }
0x4e: {  	_ =	shalt  }
0x4f: {  	_ =	shalt  }
0x50: {  	_ =	shalt  }
0x51: {  	_ =	shalt  }
0x52: {  	_ =	shalt  }
0x53: {  	_ =	shalt  }
0x54: {  	_ =	shalt  }
0x55: {  	_ =	shalt  }
0x56: {  	_ =	shalt  }
0x57: {  	_ =	shalt  }
0x58: {  	_ =	shalt  }
0x59: {  	_ =	shalt  }
0x5a: {  	_ =	shalt  }
0x5b: {  	_ =	shalt  }
0x5c: {  	_ =	shalt  }
0x5d: {  	_ =	shalt  }
0x5e: {  	_ =	shalt  }
0x5f: {  	_ =	shalt  }
0x60: {  	_ =	shalt  }
0x61: {  	_ =	shalt  }
0x62: {  	_ =	shalt  }
0x63: {  	_ =	shalt  }
0x64: {  	_ =	shalt  }
0x65: {  	_ =	shalt  }
0x66: {  	_ =	shalt  }
0x67: {  	_ =	shalt  }
0x68: {  	_ =	shalt  }
0x69: {  	_ =	shalt  }
0x6a: {  	_ =	shalt  }
0x6b: {  	_ =	shalt  }
0x6c: {  	_ =	shalt  }
0x6d: {  	_ =	shalt  }
0x6e: {  	_ =	shalt  }
0x6f: {  	_ =	shalt  }
0x70: {  	_ =	shalt  }
0x71: {  	_ =	shalt  }
0x72: {  	_ =	shalt  }
0x73: {  	_ =	shalt  }
0x74: {  	_ =	shalt  }
0x75: {  	_ =	shalt  }
0x76: {  	_ =	shalt  }
0x77: {  	_ =	shalt  }
0x78: {  	_ =	shalt  }
0x79: {  	_ =	shalt  }
0x7a: {  	_ =	shalt  }
0x7b: {  	_ =	shalt  }
0x7c: {  	_ =	shalt  }
0x7d: {  	_ =	shalt  }
0x7e: {  	_ =	shalt  }
0x7f: {  	_ =	shalt  }
0x80: {  	_ =	shalt  }
0x81: {  	_ =	shalt  }
0x82: {  	_ =	shalt  }
0x83: {  	_ =	shalt  }
0x84: {  	_ =	shalt  }
0x85: {  	_ =	shalt  }
0x86: {  	_ =	shalt  }
0x87: {  	_ =	shalt  }
.Lfunc_end0:
.L_simem_size_0:
called_computation.1_lowered:
.L_overlay_start_0:
0x88: {  	s2 =	sld [smem:$0x3FD9]  }
0x89: {  	s3 =	sld [smem:$0x3FFE];
	_ =	sdelay $0x1  }
0x8a: {  	s1 =	srdreg.scid  }
0x8b: {  	s0 =	sand.u32 $0x1, s1  }
0x8c: {  	s16 =	sshll.u32 s0, $0xA;
	s2 =	sadd.s32 s3, s2  }
0x8d: {  	s2 =	sadd.s32 s2, s16  }
0x8e: {  	[smem:$0x3FB6] =	sst s2  }
0x8f: {  	_ = 	snop  }
0x90: {  	(tm) =	ssettm $0x1  }
0x91: {  	s17 =	sld [smem:$0x3FFB];
	_ =	sdelay $0x3  }
0x92: {  	_ =	strace s17  }
0x93: {  	s2 =	sld [smem:$0x3FFC];
	_ =	sdelay $0x3  }
0x94: {  	_ =	strace s2  }
0x95: {  	s2 =	sld [smem:$0x3FFD];
	_ =	sdelay $0x3  }
0x96: {  	_ =	strace s2  }
0x97: {  	_ =	strace $0x8FFFFFFF  }
0x98: {  	s18 =	sld [smem:$0x3FDB];
	_ =	sdelay $0x1  }
0x99: {  	s19 =	simm.s32 $_scs_section_size  }
0x9a: {  	s4 =	simm.s32 $_size__tile_overlayer_lowered;
	s5 =	simm.s32 $_tile_overlayer_lowered  }
0x9b: {  	s22 =	simm.s32 $0x1BFF;
	s21 =	sshll.u32 s5, $0x1;
	s2 =	sadd.s32 s19, s18  }
0x9c: {  	s6 =	simm.s32 $0x0;
	s20 =	sshll.u32 s4, $0x1;
	s4 =	sadd.s32 s21, s2  }
0x9d: {  	[timem:s6], [sflag:s22] =	dma.local [hbm:s4], s20  }
0x9e: {  	_ =	swait.ge [sflag:s22], s20  }
0x9f: {  	s3 =	ssub.s32 $0x0, s20;
	[sflag:s22] =	ssyncset.done $0x0  }
0xa0: {  	[sflag:s22] =	ssyncadd.s32 s3;
	_ =	sdelay $0x1  }
0xa1: {  	s23 =	simm.s32 $0x1B8B  }
0xa2: {  	_ =	swait.ge [sflag:s23], $0x1  }
0xa3: {  	[sflag:s23] =	ssyncset.done $0x0  }
0xa4: {  	s25 =	simm.s32 $0x1B8E;
	s24 =	sld [smem:$0x3FFE];
	[sflag:s23] =	ssyncadd.s32 $0xFFFFFFFF  }
0xa5: {  	s26 =	simm.s32 $execute0_lowered;
	[smem:$0x3FD2] =	sst s25  }
0xa6: {  	s4 =	sshll.u32 s26, $0x1;
	_ =	strace $0x80000049;
	[dreg:$0x1] =	wrdreg $0xFFFFFFFF  }
0xa7: {  	s28 =	simm.s32 $_size_execute0_lowered;
	s2 =	sadd.s32 s2, s4;
	[dreg:$0x0] =	wrdreg $0x0  }
0xa8: {  	s4 =	sshll.u32 s28, $0x1;
	[dreg:$0x2] =	wrdreg s2  }
0xa9: {  	[dreg:$0x3] =	wrdreg s4  }
0xaa: {  	[dreg:$0x4] =	wrdreg $0xC0  }
0xab: {  	_ =	task [dreg:s6], $0x5FFFF  }
0xac: {  	[dreg:$0x1] =	wrdreg $0xFFFFFFFF  }
0xad: {  	[dreg:$0x0] =	wrdreg $0x60  }
0xae: {  	[dreg:$0x2] =	wrdreg s24  }
0xaf: {  	[dreg:$0x3] =	wrdreg $0x2A000  }
0xb0: {  	[dreg:$0x4] =	wrdreg $0x9  }
0xb1: {  	_ =	task.clear_ibuf [dreg:s6], $0x5FFFF;
	_ =	strace $0x90000049  }
0xb2: {  	s29 =	simm.s32 $0x9;
	_ =	strace $0x8000004B  }
0xb3: {  	_ =	swait.ge [sflag:s29], $0x1  }
0xb4: {  	[sflag:s29] =	ssyncadd.s32 $0xFFFFFFFF  }
0xb5: {  	_ =	strace $0x9000004B  }
0xb6: {  	_ =	sfence  }
0xb7: {  	s30 =	sld [smem:$0x0];
	_ =	sdelay $0x2  }
0xb8: {  	s31 =	sshll.u32 s1, $0xD;
	s1 =	sshrl.u32 s1, $0x2  }
0xb9: {  	s3 =	sand.u32 $0x4000, s31;
	s1 =	sadd.s32 s1, s30  }
0xba: {  	s0 =	sor.u32 s3, s0;
	s1 =	sshll.u32 s1, $0x11  }
0xbb: {  	s0 =	sor.u32 s1, s0  }
0xbc: {  	s0 =	sadd.s32 $0x8F2B, s0  }
0xbd: {  	[sflag:s0] =	ssyncadd.remote.s32 $0x1  }
0xbe: {  	_ =	sfence.sel $0xFFFF  }
0xbf: {  	[dreg:$0x0] =	wrdreg $0xFFFFFFFF;
	(pc) =	sbr.abs _section_cstart, $3  }
0xc0: {  	[dreg:$0x1] =	wrdreg $0xFFFFFFFF  }
0xc1: {  	_ =	task.clear_ibuf [dreg:s6], $0x2FFFF;
	_ =	strace $0x9FFFFFFF  }
0xc2: {  	(tm) =	ssettm $0x7FFFFFFF  }
0xc3: {  	_ =	shalt  }
tec
execute0_lowered:
.L_overlay_start_1:
0x0: {  	(tag) =	ssettag $0x1  }
0x1: {  	s6 =	rddreg [dreg:$0x0]  }
0x2: {  	s0 =	srdreg.scid;
	s2 =	rddreg [dreg:$0x1];
	s3 =	simm.s32 $0x0  }
0x3: {  	s11 =	simm.s32 $0x16600;
	s12 =	simm.s32 $0x2880;
	s13 =	simm.s32 $0x1A600  }
0x4: {  	s16 =	simm.s32 $0x1;
	s17 =	simm.s32 $0x2900;
	s5 =	sand.u32 $0x1, s0  }
0x5: {  	s18 =	simm.s32 $0x2980;
	s0 =	stileid.u32;
	s8 =	smul.u32 $0x27800, s5  }
0x6: {  	s19 =	simm.s32 $0x2;
	[smem:$0x7FF] =	sst s3;
	s9 =	smul.u32 $0x4F000, s0  }
0x7: {  	s1 =	sshll.u32 s5, $0x4;
	s5 =	ssub.s32 $0x2, s5;
	s20 =	smul.u32 $0x2780, s0  }
0x8: {  	s14 =	sshll.u32 s0, $0x6;
	s4 =	sor.u32 s0, s1;
	s1 =	rddreg [dreg:$0x2]  }
0x9: {  	_ =	strace $0x8000004A;
	s31 =	sshrl.u32 s5, $0x1;
	s14 =	sor.u32 $0x1C03, s14  }
0xa: {  	s7 =	smul.u32 $0x500, s4;
	s4 =	sadd.s32 $0x18600, s6;
	s8 =	sadd.s32 s8, s6  }
.Ltmp0:
0xb: {  	s9 =	sshrl.u32 s9, $0x2;
	s10 =	ssub.s32 s5, s31;
	(pc) =	sbr.rel .LBB2_1-.Ltmp0, $4  }
0xc: {  	s15 =	sadd.s32 s9, s2;
	s21 =	sadd.s32 $0x3FE00, s8;
	s8 =	simm.s32 $0x3  }
0xd: {  	s9 =	simm.s32 $0x80;
	s7 =	sadd.s32 s7, s6;
	s6 =	sadd.s32 s4, s20  }
0xe: {  	s15 =	sshrl.u32 s15, $0x3;
	s20 =	sadd.s32 s20, s21;
	s21 =	simm.s32 $0x0  }
0xf: {  	s5 =	sadd.s32 $0xE600, s7;
	s7 =	smax.u32 s10, $0x1;
	s10 =	simm.s32 $0x2800  }
.LBB2_4:
0x10: {  	_ =	swait.ge [sflag:s19], $0x4000  }
0x11: {  	s21 =	sadd.s32 $0x1, s21;
	[sflag:s19] =	ssyncset.done $0x0  }
0x12: {  	p0 =	sne.s32 s21, s7;
	[sflag:s19] =	ssyncadd.s32 $0xFFFFC000  }
.Ltmp1:
0x13: {  	[bflag:$0x0] =	sbarrier.arrive $0xFFFF;
	(pc) =	sbr.rel @!p0 .LBB2_5-.Ltmp1, $4  }
0x14: {  	[hbm:s20], [sflag:s14] =	dma.local [spmem:s15], $0x2780  }
0x15: {  	_ =	swait.ge [sflag:s8], $0x2780  }
0x16: {  	[sflag:s8] =	ssyncset.done $0x0  }
0x17: {  	[sflag:s8] =	ssyncadd.s32 $0xFFFFD880  }
.LBB2_1:
0x18: {  	[tilespmem:s3], [sflag:$0x3] =	stream.linear.gather [hbm4b:s5+s3], $0x2800, $0x38;
	[tilespmem:$0x1E600] =	vst v63  }
0x19: {  	_ =	swait.ge [sflag:s8], $0x2800  }
0x1a: {  	[sflag:s8] =	ssyncset.done $0x0  }
0x1b: {  	[sflag:s8] =	ssyncadd.s32 $0xFFFFD800  }
0x1c: {  	v0 =	vld [tilespmem:$0x0]  }
0x1d: {  	v1 =	vld [tilespmem:$0x10]  }
0x1e: {  	v2 =	vld [tilespmem:$0x20]  }
0x1f: {  	v3 =	vld [tilespmem:$0x30]  }
0x20: {  	v4 =	vld [tilespmem:$0x40]  }
0x21: {  	v5 =	vld [tilespmem:$0x50];
	v0 =	vand.u32 $0xFFFF, v0  }
0x22: {  	v41 =	vld [tilespmem:$0x60];
	v40 =	vand.u32 $0xFFFF, v1;
	[tilespmem:$0x2800] =	vst v0  }
0x23: {  	v43 =	vld [tilespmem:$0x70];
	v42 =	vand.u32 $0xFFFF, v2;
	[tilespmem:$0x2810] =	vst v40  }
0x24: {  	v44 =	vand.u32 $0xFFFF, v3;
	[tilespmem:$0x2820] =	vst v42  }
0x25: {  	v45 =	vand.u32 $0xFFFF, v4;
	[tilespmem:$0x2830] =	vst v44  }
0x26: {  	v46 =	vand.u32 $0xFFFF, v5;
	[tilespmem:$0x2840] =	vst v45  }
0x27: {  	v47 =	vand.u32 $0xFFFF, v41;
	[tilespmem:$0x2850] =	vst v46  }
0x28: {  	v48 =	vand.u32 $0xFFFF, v43;
	[tilespmem:$0x2860] =	vst v47  }
0x29: {  	[tilespmem:$0x2870] =	vst v48  }
0x2a: {  	[tilespmem:s11], [sflag:$0x1] =	stream.indirect.gather [hbm4b:s4+s9], $0x80, s10, s9, $0xb8;
	[tilespmem:$0x1E600] =	vst v63  }
0x2b: {  	v49 =	vld [tilespmem:$0x80]  }
0x2c: {  	v50 =	vld [tilespmem:$0x90]  }
0x2d: {  	v51 =	vld [tilespmem:$0xA0]  }
0x2e: {  	v52 =	vld [tilespmem:$0xB0]  }
0x2f: {  	v53 =	vld [tilespmem:$0xC0]  }
0x30: {  	v54 =	vld [tilespmem:$0xD0];
	v0 =	vand.u32 $0xFFFF, v49  }
0x31: {  	v56 =	vld [tilespmem:$0xE0];
	v55 =	vand.u32 $0xFFFF, v50;
	[tilespmem:$0x2880] =	vst v0  }
0x32: {  	v58 =	vld [tilespmem:$0xF0];
	v57 =	vand.u32 $0xFFFF, v51;
	[tilespmem:$0x2890] =	vst v55  }
0x33: {  	v59 =	vand.u32 $0xFFFF, v52;
	[tilespmem:$0x28A0] =	vst v57  }
0x34: {  	v60 =	vand.u32 $0xFFFF, v53;
	[tilespmem:$0x28B0] =	vst v59  }
0x35: {  	v61 =	vand.u32 $0xFFFF, v54;
	[tilespmem:$0x28C0] =	vst v60  }
0x36: {  	v62 =	vand.u32 $0xFFFF, v56;
	[tilespmem:$0x28D0] =	vst v61  }
0x37: {  	v63 =	vand.u32 $0xFFFF, v58;
	[tilespmem:$0x28E0] =	vst v62  }
0x38: {  	[tilespmem:$0x28F0] =	vst v63  }
0x39: {  	[tilespmem:s13], [sflag:$0x1] =	stream.indirect.gather [hbm4b:s4+s9], $0x80, s12, s9, $0xb8;
	[tilespmem:$0x1E600] =	vst v63  }
0x3a: {  	[spmem:s15], [sflag:s14] =	dma.local [hbm:s6], $0x2780  }
0x3b: {  	_ =	swait.ge [sflag:s8], $0x2780  }
0x3c: {  	[sflag:s8] =	ssyncset.done $0x0  }
0x3d: {  	[sflag:s8] =	ssyncadd.s32 $0xFFFFD880  }
0x3e: {  	s22 =	simm.s32 $0x0;
	[bflag:$0x0] =	sbarrier.arrive $0xFFFF  }
.LBB2_2:
0x3f: {  	_ =	swait.ge [sflag:s16], $0x4000  }
0x40: {  	[sflag:s16] =	ssyncset.done $0x0  }
0x41: {  	s23 =	sshra.s32 s22, $0x2;
	[sflag:s16] =	ssyncadd.s32 $0xFFFFC000  }
0x42: {  	v0 =	vld [tilespmem:s23+$0x0];
	_ =	sdelay $0x4  }
0x43: {  	v0 =	vshrl.u32 v0, $0x10  }
0x44: {  	[tilespmem:$0x2900] =	vst v0  }
0x45: {  	v0 =	vld [tilespmem:s23+$0x10];
	_ =	sdelay $0x4  }
0x46: {  	v0 =	vshrl.u32 v0, $0x10  }
0x47: {  	[tilespmem:$0x2910] =	vst v0  }
0x48: {  	v0 =	vld [tilespmem:s23+$0x20];
	_ =	sdelay $0x4  }
0x49: {  	v0 =	vshrl.u32 v0, $0x10  }
0x4a: {  	[tilespmem:$0x2920] =	vst v0  }
0x4b: {  	v0 =	vld [tilespmem:s23+$0x30];
	_ =	sdelay $0x4  }
0x4c: {  	v0 =	vshrl.u32 v0, $0x10  }
0x4d: {  	[tilespmem:$0x2930] =	vst v0  }
0x4e: {  	v0 =	vld [tilespmem:s23+$0x40];
	_ =	sdelay $0x4  }
0x4f: {  	v0 =	vshrl.u32 v0, $0x10  }
0x50: {  	[tilespmem:$0x2940] =	vst v0  }
0x51: {  	v0 =	vld [tilespmem:s23+$0x50];
	_ =	sdelay $0x4  }
0x52: {  	v0 =	vshrl.u32 v0, $0x10  }
0x53: {  	[tilespmem:$0x2950] =	vst v0  }
0x54: {  	v0 =	vld [tilespmem:s23+$0x60];
	_ =	sdelay $0x4  }
0x55: {  	v0 =	vshrl.u32 v0, $0x10  }
0x56: {  	[tilespmem:$0x2960] =	vst v0  }
0x57: {  	v0 =	vld [tilespmem:s23+$0x70];
	_ =	sdelay $0x4  }
0x58: {  	v0 =	vshrl.u32 v0, $0x10  }
0x59: {  	[tilespmem:$0x2970] =	vst v0  }
0x5a: {  	[spmem:s2] =	stream.indirect.scatter.add.f32 [tilespmem:s11], [sflag:$0x2], $0x80, s17, s9, $0xb8;
	[tilespmem:$0x1E600] =	vst v63  }
0x5b: {  	_ =	swait.ge [sflag:s16], $0x4000  }
0x5c: {  	[sflag:s16] =	ssyncset.done $0x0  }
0x5d: {  	[sflag:s16] =	ssyncadd.s32 $0xFFFFC000  }
0x5e: {  	v63 =	vld [tilespmem:s23+$0x80];
	_ =	sdelay $0x4  }
0x5f: {  	v0 =	vshrl.u32 v63, $0x10  }
0x60: {  	[tilespmem:$0x2980] =	vst v0  }
0x61: {  	v0 =	vld [tilespmem:s23+$0x90];
	_ =	sdelay $0x4  }
0x62: {  	v0 =	vshrl.u32 v0, $0x10  }
0x63: {  	[tilespmem:$0x2990] =	vst v0  }
0x64: {  	v0 =	vld [tilespmem:s23+$0xA0];
	_ =	sdelay $0x4  }
0x65: {  	v0 =	vshrl.u32 v0, $0x10  }
0x66: {  	[tilespmem:$0x29A0] =	vst v0  }
0x67: {  	v0 =	vld [tilespmem:s23+$0xB0];
	_ =	sdelay $0x4  }
0x68: {  	v0 =	vshrl.u32 v0, $0x10  }
0x69: {  	[tilespmem:$0x29B0] =	vst v0  }
0x6a: {  	v0 =	vld [tilespmem:s23+$0xC0];
	_ =	sdelay $0x4  }
0x6b: {  	v0 =	vshrl.u32 v0, $0x10  }
0x6c: {  	[tilespmem:$0x29C0] =	vst v0  }
0x6d: {  	v0 =	vld [tilespmem:s23+$0xD0];
	_ =	sdelay $0x4  }
0x6e: {  	v0 =	vshrl.u32 v0, $0x10  }
0x6f: {  	[tilespmem:$0x29D0] =	vst v0  }
0x70: {  	v0 =	vld [tilespmem:s23+$0xE0];
	_ =	sdelay $0x4  }
0x71: {  	v0 =	vshrl.u32 v0, $0x10  }
0x72: {  	[tilespmem:$0x29E0] =	vst v0  }
0x73: {  	v0 =	vld [tilespmem:s23+$0xF0];
	_ =	sdelay $0x4  }
0x74: {  	p0 =	seq.s32 s22, $0x9C00;
	v0 =	vshrl.u32 v0, $0x10  }
.Ltmp2:
0x75: {  	[tilespmem:$0x29F0] =	vst v0;
	(pc) =	sbr.rel @p0 .LBB2_4-.Ltmp2, $4  }
0x76: {  	[spmem:s2] =	stream.indirect.scatter.add.f32 [tilespmem:s13], [sflag:$0x2], $0x80, s18, s9, $0xb8;
	[tilespmem:$0x1E600] =	vst v63  }
0x77: {  	_ =	swait.ge [sflag:s19], $0x4000  }
0x78: {  	[sflag:s19] =	ssyncset.done $0x0  }
0x79: {  	[sflag:s19] =	ssyncadd.s32 $0xFFFFC000  }
0x7a: {  	v0 =	vld [tilespmem:s23+$0x100];
	_ =	sdelay $0x4  }
0x7b: {  	v0 =	vand.u32 $0xFFFF, v0  }
0x7c: {  	[tilespmem:$0x2800] =	vst v0  }
0x7d: {  	v0 =	vld [tilespmem:s23+$0x110];
	_ =	sdelay $0x4  }
0x7e: {  	v0 =	vand.u32 $0xFFFF, v0  }
0x7f: {  	[tilespmem:$0x2810] =	vst v0  }
0x80: {  	v0 =	vld [tilespmem:s23+$0x120];
	_ =	sdelay $0x4  }
0x81: {  	v0 =	vand.u32 $0xFFFF, v0  }
0x82: {  	[tilespmem:$0x2820] =	vst v0  }
0x83: {  	v0 =	vld [tilespmem:s23+$0x130];
	_ =	sdelay $0x4  }
0x84: {  	v0 =	vand.u32 $0xFFFF, v0  }
0x85: {  	[tilespmem:$0x2830] =	vst v0  }
0x86: {  	v0 =	vld [tilespmem:s23+$0x140];
	_ =	sdelay $0x4  }
0x87: {  	v0 =	vand.u32 $0xFFFF, v0  }
0x88: {  	[tilespmem:$0x2840] =	vst v0  }
0x89: {  	v0 =	vld [tilespmem:s23+$0x150];
	_ =	sdelay $0x4  }
0x8a: {  	v0 =	vand.u32 $0xFFFF, v0  }
0x8b: {  	[tilespmem:$0x2850] =	vst v0  }
0x8c: {  	v0 =	vld [tilespmem:s23+$0x160];
	_ =	sdelay $0x4  }
0x8d: {  	v0 =	vand.u32 $0xFFFF, v0  }
0x8e: {  	[tilespmem:$0x2860] =	vst v0  }
0x8f: {  	v0 =	vld [tilespmem:s23+$0x170];
	_ =	sdelay $0x4  }
0x90: {  	v0 =	vand.u32 $0xFFFF, v0  }
0x91: {  	[tilespmem:$0x2870] =	vst v0  }
0x92: {  	[tilespmem:s11], [sflag:$0x1] =	stream.indirect.gather [hbm4b:s4+s9], $0x80, s10, s9, $0xb8;
	[tilespmem:$0x1E600] =	vst v63  }
0x93: {  	_ =	swait.ge [sflag:s19], $0x4000  }
0x94: {  	[sflag:s19] =	ssyncset.done $0x0  }
0x95: {  	[sflag:s19] =	ssyncadd.s32 $0xFFFFC000  }
0x96: {  	v63 =	vld [tilespmem:s23+$0x180];
	_ =	sdelay $0x4  }
0x97: {  	v0 =	vand.u32 $0xFFFF, v63  }
0x98: {  	[tilespmem:$0x2880] =	vst v0  }
0x99: {  	v0 =	vld [tilespmem:s23+$0x190];
	_ =	sdelay $0x4  }
0x9a: {  	v0 =	vand.u32 $0xFFFF, v0  }
0x9b: {  	[tilespmem:$0x2890] =	vst v0  }
0x9c: {  	v0 =	vld [tilespmem:s23+$0x1A0];
	_ =	sdelay $0x4  }
0x9d: {  	v0 =	vand.u32 $0xFFFF, v0  }
0x9e: {  	[tilespmem:$0x28A0] =	vst v0  }
0x9f: {  	v0 =	vld [tilespmem:s23+$0x1B0];
	_ =	sdelay $0x4  }
0xa0: {  	v0 =	vand.u32 $0xFFFF, v0  }
0xa1: {  	[tilespmem:$0x28B0] =	vst v0  }
0xa2: {  	v0 =	vld [tilespmem:s23+$0x1C0];
	_ =	sdelay $0x4  }
0xa3: {  	v0 =	vand.u32 $0xFFFF, v0  }
0xa4: {  	[tilespmem:$0x28C0] =	vst v0  }
0xa5: {  	v0 =	vld [tilespmem:s23+$0x1D0];
	_ =	sdelay $0x4  }
0xa6: {  	v0 =	vand.u32 $0xFFFF, v0  }
0xa7: {  	[tilespmem:$0x28D0] =	vst v0  }
0xa8: {  	v0 =	vld [tilespmem:s23+$0x1E0];
	_ =	sdelay $0x4  }
0xa9: {  	v0 =	vand.u32 $0xFFFF, v0  }
0xaa: {  	[tilespmem:$0x28E0] =	vst v0  }
0xab: {  	v0 =	vld [tilespmem:s23+$0x1F0];
	_ =	sdelay $0x2  }
.Ltmp3:
0xac: {  	_ = 	snop;
	(pc) =	sbr.rel .LBB2_2-.Ltmp3, $4  }
0xad: {  	_ = 	snop  }
0xae: {  	v0 =	vand.u32 $0xFFFF, v0  }
0xaf: {  	s22 =	sadd.s32 $0x400, s22;
	[tilespmem:$0x28F0] =	vst v0  }
0xb0: {  	[tilespmem:s13], [sflag:$0x1] =	stream.indirect.gather [hbm4b:s4+s9], $0x80, s12, s9, $0xb8;
	[tilespmem:$0x1E600] =	vst v63  }
.LBB2_5:
0xb1: {  	_ =	sfence.sel $0x180000  }
0xb2: {  	[bflag:$0x0] =	sbarrier.arrive $0xFFFF  }
0xb3: {  	p0 =	sne.s32 s0, $0x0;
	_ =	strace $0x9000004A  }
0xb4: {  	s0 =	sadd.s32 @!p0 $0x100000, s1;
	[bflag:$0x2] =	sbarrier.arrive $0xFFFF  }
0xb5: {  	[sflag:s0] =	ssyncadd.tile.s32 @!p0 $0x1;
	_ =	shalt  }
.Lfunc_end2:
_tile_overlayer_lowered:
.L_overlay_start_2:
0xb6: {  	(tag) =	ssettag $0x2  }
0xb7: {  	s0 =	rddreg [dreg:$0x0];
	s2 =	stileid.u32  }
0xb8: {  	s1 =	rddreg [dreg:$0x1];
	p0 =	sne.s32 s2, $0x0  }
0xb9: {  	s3 =	rddreg [dreg:$0x2];
	[bflag:$0x3] =	sbarrier.arrive $0xFFFF;
	s2 =	simm.s32 @!p0 $0x1C03  }
0xba: {  	[timem:s3], [sflag:s2] =	dma.local @!p0 [hbm:s0], s1  }
0xbb: {  	s0 =	simm.s32 @!p0 $0x3  }
0xbc: {  	_ =	swait.ge @!p0 [sflag:s0], s1  }
0xbd: {  	s1 =	ssub.s32 @!p0 $0x0, s1;
	[sflag:s0] =	ssyncset.done @!p0 $0x0  }
0xbe: {  	[sflag:s0] =	ssyncadd.s32 @!p0 s1  }
0xbf: {  	[bflag:$0x3] =	sbarrier.arrive $0xFFFF  }
0xc0: {  	_ =	shalt  }

// kernel: kernel.14.cloned.1.call-start
scs
__scs_entry_jumppad:
0x0: {  	(pc) =	sbr.rel $0x88, $3  }
0x1: {  	(tag) =	ssettag $0x0;
	lr =	simm.s32 $0x1  }
0x2: {  	[smem:$0x3F8F] =	sst lr;
	_ =	strace $0xD0000000  }
0x3: {  	_ = 	snop  }
0x4: {  	_ = 	snop  }
0x5: {  	_ = 	snop  }
0x6: {  	_ = 	snop  }
0x7: {  	_ = 	snop  }
__scs_overlays_trampoline_lowered:
0x8: {  	[smem:$0x3F9E] =	sst s0  }
0x9: {  	[smem:$0x3F9F] =	sst s1  }
0xa: {  	[smem:$0x3FA0] =	sst s2  }
0xb: {  	[smem:$0x3FA1] =	sst s3  }
0xc: {  	[smem:$0x3FA2] =	sst s4  }
0xd: {  	[smem:$0x3FA3] =	sst s5  }
0xe: {  	[smem:$0x3FA4] =	sst s6  }
0xf: {  	[smem:$0x3FA5] =	sst s7  }
0x10: {  	[smem:$0x3FA6] =	sst s8  }
0x11: {  	[smem:$0x3FA7] =	sst s9;
	s0 =	simm.s32 @!p0 $0x0  }
0x12: {  	s1 =	sld [smem:$0x3F8D];
	s0 =	simm.s32 @p0 $0x1  }
0x13: {  	[smem:$0x3FA8] =	sst s0;
	s0 =	simm.s32 @!p1 $0x0  }
0x14: {  	s2 =	sld [smem:$0x3F8C];
	s0 =	simm.s32 @p1 $0x1  }
0x15: {  	[smem:$0x3FA9] =	sst s0;
	s0 =	simm.s32 @!p2 $0x0  }
0x16: {  	s3 =	sld [smem:$0x3FDB];
	s0 =	simm.s32 @p2 $0x1  }
0x17: {  	s4 =	simm.s32 $0x1BF5;
	[smem:$0x3FAB] =	sst s0  }
0x18: {  	s0 =	sld [smem:$0x3F8E];
	_ =	swait.ge [sflag:s4], $0x0  }
0x19: {  	s7 =	sld [smem:$0x3F8F]  }
0x1a: {  	s8 =	sadd.s32 $0xFFFFE003, lr  }
0x1b: {  	s9 =	sadd.s32 $0xFFFFFEF7, lr;
	s5 =	simm.s32 $0xFFFFFFFF;
	p2 =	slt.u32 s8, $0xFFFFF086  }
0x1c: {  	p1 =	slt.u32 s9, $0xF7A;
	s5 =	simm.s32 @!p2 $0x0  }
0x1d: {  	s5 =	simm.s32 @p1 $0x1;
	p0 =	seq.s32 s7, s2  }
0x1e: {  	s7 =	smul.u32 @!p0 $0xF7A, s2;
	p2 =	seq.s32 @!p0 s5, $0x0  }
0x1f: {  	s9 =	smul.u32 $0xF7A, s1;
	s8 =	simm.s32 @!p0 $0x1BF5;
	p2 =	por !p2, p0  }
0x20: {  	[sflag:s8] =	ssyncset.s32 @!p0 $0xFFFFF086;
	s6 =	sadd.s32 @!p0 s3, s7;
	s7 =	simm.s32 @!p0 $0x108  }
0x21: {  	s3 =	sadd.s32 s3, s9;
	s6 =	sadd.s32 @!p0 $0x88, s6;
	s7 =	simm.s32 @p2 $0x1082  }
0x22: {  	[simem:s7], [sflag:s8] =	dma.local @!p0 [hbm:s6], $0xF7A  }
0x23: {  	s9 =	sor.u32 $0xD0000000, s2;
	s6 =	simm.s32 $0x108;
	_ =	swait.ge @!p0 [sflag:s8], $0x0  }
0x24: {  	s3 =	sadd.s32 $0x88, s3;
	s6 =	simm.s32 @!p1 $0x1082;
	[sflag:s4] =	ssyncset.s32 $0xFFFFF086  }
0x25: {  	[simem:s6], [sflag:s4] =	dma.local [hbm:s3], $0xF7A  }
0x26: {  	[smem:$0x3F8F] =	sst s1;
	(tag) =	ssettag s2;
	_ =	strace s9  }
0x27: {  	s1 =	sld [smem:$0x3F9F]  }
0x28: {  	s2 =	sld [smem:$0x3FA0]  }
0x29: {  	s4 =	sld [smem:$0x3FA2]  }
0x2a: {  	p0 =	seq.s32 s5, $0x0;
	s5 =	sld [smem:$0x3FA3]  }
0x2b: {  	s6 =	sld [smem:$0x3FA4]  }
0x2c: {  	s7 =	sld [smem:$0x3FA5]  }
0x2d: {  	s3 =	simm.s32 $0x108;
	s8 =	sld [smem:$0x3FA6]  }
0x2e: {  	s3 =	simm.s32 @!p0 $0x1082;
	s9 =	sld [smem:$0x3FA7]  }
0x2f: {  	lr =	sadd.s32 s0, s3;
	s0 =	sld [smem:$0x3F9E]  }
0x30: {  	s3 =	sld [smem:$0x3FA1]  }
0x31: {  	[smem:$0x3FAA] =	sst s10  }
0x32: {  	s10 =	sld [smem:$0x3FA8];
	_ =	sdelay $0x3  }
0x33: {  	p0 =	seq.s32 s10, $0x1;
	s10 =	sld [smem:$0x3FAA];
	_ =	sdelay $0x3  }
0x34: {  	[smem:$0x3FAA] =	sst s10  }
0x35: {  	s10 =	sld [smem:$0x3FA9];
	_ =	sdelay $0x3  }
0x36: {  	p1 =	seq.s32 s10, $0x1;
	s10 =	sld [smem:$0x3FAA];
	_ =	sdelay $0x3  }
0x37: {  	[smem:$0x3FAA] =	sst s10  }
0x38: {  	s10 =	sld [smem:$0x3FAB]  }
0x39: {  	_ = 	snop;
	(pc) =	sbr.ind lr, $3  }
0x3a: {  	_ = 	snop  }
0x3b: {  	_ = 	snop  }
0x3c: {  	p2 =	seq.s32 s10, $0x1;
	s10 =	sld [smem:$0x3FAA]  }
0x3d: {  	_ =	shalt  }
0x3e: {  	_ =	shalt  }
0x3f: {  	_ =	shalt  }
0x40: {  	_ =	shalt  }
0x41: {  	_ =	shalt  }
0x42: {  	_ =	shalt  }
0x43: {  	_ =	shalt  }
0x44: {  	_ =	shalt  }
0x45: {  	_ =	shalt  }
0x46: {  	_ =	shalt  }
0x47: {  	_ =	shalt  }
0x48: {  	_ =	shalt  }
0x49: {  	_ =	shalt  }
0x4a: {  	_ =	shalt  }
0x4b: {  	_ =	shalt  }
0x4c: {  	_ =	shalt  }
0x4d: {  	_ =	shalt  }
0x4e: {  	_ =	shalt  }
0x4f: {  	_ =	shalt  }
0x50: {  	_ =	shalt  }
0x51: {  	_ =	shalt  }
0x52: {  	_ =	shalt  }
0x53: {  	_ =	shalt  }
0x54: {  	_ =	shalt  }
0x55: {  	_ =	shalt  }
0x56: {  	_ =	shalt  }
0x57: {  	_ =	shalt  }
0x58: {  	_ =	shalt  }
0x59: {  	_ =	shalt  }
0x5a: {  	_ =	shalt  }
0x5b: {  	_ =	shalt  }
0x5c: {  	_ =	shalt  }
0x5d: {  	_ =	shalt  }
0x5e: {  	_ =	shalt  }
0x5f: {  	_ =	shalt  }
0x60: {  	_ =	shalt  }
0x61: {  	_ =	shalt  }
0x62: {  	_ =	shalt  }
0x63: {  	_ =	shalt  }
0x64: {  	_ =	shalt  }
0x65: {  	_ =	shalt  }
0x66: {  	_ =	shalt  }
0x67: {  	_ =	shalt  }
0x68: {  	_ =	shalt  }
0x69: {  	_ =	shalt  }
0x6a: {  	_ =	shalt  }
0x6b: {  	_ =	shalt  }
0x6c: {  	_ =	shalt  }
0x6d: {  	_ =	shalt  }
0x6e: {  	_ =	shalt  }
0x6f: {  	_ =	shalt  }
0x70: {  	_ =	shalt  }
0x71: {  	_ =	shalt  }
0x72: {  	_ =	shalt  }
0x73: {  	_ =	shalt  }
0x74: {  	_ =	shalt  }
0x75: {  	_ =	shalt  }
0x76: {  	_ =	shalt  }
0x77: {  	_ =	shalt  }
0x78: {  	_ =	shalt  }
0x79: {  	_ =	shalt  }
0x7a: {  	_ =	shalt  }
0x7b: {  	_ =	shalt  }
0x7c: {  	_ =	shalt  }
0x7d: {  	_ =	shalt  }
0x7e: {  	_ =	shalt  }
0x7f: {  	_ =	shalt  }
0x80: {  	_ =	shalt  }
0x81: {  	_ =	shalt  }
0x82: {  	_ =	shalt  }
0x83: {  	_ =	shalt  }
0x84: {  	_ =	shalt  }
0x85: {  	_ =	shalt  }
0x86: {  	_ =	shalt  }
0x87: {  	_ =	shalt  }
.Lfunc_end0:
.L_simem_size_0:
called_computation.2_lowered:
.L_overlay_start_0:
0x88: {  	s2 =	sld [smem:$0x3FD9]  }
0x89: {  	s3 =	sld [smem:$0x3FFE];
	_ =	sdelay $0x1  }
0x8a: {  	s1 =	srdreg.scid  }
0x8b: {  	s0 =	sand.u32 $0x1, s1  }
0x8c: {  	s16 =	sshll.u32 s0, $0xA;
	s2 =	sadd.s32 s3, s2  }
0x8d: {  	s2 =	sadd.s32 s2, s16  }
0x8e: {  	[smem:$0x3FB6] =	sst s2  }
0x8f: {  	_ = 	snop  }
0x90: {  	(tm) =	ssettm $0x1  }
0x91: {  	s17 =	sld [smem:$0x3FFB];
	_ =	sdelay $0x3  }
0x92: {  	_ =	strace s17  }
0x93: {  	s2 =	sld [smem:$0x3FFC];
	_ =	sdelay $0x3  }
0x94: {  	_ =	strace s2  }
0x95: {  	s2 =	sld [smem:$0x3FFD];
	_ =	sdelay $0x3  }
0x96: {  	_ =	strace s2  }
0x97: {  	_ =	strace $0x8FFFFFFF  }
0x98: {  	s18 =	sld [smem:$0x3FDB];
	_ =	sdelay $0x1  }
0x99: {  	s19 =	simm.s32 $_scs_section_size  }
0x9a: {  	s4 =	simm.s32 $_size__tile_overlayer_lowered;
	s5 =	simm.s32 $_tile_overlayer_lowered  }
0x9b: {  	s22 =	simm.s32 $0x1BFF;
	s21 =	sshll.u32 s5, $0x1;
	s2 =	sadd.s32 s19, s18  }
0x9c: {  	s6 =	simm.s32 $0x0;
	s20 =	sshll.u32 s4, $0x1;
	s4 =	sadd.s32 s21, s2  }
0x9d: {  	[timem:s6], [sflag:s22] =	dma.local [hbm:s4], s20  }
0x9e: {  	_ =	swait.ge [sflag:s22], s20  }
0x9f: {  	s3 =	ssub.s32 $0x0, s20;
	[sflag:s22] =	ssyncset.done $0x0  }
0xa0: {  	[sflag:s22] =	ssyncadd.s32 s3;
	_ =	sdelay $0x1  }
0xa1: {  	s23 =	simm.s32 $0x1B8B  }
0xa2: {  	_ =	swait.ge [sflag:s23], $0x1  }
0xa3: {  	[sflag:s23] =	ssyncset.done $0x0  }
0xa4: {  	s25 =	simm.s32 $0x1B8E;
	s24 =	sld [smem:$0x3FFE];
	[sflag:s23] =	ssyncadd.s32 $0xFFFFFFFF  }
0xa5: {  	s26 =	simm.s32 $execute0_lowered;
	[smem:$0x3FD2] =	sst s25  }
0xa6: {  	s4 =	sshll.u32 s26, $0x1;
	_ =	strace $0x8000004C;
	[dreg:$0x1] =	wrdreg $0xFFFFFFFF  }
0xa7: {  	s28 =	simm.s32 $_size_execute0_lowered;
	s2 =	sadd.s32 s2, s4;
	[dreg:$0x0] =	wrdreg $0x0  }
0xa8: {  	s4 =	sshll.u32 s28, $0x1;
	[dreg:$0x2] =	wrdreg s2  }
0xa9: {  	[dreg:$0x3] =	wrdreg s4  }
0xaa: {  	[dreg:$0x4] =	wrdreg $0xC0  }
0xab: {  	_ =	task [dreg:s6], $0x5FFFF  }
0xac: {  	[dreg:$0x1] =	wrdreg $0xFFFFFFFF  }
0xad: {  	[dreg:$0x0] =	wrdreg $0x60  }
0xae: {  	[dreg:$0x2] =	wrdreg s24  }
0xaf: {  	[dreg:$0x3] =	wrdreg $0x2A000  }
0xb0: {  	[dreg:$0x4] =	wrdreg $0x9  }
0xb1: {  	_ =	task.clear_ibuf [dreg:s6], $0x5FFFF;
	_ =	strace $0x9000004C  }
0xb2: {  	s29 =	simm.s32 $0x9;
	_ =	strace $0x8000004E  }
0xb3: {  	_ =	swait.ge [sflag:s29], $0x1  }
0xb4: {  	[sflag:s29] =	ssyncadd.s32 $0xFFFFFFFF  }
0xb5: {  	_ =	strace $0x9000004E  }
0xb6: {  	_ =	sfence  }
0xb7: {  	s30 =	sld [smem:$0x0];
	_ =	sdelay $0x2  }
0xb8: {  	s31 =	sshll.u32 s1, $0xD;
	s1 =	sshrl.u32 s1, $0x2  }
0xb9: {  	s3 =	sand.u32 $0x4000, s31;
	s1 =	sadd.s32 s1, s30  }
0xba: {  	s0 =	sor.u32 s3, s0;
	s1 =	sshll.u32 s1, $0x11  }
0xbb: {  	s0 =	sor.u32 s1, s0  }
0xbc: {  	s0 =	sadd.s32 $0x8F2B, s0  }
0xbd: {  	[sflag:s0] =	ssyncadd.remote.s32 $0x1  }
0xbe: {  	_ =	sfence.sel $0xFFFF  }
0xbf: {  	[dreg:$0x0] =	wrdreg $0xFFFFFFFF;
	(pc) =	sbr.abs _section_cstart, $3  }
0xc0: {  	[dreg:$0x1] =	wrdreg $0xFFFFFFFF  }
0xc1: {  	_ =	task.clear_ibuf [dreg:s6], $0x2FFFF;
	_ =	strace $0x9FFFFFFF  }
0xc2: {  	(tm) =	ssettm $0x7FFFFFFF  }
0xc3: {  	_ =	shalt  }
tec
execute0_lowered:
.L_overlay_start_1:
0x0: {  	(tag) =	ssettag $0x1  }
0x1: {  	s6 =	rddreg [dreg:$0x0]  }
0x2: {  	s0 =	srdreg.scid;
	s2 =	rddreg [dreg:$0x1];
	s3 =	simm.s32 $0x0  }
0x3: {  	s11 =	simm.s32 $0x16600;
	s12 =	simm.s32 $0x2880;
	s13 =	simm.s32 $0x1A600  }
0x4: {  	s16 =	simm.s32 $0x1;
	s17 =	simm.s32 $0x2900;
	s5 =	sand.u32 $0x1, s0  }
0x5: {  	s18 =	simm.s32 $0x2980;
	s0 =	stileid.u32;
	s8 =	smul.u32 $0x27800, s5  }
0x6: {  	s19 =	simm.s32 $0x2;
	[smem:$0x7FF] =	sst s3;
	s9 =	smul.u32 $0x4F000, s0  }
0x7: {  	s1 =	sshll.u32 s5, $0x4;
	s5 =	ssub.s32 $0x2, s5;
	s20 =	smul.u32 $0x2780, s0  }
0x8: {  	s14 =	sshll.u32 s0, $0x6;
	s4 =	sor.u32 s0, s1;
	s1 =	rddreg [dreg:$0x2]  }
0x9: {  	_ =	strace $0x8000004D;
	s31 =	sshrl.u32 s5, $0x1;
	s14 =	sor.u32 $0x1C03, s14  }
0xa: {  	s7 =	smul.u32 $0x500, s4;
	s4 =	sadd.s32 $0x18600, s6;
	s8 =	sadd.s32 s8, s6  }
.Ltmp0:
0xb: {  	s9 =	sshrl.u32 s9, $0x2;
	s10 =	ssub.s32 s5, s31;
	(pc) =	sbr.rel .LBB2_1-.Ltmp0, $4  }
0xc: {  	s15 =	sadd.s32 s9, s2;
	s21 =	sadd.s32 $0x3FE00, s8;
	s8 =	simm.s32 $0x3  }
0xd: {  	s9 =	simm.s32 $0x80;
	s7 =	sadd.s32 s7, s6;
	s6 =	sadd.s32 s4, s20  }
0xe: {  	s15 =	sshrl.u32 s15, $0x3;
	s20 =	sadd.s32 s20, s21;
	s21 =	simm.s32 $0x0  }
0xf: {  	s5 =	sadd.s32 $0xE600, s7;
	s7 =	smax.u32 s10, $0x1;
	s10 =	simm.s32 $0x2800  }
.LBB2_4:
0x10: {  	_ =	swait.ge [sflag:s19], $0x4000  }
0x11: {  	s21 =	sadd.s32 $0x1, s21;
	[sflag:s19] =	ssyncset.done $0x0  }
0x12: {  	p0 =	sne.s32 s21, s7;
	[sflag:s19] =	ssyncadd.s32 $0xFFFFC000  }
.Ltmp1:
0x13: {  	[bflag:$0x0] =	sbarrier.arrive $0xFFFF;
	(pc) =	sbr.rel @!p0 .LBB2_5-.Ltmp1, $4  }
0x14: {  	[hbm:s20], [sflag:s14] =	dma.local [spmem:s15], $0x2780  }
0x15: {  	_ =	swait.ge [sflag:s8], $0x2780  }
0x16: {  	[sflag:s8] =	ssyncset.done $0x0  }
0x17: {  	[sflag:s8] =	ssyncadd.s32 $0xFFFFD880  }
.LBB2_1:
0x18: {  	[tilespmem:s3], [sflag:$0x3] =	stream.linear.gather [hbm4b:s5+s3], $0x2800, $0x38;
	[tilespmem:$0x1E600] =	vst v63  }
0x19: {  	_ =	swait.ge [sflag:s8], $0x2800  }
0x1a: {  	[sflag:s8] =	ssyncset.done $0x0  }
0x1b: {  	[sflag:s8] =	ssyncadd.s32 $0xFFFFD800  }
0x1c: {  	v0 =	vld [tilespmem:$0x0]  }
0x1d: {  	v1 =	vld [tilespmem:$0x10]  }
0x1e: {  	v2 =	vld [tilespmem:$0x20]  }
0x1f: {  	v3 =	vld [tilespmem:$0x30]  }
0x20: {  	v4 =	vld [tilespmem:$0x40]  }
0x21: {  	v5 =	vld [tilespmem:$0x50];
	v0 =	vand.u32 $0xFFFF, v0  }
0x22: {  	v41 =	vld [tilespmem:$0x60];
	v40 =	vand.u32 $0xFFFF, v1;
	[tilespmem:$0x2800] =	vst v0  }
0x23: {  	v43 =	vld [tilespmem:$0x70];
	v42 =	vand.u32 $0xFFFF, v2;
	[tilespmem:$0x2810] =	vst v40  }
0x24: {  	v44 =	vand.u32 $0xFFFF, v3;
	[tilespmem:$0x2820] =	vst v42  }
0x25: {  	v45 =	vand.u32 $0xFFFF, v4;
	[tilespmem:$0x2830] =	vst v44  }
0x26: {  	v46 =	vand.u32 $0xFFFF, v5;
	[tilespmem:$0x2840] =	vst v45  }
0x27: {  	v47 =	vand.u32 $0xFFFF, v41;
	[tilespmem:$0x2850] =	vst v46  }
0x28: {  	v48 =	vand.u32 $0xFFFF, v43;
	[tilespmem:$0x2860] =	vst v47  }
0x29: {  	[tilespmem:$0x2870] =	vst v48  }
0x2a: {  	[tilespmem:s11], [sflag:$0x1] =	stream.indirect.gather [hbm4b:s4+s9], $0x80, s10, s9, $0xb8;
	[tilespmem:$0x1E600] =	vst v63  }
0x2b: {  	v49 =	vld [tilespmem:$0x80]  }
0x2c: {  	v50 =	vld [tilespmem:$0x90]  }
0x2d: {  	v51 =	vld [tilespmem:$0xA0]  }
0x2e: {  	v52 =	vld [tilespmem:$0xB0]  }
0x2f: {  	v53 =	vld [tilespmem:$0xC0]  }
0x30: {  	v54 =	vld [tilespmem:$0xD0];
	v0 =	vand.u32 $0xFFFF, v49  }
0x31: {  	v56 =	vld [tilespmem:$0xE0];
	v55 =	vand.u32 $0xFFFF, v50;
	[tilespmem:$0x2880] =	vst v0  }
0x32: {  	v58 =	vld [tilespmem:$0xF0];
	v57 =	vand.u32 $0xFFFF, v51;
	[tilespmem:$0x2890] =	vst v55  }
0x33: {  	v59 =	vand.u32 $0xFFFF, v52;
	[tilespmem:$0x28A0] =	vst v57  }
0x34: {  	v60 =	vand.u32 $0xFFFF, v53;
	[tilespmem:$0x28B0] =	vst v59  }
0x35: {  	v61 =	vand.u32 $0xFFFF, v54;
	[tilespmem:$0x28C0] =	vst v60  }
0x36: {  	v62 =	vand.u32 $0xFFFF, v56;
	[tilespmem:$0x28D0] =	vst v61  }
0x37: {  	v63 =	vand.u32 $0xFFFF, v58;
	[tilespmem:$0x28E0] =	vst v62  }
0x38: {  	[tilespmem:$0x28F0] =	vst v63  }
0x39: {  	[tilespmem:s13], [sflag:$0x1] =	stream.indirect.gather [hbm4b:s4+s9], $0x80, s12, s9, $0xb8;
	[tilespmem:$0x1E600] =	vst v63  }
0x3a: {  	[spmem:s15], [sflag:s14] =	dma.local [hbm:s6], $0x2780  }
0x3b: {  	_ =	swait.ge [sflag:s8], $0x2780  }
0x3c: {  	[sflag:s8] =	ssyncset.done $0x0  }
0x3d: {  	[sflag:s8] =	ssyncadd.s32 $0xFFFFD880  }
0x3e: {  	s22 =	simm.s32 $0x0;
	[bflag:$0x0] =	sbarrier.arrive $0xFFFF  }
.LBB2_2:
0x3f: {  	_ =	swait.ge [sflag:s16], $0x4000  }
0x40: {  	[sflag:s16] =	ssyncset.done $0x0  }
0x41: {  	s23 =	sshra.s32 s22, $0x2;
	[sflag:s16] =	ssyncadd.s32 $0xFFFFC000  }
0x42: {  	v0 =	vld [tilespmem:s23+$0x0];
	_ =	sdelay $0x4  }
0x43: {  	v0 =	vshrl.u32 v0, $0x10  }
0x44: {  	[tilespmem:$0x2900] =	vst v0  }
0x45: {  	v0 =	vld [tilespmem:s23+$0x10];
	_ =	sdelay $0x4  }
0x46: {  	v0 =	vshrl.u32 v0, $0x10  }
0x47: {  	[tilespmem:$0x2910] =	vst v0  }
0x48: {  	v0 =	vld [tilespmem:s23+$0x20];
	_ =	sdelay $0x4  }
0x49: {  	v0 =	vshrl.u32 v0, $0x10  }
0x4a: {  	[tilespmem:$0x2920] =	vst v0  }
0x4b: {  	v0 =	vld [tilespmem:s23+$0x30];
	_ =	sdelay $0x4  }
0x4c: {  	v0 =	vshrl.u32 v0, $0x10  }
0x4d: {  	[tilespmem:$0x2930] =	vst v0  }
0x4e: {  	v0 =	vld [tilespmem:s23+$0x40];
	_ =	sdelay $0x4  }
0x4f: {  	v0 =	vshrl.u32 v0, $0x10  }
0x50: {  	[tilespmem:$0x2940] =	vst v0  }
0x51: {  	v0 =	vld [tilespmem:s23+$0x50];
	_ =	sdelay $0x4  }
0x52: {  	v0 =	vshrl.u32 v0, $0x10  }
0x53: {  	[tilespmem:$0x2950] =	vst v0  }
0x54: {  	v0 =	vld [tilespmem:s23+$0x60];
	_ =	sdelay $0x4  }
0x55: {  	v0 =	vshrl.u32 v0, $0x10  }
0x56: {  	[tilespmem:$0x2960] =	vst v0  }
0x57: {  	v0 =	vld [tilespmem:s23+$0x70];
	_ =	sdelay $0x4  }
0x58: {  	v0 =	vshrl.u32 v0, $0x10  }
0x59: {  	[tilespmem:$0x2970] =	vst v0  }
0x5a: {  	[spmem:s2] =	stream.indirect.scatter.add.f32 [tilespmem:s11], [sflag:$0x2], $0x80, s17, s9, $0xb8;
	[tilespmem:$0x1E600] =	vst v63  }
0x5b: {  	_ =	swait.ge [sflag:s16], $0x4000  }
0x5c: {  	[sflag:s16] =	ssyncset.done $0x0  }
0x5d: {  	[sflag:s16] =	ssyncadd.s32 $0xFFFFC000  }
0x5e: {  	v63 =	vld [tilespmem:s23+$0x80];
	_ =	sdelay $0x4  }
0x5f: {  	v0 =	vshrl.u32 v63, $0x10  }
0x60: {  	[tilespmem:$0x2980] =	vst v0  }
0x61: {  	v0 =	vld [tilespmem:s23+$0x90];
	_ =	sdelay $0x4  }
0x62: {  	v0 =	vshrl.u32 v0, $0x10  }
0x63: {  	[tilespmem:$0x2990] =	vst v0  }
0x64: {  	v0 =	vld [tilespmem:s23+$0xA0];
	_ =	sdelay $0x4  }
0x65: {  	v0 =	vshrl.u32 v0, $0x10  }
0x66: {  	[tilespmem:$0x29A0] =	vst v0  }
0x67: {  	v0 =	vld [tilespmem:s23+$0xB0];
	_ =	sdelay $0x4  }
0x68: {  	v0 =	vshrl.u32 v0, $0x10  }
0x69: {  	[tilespmem:$0x29B0] =	vst v0  }
0x6a: {  	v0 =	vld [tilespmem:s23+$0xC0];
	_ =	sdelay $0x4  }
0x6b: {  	v0 =	vshrl.u32 v0, $0x10  }
0x6c: {  	[tilespmem:$0x29C0] =	vst v0  }
0x6d: {  	v0 =	vld [tilespmem:s23+$0xD0];
	_ =	sdelay $0x4  }
0x6e: {  	v0 =	vshrl.u32 v0, $0x10  }
0x6f: {  	[tilespmem:$0x29D0] =	vst v0  }
0x70: {  	v0 =	vld [tilespmem:s23+$0xE0];
	_ =	sdelay $0x4  }
0x71: {  	v0 =	vshrl.u32 v0, $0x10  }
0x72: {  	[tilespmem:$0x29E0] =	vst v0  }
0x73: {  	v0 =	vld [tilespmem:s23+$0xF0];
	_ =	sdelay $0x4  }
0x74: {  	p0 =	seq.s32 s22, $0x9C00;
	v0 =	vshrl.u32 v0, $0x10  }
.Ltmp2:
0x75: {  	[tilespmem:$0x29F0] =	vst v0;
	(pc) =	sbr.rel @p0 .LBB2_4-.Ltmp2, $4  }
0x76: {  	[spmem:s2] =	stream.indirect.scatter.add.f32 [tilespmem:s13], [sflag:$0x2], $0x80, s18, s9, $0xb8;
	[tilespmem:$0x1E600] =	vst v63  }
0x77: {  	_ =	swait.ge [sflag:s19], $0x4000  }
0x78: {  	[sflag:s19] =	ssyncset.done $0x0  }
0x79: {  	[sflag:s19] =	ssyncadd.s32 $0xFFFFC000  }
0x7a: {  	v0 =	vld [tilespmem:s23+$0x100];
	_ =	sdelay $0x4  }
0x7b: {  	v0 =	vand.u32 $0xFFFF, v0  }
0x7c: {  	[tilespmem:$0x2800] =	vst v0  }
0x7d: {  	v0 =	vld [tilespmem:s23+$0x110];
	_ =	sdelay $0x4  }
0x7e: {  	v0 =	vand.u32 $0xFFFF, v0  }
0x7f: {  	[tilespmem:$0x2810] =	vst v0  }
0x80: {  	v0 =	vld [tilespmem:s23+$0x120];
	_ =	sdelay $0x4  }
0x81: {  	v0 =	vand.u32 $0xFFFF, v0  }
0x82: {  	[tilespmem:$0x2820] =	vst v0  }
0x83: {  	v0 =	vld [tilespmem:s23+$0x130];
	_ =	sdelay $0x4  }
0x84: {  	v0 =	vand.u32 $0xFFFF, v0  }
0x85: {  	[tilespmem:$0x2830] =	vst v0  }
0x86: {  	v0 =	vld [tilespmem:s23+$0x140];
	_ =	sdelay $0x4  }
0x87: {  	v0 =	vand.u32 $0xFFFF, v0  }
0x88: {  	[tilespmem:$0x2840] =	vst v0  }
0x89: {  	v0 =	vld [tilespmem:s23+$0x150];
	_ =	sdelay $0x4  }
0x8a: {  	v0 =	vand.u32 $0xFFFF, v0  }
0x8b: {  	[tilespmem:$0x2850] =	vst v0  }
0x8c: {  	v0 =	vld [tilespmem:s23+$0x160];
	_ =	sdelay $0x4  }
0x8d: {  	v0 =	vand.u32 $0xFFFF, v0  }
0x8e: {  	[tilespmem:$0x2860] =	vst v0  }
0x8f: {  	v0 =	vld [tilespmem:s23+$0x170];
	_ =	sdelay $0x4  }
0x90: {  	v0 =	vand.u32 $0xFFFF, v0  }
0x91: {  	[tilespmem:$0x2870] =	vst v0  }
0x92: {  	[tilespmem:s11], [sflag:$0x1] =	stream.indirect.gather [hbm4b:s4+s9], $0x80, s10, s9, $0xb8;
	[tilespmem:$0x1E600] =	vst v63  }
0x93: {  	_ =	swait.ge [sflag:s19], $0x4000  }
0x94: {  	[sflag:s19] =	ssyncset.done $0x0  }
0x95: {  	[sflag:s19] =	ssyncadd.s32 $0xFFFFC000  }
0x96: {  	v63 =	vld [tilespmem:s23+$0x180];
	_ =	sdelay $0x4  }
0x97: {  	v0 =	vand.u32 $0xFFFF, v63  }
0x98: {  	[tilespmem:$0x2880] =	vst v0  }
0x99: {  	v0 =	vld [tilespmem:s23+$0x190];
	_ =	sdelay $0x4  }
0x9a: {  	v0 =	vand.u32 $0xFFFF, v0  }
0x9b: {  	[tilespmem:$0x2890] =	vst v0  }
0x9c: {  	v0 =	vld [tilespmem:s23+$0x1A0];
	_ =	sdelay $0x4  }
0x9d: {  	v0 =	vand.u32 $0xFFFF, v0  }
0x9e: {  	[tilespmem:$0x28A0] =	vst v0  }
0x9f: {  	v0 =	vld [tilespmem:s23+$0x1B0];
	_ =	sdelay $0x4  }
0xa0: {  	v0 =	vand.u32 $0xFFFF, v0  }
0xa1: {  	[tilespmem:$0x28B0] =	vst v0  }
0xa2: {  	v0 =	vld [tilespmem:s23+$0x1C0];
	_ =	sdelay $0x4  }
0xa3: {  	v0 =	vand.u32 $0xFFFF, v0  }
0xa4: {  	[tilespmem:$0x28C0] =	vst v0  }
0xa5: {  	v0 =	vld [tilespmem:s23+$0x1D0];
	_ =	sdelay $0x4  }
0xa6: {  	v0 =	vand.u32 $0xFFFF, v0  }
0xa7: {  	[tilespmem:$0x28D0] =	vst v0  }
0xa8: {  	v0 =	vld [tilespmem:s23+$0x1E0];
	_ =	sdelay $0x4  }
0xa9: {  	v0 =	vand.u32 $0xFFFF, v0  }
0xaa: {  	[tilespmem:$0x28E0] =	vst v0  }
0xab: {  	v0 =	vld [tilespmem:s23+$0x1F0];
	_ =	sdelay $0x2  }
.Ltmp3:
0xac: {  	_ = 	snop;
	(pc) =	sbr.rel .LBB2_2-.Ltmp3, $4  }
0xad: {  	_ = 	snop  }
0xae: {  	v0 =	vand.u32 $0xFFFF, v0  }
0xaf: {  	s22 =	sadd.s32 $0x400, s22;
	[tilespmem:$0x28F0] =	vst v0  }
0xb0: {  	[tilespmem:s13], [sflag:$0x1] =	stream.indirect.gather [hbm4b:s4+s9], $0x80, s12, s9, $0xb8;
	[tilespmem:$0x1E600] =	vst v63  }
.LBB2_5:
0xb1: {  	_ =	sfence.sel $0x180000  }
0xb2: {  	[bflag:$0x0] =	sbarrier.arrive $0xFFFF  }
0xb3: {  	p0 =	sne.s32 s0, $0x0;
	_ =	strace $0x9000004D  }
0xb4: {  	s0 =	sadd.s32 @!p0 $0x100000, s1;
	[bflag:$0x2] =	sbarrier.arrive $0xFFFF  }
0xb5: {  	[sflag:s0] =	ssyncadd.tile.s32 @!p0 $0x1;
	_ =	shalt  }
.Lfunc_end2:
_tile_overlayer_lowered:
.L_overlay_start_2:
0xb6: {  	(tag) =	ssettag $0x2  }
0xb7: {  	s0 =	rddreg [dreg:$0x0];
	s2 =	stileid.u32  }
0xb8: {  	s1 =	rddreg [dreg:$0x1];
	p0 =	sne.s32 s2, $0x0  }
0xb9: {  	s3 =	rddreg [dreg:$0x2];
	[bflag:$0x3] =	sbarrier.arrive $0xFFFF;
	s2 =	simm.s32 @!p0 $0x1C03  }
0xba: {  	[timem:s3], [sflag:s2] =	dma.local @!p0 [hbm:s0], s1  }
0xbb: {  	s0 =	simm.s32 @!p0 $0x3  }
0xbc: {  	_ =	swait.ge @!p0 [sflag:s0], s1  }
0xbd: {  	s1 =	ssub.s32 @!p0 $0x0, s1;
	[sflag:s0] =	ssyncset.done @!p0 $0x0  }
0xbe: {  	[sflag:s0] =	ssyncadd.s32 @!p0 s1  }
0xbf: {  	[bflag:$0x3] =	sbarrier.arrive $0xFFFF  }
0xc0: {  	_ =	shalt  }

// kernel: kernel.8.cloned.1.call-start
scs
__scs_entry_jumppad:
0x0: {  	(pc) =	sbr.rel $0x88, $3  }
0x1: {  	(tag) =	ssettag $0x0;
	lr =	simm.s32 $0x1  }
0x2: {  	[smem:$0x3F8F] =	sst lr;
	_ =	strace $0xD0000000  }
0x3: {  	_ = 	snop  }
0x4: {  	_ = 	snop  }
0x5: {  	_ = 	snop  }
0x6: {  	_ = 	snop  }
0x7: {  	_ = 	snop  }
__scs_overlays_trampoline_lowered:
0x8: {  	[smem:$0x3F9E] =	sst s0  }
0x9: {  	[smem:$0x3F9F] =	sst s1  }
0xa: {  	[smem:$0x3FA0] =	sst s2  }
0xb: {  	[smem:$0x3FA1] =	sst s3  }
0xc: {  	[smem:$0x3FA2] =	sst s4  }
0xd: {  	[smem:$0x3FA3] =	sst s5  }
0xe: {  	[smem:$0x3FA4] =	sst s6  }
0xf: {  	[smem:$0x3FA5] =	sst s7  }
0x10: {  	[smem:$0x3FA6] =	sst s8  }
0x11: {  	[smem:$0x3FA7] =	sst s9;
	s0 =	simm.s32 @!p0 $0x0  }
0x12: {  	s1 =	sld [smem:$0x3F8D];
	s0 =	simm.s32 @p0 $0x1  }
0x13: {  	[smem:$0x3FA8] =	sst s0;
	s0 =	simm.s32 @!p1 $0x0  }
0x14: {  	s2 =	sld [smem:$0x3F8C];
	s0 =	simm.s32 @p1 $0x1  }
0x15: {  	[smem:$0x3FA9] =	sst s0;
	s0 =	simm.s32 @!p2 $0x0  }
0x16: {  	s3 =	sld [smem:$0x3FDB];
	s0 =	simm.s32 @p2 $0x1  }
0x17: {  	s4 =	simm.s32 $0x1BF5;
	[smem:$0x3FAB] =	sst s0  }
0x18: {  	s0 =	sld [smem:$0x3F8E];
	_ =	swait.ge [sflag:s4], $0x0  }
0x19: {  	s7 =	sld [smem:$0x3F8F]  }
0x1a: {  	s8 =	sadd.s32 $0xFFFFE003, lr  }
0x1b: {  	s9 =	sadd.s32 $0xFFFFFEF7, lr;
	s5 =	simm.s32 $0xFFFFFFFF;
	p2 =	slt.u32 s8, $0xFFFFF086  }
0x1c: {  	p1 =	slt.u32 s9, $0xF7A;
	s5 =	simm.s32 @!p2 $0x0  }
0x1d: {  	s5 =	simm.s32 @p1 $0x1;
	p0 =	seq.s32 s7, s2  }
0x1e: {  	s7 =	smul.u32 @!p0 $0xF7A, s2;
	p2 =	seq.s32 @!p0 s5, $0x0  }
0x1f: {  	s9 =	smul.u32 $0xF7A, s1;
	s8 =	simm.s32 @!p0 $0x1BF5;
	p2 =	por !p2, p0  }
0x20: {  	[sflag:s8] =	ssyncset.s32 @!p0 $0xFFFFF086;
	s6 =	sadd.s32 @!p0 s3, s7;
	s7 =	simm.s32 @!p0 $0x108  }
0x21: {  	s3 =	sadd.s32 s3, s9;
	s6 =	sadd.s32 @!p0 $0x88, s6;
	s7 =	simm.s32 @p2 $0x1082  }
0x22: {  	[simem:s7], [sflag:s8] =	dma.local @!p0 [hbm:s6], $0xF7A  }
0x23: {  	s9 =	sor.u32 $0xD0000000, s2;
	s6 =	simm.s32 $0x108;
	_ =	swait.ge @!p0 [sflag:s8], $0x0  }
0x24: {  	s3 =	sadd.s32 $0x88, s3;
	s6 =	simm.s32 @!p1 $0x1082;
	[sflag:s4] =	ssyncset.s32 $0xFFFFF086  }
0x25: {  	[simem:s6], [sflag:s4] =	dma.local [hbm:s3], $0xF7A  }
0x26: {  	[smem:$0x3F8F] =	sst s1;
	(tag) =	ssettag s2;
	_ =	strace s9  }
0x27: {  	s1 =	sld [smem:$0x3F9F]  }
0x28: {  	s2 =	sld [smem:$0x3FA0]  }
0x29: {  	s4 =	sld [smem:$0x3FA2]  }
0x2a: {  	p0 =	seq.s32 s5, $0x0;
	s5 =	sld [smem:$0x3FA3]  }
0x2b: {  	s6 =	sld [smem:$0x3FA4]  }
0x2c: {  	s7 =	sld [smem:$0x3FA5]  }
0x2d: {  	s3 =	simm.s32 $0x108;
	s8 =	sld [smem:$0x3FA6]  }
0x2e: {  	s3 =	simm.s32 @!p0 $0x1082;
	s9 =	sld [smem:$0x3FA7]  }
0x2f: {  	lr =	sadd.s32 s0, s3;
	s0 =	sld [smem:$0x3F9E]  }
0x30: {  	s3 =	sld [smem:$0x3FA1]  }
0x31: {  	[smem:$0x3FAA] =	sst s10  }
0x32: {  	s10 =	sld [smem:$0x3FA8];
	_ =	sdelay $0x3  }
0x33: {  	p0 =	seq.s32 s10, $0x1;
	s10 =	sld [smem:$0x3FAA];
	_ =	sdelay $0x3  }
0x34: {  	[smem:$0x3FAA] =	sst s10  }
0x35: {  	s10 =	sld [smem:$0x3FA9];
	_ =	sdelay $0x3  }
0x36: {  	p1 =	seq.s32 s10, $0x1;
	s10 =	sld [smem:$0x3FAA];
	_ =	sdelay $0x3  }
0x37: {  	[smem:$0x3FAA] =	sst s10  }
0x38: {  	s10 =	sld [smem:$0x3FAB]  }
0x39: {  	_ = 	snop;
	(pc) =	sbr.ind lr, $3  }
0x3a: {  	_ = 	snop  }
0x3b: {  	_ = 	snop  }
0x3c: {  	p2 =	seq.s32 s10, $0x1;
	s10 =	sld [smem:$0x3FAA]  }
0x3d: {  	_ =	shalt  }
0x3e: {  	_ =	shalt  }
0x3f: {  	_ =	shalt  }
0x40: {  	_ =	shalt  }
0x41: {  	_ =	shalt  }
0x42: {  	_ =	shalt  }
0x43: {  	_ =	shalt  }
0x44: {  	_ =	shalt  }
0x45: {  	_ =	shalt  }
0x46: {  	_ =	shalt  }
0x47: {  	_ =	shalt  }
0x48: {  	_ =	shalt  }
0x49: {  	_ =	shalt  }
0x4a: {  	_ =	shalt  }
0x4b: {  	_ =	shalt  }
0x4c: {  	_ =	shalt  }
0x4d: {  	_ =	shalt  }
0x4e: {  	_ =	shalt  }
0x4f: {  	_ =	shalt  }
0x50: {  	_ =	shalt  }
0x51: {  	_ =	shalt  }
0x52: {  	_ =	shalt  }
0x53: {  	_ =	shalt  }
0x54: {  	_ =	shalt  }
0x55: {  	_ =	shalt  }
0x56: {  	_ =	shalt  }
0x57: {  	_ =	shalt  }
0x58: {  	_ =	shalt  }
0x59: {  	_ =	shalt  }
0x5a: {  	_ =	shalt  }
0x5b: {  	_ =	shalt  }
0x5c: {  	_ =	shalt  }
0x5d: {  	_ =	shalt  }
0x5e: {  	_ =	shalt  }
0x5f: {  	_ =	shalt  }
0x60: {  	_ =	shalt  }
0x61: {  	_ =	shalt  }
0x62: {  	_ =	shalt  }
0x63: {  	_ =	shalt  }
0x64: {  	_ =	shalt  }
0x65: {  	_ =	shalt  }
0x66: {  	_ =	shalt  }
0x67: {  	_ =	shalt  }
0x68: {  	_ =	shalt  }
0x69: {  	_ =	shalt  }
0x6a: {  	_ =	shalt  }
0x6b: {  	_ =	shalt  }
0x6c: {  	_ =	shalt  }
0x6d: {  	_ =	shalt  }
0x6e: {  	_ =	shalt  }
0x6f: {  	_ =	shalt  }
0x70: {  	_ =	shalt  }
0x71: {  	_ =	shalt  }
0x72: {  	_ =	shalt  }
0x73: {  	_ =	shalt  }
0x74: {  	_ =	shalt  }
0x75: {  	_ =	shalt  }
0x76: {  	_ =	shalt  }
0x77: {  	_ =	shalt  }
0x78: {  	_ =	shalt  }
0x79: {  	_ =	shalt  }
0x7a: {  	_ =	shalt  }
0x7b: {  	_ =	shalt  }
0x7c: {  	_ =	shalt  }
0x7d: {  	_ =	shalt  }
0x7e: {  	_ =	shalt  }
0x7f: {  	_ =	shalt  }
0x80: {  	_ =	shalt  }
0x81: {  	_ =	shalt  }
0x82: {  	_ =	shalt  }
0x83: {  	_ =	shalt  }
0x84: {  	_ =	shalt  }
0x85: {  	_ =	shalt  }
0x86: {  	_ =	shalt  }
0x87: {  	_ =	shalt  }
.Lfunc_end0:
.L_simem_size_0:
called_computation_lowered:
.L_overlay_start_0:
0x88: {  	s2 =	sld [smem:$0x3FD9]  }
0x89: {  	s3 =	sld [smem:$0x3FFE];
	_ =	sdelay $0x1  }
0x8a: {  	s1 =	srdreg.scid  }
0x8b: {  	s0 =	sand.u32 $0x1, s1  }
0x8c: {  	s17 =	sshll.u32 s0, $0xA;
	s2 =	sadd.s32 s3, s2  }
0x8d: {  	s2 =	sadd.s32 s2, s17  }
0x8e: {  	[smem:$0x3FB6] =	sst s2  }
0x8f: {  	_ = 	snop  }
0x90: {  	s2 =	sld [smem:$0x3FD0];
	(tm) =	ssettm $0x1  }
0x91: {  	s18 =	sld [smem:$0x3FFB];
	_ =	sdelay $0x3  }
0x92: {  	_ =	strace s18  }
0x93: {  	s3 =	sld [smem:$0x3FFC];
	_ =	sdelay $0x3  }
0x94: {  	_ =	strace s3  }
0x95: {  	s3 =	sld [smem:$0x3FFD];
	_ =	sdelay $0x3  }
0x96: {  	_ =	strace s3  }
0x97: {  	_ =	strace $0x8FFFFFFF  }
0x98: {  	s19 =	sld [smem:$0x3FDB];
	_ =	sdelay $0x1  }
0x99: {  	s4 =	simm.s32 $_scs_section_size  }
0x9a: {  	s5 =	simm.s32 $_size__tile_overlayer_lowered;
	s6 =	simm.s32 $_tile_overlayer_lowered  }
0x9b: {  	s22 =	simm.s32 $0x1BFF;
	s21 =	sshll.u32 s6, $0x1;
	s3 =	sadd.s32 s4, s19  }
0x9c: {  	s7 =	simm.s32 $0x0;
	s20 =	sshll.u32 s5, $0x1;
	s5 =	sadd.s32 s21, s3  }
0x9d: {  	[timem:s7], [sflag:s22] =	dma.local [hbm:s5], s20  }
0x9e: {  	_ =	swait.ge [sflag:s22], s20  }
0x9f: {  	s4 =	ssub.s32 $0x0, s20;
	[sflag:s22] =	ssyncset.done $0x0  }
0xa0: {  	[sflag:s22] =	ssyncadd.s32 s4;
	_ =	sdelay $0x1  }
0xa1: {  	s23 =	simm.s32 $0x1B8B  }
0xa2: {  	_ =	swait.ge [sflag:s23], $0x1  }
0xa3: {  	[sflag:s23] =	ssyncset.done $0x0  }
0xa4: {  	s25 =	simm.s32 $0x1B8E;
	s24 =	sld [smem:$0x3FFE];
	[sflag:s23] =	ssyncadd.s32 $0xFFFFFFFF  }
0xa5: {  	s26 =	simm.s32 $execute0_lowered;
	[smem:$0x3FD2] =	sst s25  }
0xa6: {  	s5 =	sshll.u32 s26, $0x1;
	_ =	strace $0x80000046;
	[dreg:$0x1] =	wrdreg $0xFFFFFFFF  }
0xa7: {  	s28 =	simm.s32 $_size_execute0_lowered;
	s3 =	sadd.s32 s3, s5;
	[dreg:$0x0] =	wrdreg $0x0  }
0xa8: {  	s5 =	sshll.u32 s28, $0x1;
	[dreg:$0x2] =	wrdreg s3  }
0xa9: {  	[dreg:$0x3] =	wrdreg s5  }
0xaa: {  	[dreg:$0x4] =	wrdreg $0xC0  }
0xab: {  	_ =	task [dreg:s7], $0x5FFFF  }
0xac: {  	[dreg:$0x1] =	wrdreg $0xFFFFFFFF  }
0xad: {  	[dreg:$0x0] =	wrdreg $0x60  }
0xae: {  	[dreg:$0x2] =	wrdreg s24  }
0xaf: {  	[dreg:$0x3] =	wrdreg s2  }
0xb0: {  	[dreg:$0x4] =	wrdreg $0x28800  }
0xb1: {  	[dreg:$0x5] =	wrdreg $0x9  }
0xb2: {  	_ =	task.clear_ibuf [dreg:s7], $0x6FFFF;
	_ =	strace $0x90000046  }
0xb3: {  	s29 =	simm.s32 $0x9;
	_ =	strace $0x80000048  }
0xb4: {  	_ =	swait.ge [sflag:s29], $0x1  }
0xb5: {  	[sflag:s29] =	ssyncadd.s32 $0xFFFFFFFF  }
0xb6: {  	_ =	strace $0x90000048  }
0xb7: {  	_ =	sfence  }
0xb8: {  	s30 =	sld [smem:$0x0];
	_ =	sdelay $0x2  }
0xb9: {  	s31 =	sshll.u32 s1, $0xD;
	s1 =	sshrl.u32 s1, $0x2  }
0xba: {  	s3 =	sand.u32 $0x4000, s31;
	s1 =	sadd.s32 s1, s30  }
0xbb: {  	s0 =	sor.u32 s3, s0;
	s1 =	sshll.u32 s1, $0x11  }
0xbc: {  	s0 =	sor.u32 s1, s0  }
0xbd: {  	s0 =	sadd.s32 $0x8F2B, s0  }
0xbe: {  	[sflag:s0] =	ssyncadd.remote.s32 $0x1  }
0xbf: {  	_ =	sfence.sel $0xFFFF  }
0xc0: {  	[dreg:$0x0] =	wrdreg $0xFFFFFFFF;
	(pc) =	sbr.abs _section_cstart, $3  }
0xc1: {  	[dreg:$0x1] =	wrdreg $0xFFFFFFFF  }
0xc2: {  	_ =	task.clear_ibuf [dreg:s7], $0x2FFFF;
	_ =	strace $0x9FFFFFFF  }
0xc3: {  	(tm) =	ssettm $0x7FFFFFFF  }
tec
execute0_lowered:
.L_overlay_start_1:
0x0: {  	(tag) =	ssettag $0x1  }
0x1: {  	s5 =	rddreg [dreg:$0x0]  }
0x2: {  	s0 =	srdreg.scid;
	s1 =	rddreg [dreg:$0x1]  }
0x3: {  	s2 =	rddreg [dreg:$0x2];
	s7 =	stileid.u32;
	s3 =	simm.s32 $0x0  }
0x4: {  	s11 =	simm.s32 $0x0;
	s6 =	sand.u32 $0x1, s0;
	s0 =	rddreg [dreg:$0x3]  }
0x5: {  	[smem:$0x7FF] =	sst s3;
	p0 =	sne.s32 s7, $0x0;
	s8 =	sshll.u32 s6, $0x4  }
0x6: {  	_ =	strace $0x80000047;
	s6 =	ssub.s32 $0x2, s6;
	s4 =	sor.u32 s7, s8  }
0x7: {  	s8 =	sadd.s32 s8, s5;
	s31 =	sshrl.u32 s6, $0x1;
	s9 =	smul.u32 $0x500, s4  }
0x8: {  	s4 =	sadd.s32 $0xD600, s5;
	s10 =	ssub.s32 s6, s31;
	s6 =	sadd.s32 $0xDC00, s8  }
0x9: {  	s8 =	sshrl.u32 @!p0 s2, $0x3;
	s7 =	smax.u32 s10, $0x1;
	s9 =	sadd.s32 s9, s5  }
0xa: {  	s10 =	simm.s32 $0x80;
	s5 =	sadd.s32 $0x3600, s9;
	s9 =	simm.s32 $0x1  }
.LBB2_1:
0xb: {  	s12 =	simm.s32 @!p0 $0x1C01  }
0xc: {  	[spmem:s8], [sflag:s12] =	dma.local @!p0 [hbm:s4], $0x500  }
0xd: {  	s12 =	simm.s32 @!p0 $0x1  }
0xe: {  	_ =	swait.ge @!p0 [sflag:s12], $0x500  }
0xf: {  	[sflag:s12] =	ssyncset.done @!p0 $0x0  }
0x10: {  	[sflag:s12] =	ssyncadd.s32 @!p0 $0xFFFFFB00  }
0x11: {  	[tilespmem:s3], [sflag:$0x1] =	stream.linear.gather [hbm4b:s1+s3], $0x80, $0x38;
	[tilespmem:$0x2B00] =	vst v63  }
0x12: {  	_ =	swait.ge [sflag:s9], $0x80  }
0x13: {  	[sflag:s9] =	ssyncset.done $0x0  }
0x14: {  	[sflag:s9] =	ssyncadd.s32 $0xFFFFFF80  }
0x15: {  	[tilespmem:s10], [sflag:$0x1] =	stream.linear.gather [hbm4b:s5+s3], $0x2800, $0x38;
	[tilespmem:$0x2B00] =	vst v63  }
0x16: {  	_ =	swait.ge [sflag:s9], $0x2800  }
0x17: {  	[sflag:s9] =	ssyncset.done $0x0  }
0x18: {  	[sflag:s9] =	ssyncadd.s32 $0xFFFFD800  }
0x19: {  	s31 =	simm.s32 $0x80;
	[bflag:$0x0] =	sbarrier.arrive $0xFFFF  }
0x1a: {  	[spmem:s2] =	stream.indirect.scatter.add.f32 [tilespmem:s3], [sflag:$0x1], $0x1, s31, s10, $0xb8;
	[tilespmem:$0x2B00] =	vst v63  }
0x1b: {  	s12 =	simm.s32 $0x200;
	_ =	swait.ge [sflag:s9], $0x80  }
.LBB2_2:
0x1c: {  	s13 =	sshra.s32 s12, $0x2;
	[sflag:s9] =	ssyncset.done $0x0;
	p1 =	sne.s32 s12, $0x9E00  }
.Ltmp0:
0x1d: {  	s13 =	sadd.s32 $0x80, s13;
	[sflag:s9] =	ssyncadd.s32 $0xFFFFFF80;
	(pc) =	sbr.rel @p1 .LBB2_2-.Ltmp0, $3  }
0x1e: {  	[spmem:s2] =	stream.indirect.scatter.add.f32 [tilespmem:s3], [sflag:$0x1], $0x1, s13, s10, $0xb8;
	[tilespmem:$0x2B00] =	vst v63  }
0x1f: {  	s12 =	sadd.s32 $0x200, s12;
	_ =	sdelay $0x1  }
0x20: {  	_ =	swait.ge [sflag:s9], $0x80  }
0x21: {  	[sflag:s9] =	ssyncset.done $0x0  }
0x22: {  	s12 =	simm.s32 @!p0 $0x1;
	s13 =	simm.s32 @!p0 $0x20;
	s11 =	sadd.s32 $0x1, s11  }
0x23: {  	s14 =	simm.s32 @!p0 $0x10;
	[sflag:s9] =	ssyncadd.s32 $0xFFFFFF80;
	p1 =	sne.s32 s11, s7  }
.Ltmp1:
0x24: {  	s15 =	simm.s32 @!p0 $0x1C01;
	[bflag:$0x0] =	sbarrier.arrive $0xFFFF;
	(pc) =	sbr.rel @p1 .LBB2_1-.Ltmp1, $4  }
0x25: {  	[hbm:s6@s13], [sflag:s15] =	dma.strided @!p0 [spmem:s8@s14], $0x500, s12, $0x10   }
0x26: {  	_ =	swait.ge @!p0 [sflag:s12], $0x500  }
0x27: {  	[sflag:s12] =	ssyncset.done @!p0 $0x0  }
0x28: {  	[sflag:s12] =	ssyncadd.s32 @!p0 $0xFFFFFB00  }
0x29: {  	_ =	sfence.sel $0x180000  }
0x2a: {  	[bflag:$0x0] =	sbarrier.arrive $0xFFFF  }
0x2b: {  	_ =	strace $0x90000047  }
0x2c: {  	s0 =	sadd.s32 @!p0 $0x100000, s0;
	[bflag:$0x2] =	sbarrier.arrive $0xFFFF  }
0x2d: {  	[sflag:s0] =	ssyncadd.tile.s32 @!p0 $0x1;
	_ =	shalt  }
.Lfunc_end2:
_tile_overlayer_lowered:
.L_overlay_start_2:
0x2e: {  	(tag) =	ssettag $0x2  }
0x2f: {  	s0 =	rddreg [dreg:$0x0];
	s2 =	stileid.u32  }
0x30: {  	s1 =	rddreg [dreg:$0x1];
	p0 =	sne.s32 s2, $0x0  }
0x31: {  	s3 =	rddreg [dreg:$0x2];
	[bflag:$0x3] =	sbarrier.arrive $0xFFFF;
	s2 =	simm.s32 @!p0 $0x1C01  }
0x32: {  	[timem:s3], [sflag:s2] =	dma.local @!p0 [hbm:s0], s1  }
0x33: {  	s0 =	simm.s32 @!p0 $0x1  }
0x34: {  	_ =	swait.ge @!p0 [sflag:s0], s1  }
0x35: {  	s1 =	ssub.s32 @!p0 $0x0, s1;
	[sflag:s0] =	ssyncset.done @!p0 $0x0  }
0x36: {  	[sflag:s0] =	ssyncadd.s32 @!p0 s1  }
0x37: {  	[bflag:$0x3] =	sbarrier.arrive $0xFFFF  }
0x38: {  	_ =	shalt  }

</sc_bundles>
